<compile_context>
chip_gen: v7x
topology: tpu7x:2x2x1
jax: 0.10.2.dev20260603
libtpu: 0.0.44.dev20260713+nightly
codegen_flags: <defaults>
</compile_context>

<pallas_src>
import functools

import jax
import jax.numpy as jnp
from jax import lax
from jax.experimental import pallas as pl
from jax.experimental.pallas import tpu as pltpu
from jax.experimental.pallas import tpu_sc as plsc

L = 16
NC = 2
NS = 16
NW = NC * NS
V = 10

B, SEQ = 16384, 200
COLS_W = B // NW
RCHUNK = 24
SEQ_SC = 120
NCHUNK = SEQ_SC // RCHUNK
VROW = COLS_W // L
PAIRS = VROW // 2


@functools.partial(
    pl.kernel,
    out_type=jax.ShapeDtypeStruct((NW, L), jnp.float32),
    mesh=plsc.VectorSubcoreMesh(core_axis_name="c", subcore_axis_name="s"),
    compiler_params=pltpu.CompilerParams(needs_layout_passes=False),
    scratch_types=[
        pltpu.VMEM((RCHUNK, COLS_W), jnp.int32),
        pltpu.VMEM((RCHUNK, COLS_W), jnp.int32),
        pltpu.VMEM((V, V), jnp.float32),
        pltpu.VMEM((V, V), jnp.float32),
        pltpu.VMEM((L * L,), jnp.float32),
        pltpu.VMEM((1, L), jnp.float32),
        pltpu.SemaphoreType.DMA,
        pltpu.SemaphoreType.DMA,
    ],
)
def _sc_sum(xt_hbm, ea_hbm, eb_hbm, out_hbm,
            buf0, buf1, tab_a, tab_b, pair, acc_ref, sem0, sem1):
    cid = lax.axis_index("c")
    sid = lax.axis_index("s")
    wid = sid * NC + cid
    col0 = wid * COLS_W

    pltpu.sync_copy(ea_hbm, tab_a)
    pltpu.sync_copy(eb_hbm, tab_b)
    rows = lax.iota(jnp.int32, L)
    keep = rows < V
    zeros = jnp.zeros((L,), jnp.float32)
    s = zeros
    for k in range(V):
        col = jnp.full((L,), k, jnp.int32)
        s = s + plsc.load_gather(tab_a, [rows, col], mask=keep)
        s = s + plsc.load_gather(tab_b, [rows, col], mask=keep)
    s = jnp.where(keep, s, zeros)

    for a in range(V):
        pair[pl.ds(a * L, L)] = s[a] + s

    bufs = (buf0, buf1)
    sems = (sem0, sem1)

    def dma(c, buf, sem):
        return pltpu.make_async_copy(
            xt_hbm.at[pl.ds(c * RCHUNK, RCHUNK), pl.ds(col0, COLS_W)],
            buf, sem)

    dma(0, buf0, sem0).start()
    acc = zeros
    for c in range(NCHUNK):
        buf, sem = bufs[c % 2], sems[c % 2]
        if c + 1 < NCHUNK:
            dma(c + 1, bufs[(c + 1) % 2], sems[(c + 1) % 2]).start()
        dma(c, buf, sem).wait()

        def body(r, a, buf=buf):
            for j in range(PAIRS):
                ia = buf[r, pl.ds(2 * j * L, L)]
                ib = buf[r, pl.ds((2 * j + 1) * L, L)]
                a = a + plsc.load_gather(pair, [ia * L + ib])
            return a

        acc = lax.fori_loop(0, RCHUNK, body, acc)

    acc_ref[0, :] = acc
    pltpu.sync_copy(acc_ref, out_hbm.at[pl.ds(wid, 1)])


TC_ROWS = 40
TC_BR2 = (SEQ - SEQ_SC) // TC_ROWS
TC_COLS = B // 8


def _tc_body(x_ref, ea_ref, eb_ref, out_ref, s_ref, vacc_ref):
    r = pl.program_id(0)
    c = pl.program_id(1)

    @pl.when((r == 0) & (c == 0))
    def _init():
        vacc_ref[...] = jnp.zeros((8, 128), jnp.float32)
        for v in range(V):
            sv = ea_ref[v, 0] + eb_ref[v, 0]
            for k in range(1, V):
                sv = sv + ea_ref[v, k] + eb_ref[v, k]
            s_ref[v] = sv

    xb = x_ref[...]
    val = jnp.full(xb.shape, s_ref[V - 1], jnp.float32)
    for v in range(V - 2, -1, -1):
        val = jnp.where(xb == v, s_ref[v], val)
    acc = vacc_ref[...]
    for i in range(TC_ROWS // 8):
        for k in range(TC_COLS // 128):
            acc = acc + val[i * 8:(i + 1) * 8, k * 128:(k + 1) * 128]
    vacc_ref[...] = acc

    @pl.when((r == TC_BR2 - 1) & (c == 7))
    def _fini():
        out_ref[0, 0] = jnp.sum(vacc_ref[...])


_tc_sum = pl.pallas_call(
    _tc_body,
    grid=(TC_BR2, 8),
    in_specs=[
        pl.BlockSpec((TC_ROWS, TC_COLS),
                     lambda r, c: (SEQ_SC // TC_ROWS + r, c)),
        pl.BlockSpec(memory_space=pltpu.SMEM),
        pl.BlockSpec(memory_space=pltpu.SMEM),
    ],
    out_specs=pl.BlockSpec(memory_space=pltpu.SMEM),
    out_shape=jax.ShapeDtypeStruct((1, 1), jnp.float32),
    scratch_shapes=[pltpu.SMEM((V,), jnp.float32),
                    pltpu.VMEM((8, 128), jnp.float32)],
)


def kernel(x, emb, emb2):
    xt = x.astype(jnp.int32).T
    partials = _sc_sum(xt, emb, emb2)
    tc_part = _tc_sum(xt, emb, emb2)
    return jnp.sum(partials) + tc_part[0, 0]

# --- scband reference (transcript-rebuilt; emitter-appended) ---
"""Pipeline reference for scband-my-model-61933428411825 (READ-ONLY COPY).

The authoritative reference and input builder live on the scoring server;
editing this copy changes nothing except your own understanding.
"""

import jax, jax.numpy as jnp
import numpy as np

def setup_inputs(seed: int = 0) -> dict:
    key = jax.random.key(seed)
    k1, k2, k3 = jax.random.split(key, 3)
    x = jax.random.randint(k1, (16384, 200), 0, 10, dtype=jnp.int64)
    emb = jax.random.normal(k2, (10, 10), dtype=jnp.float32)
    emb2 = jax.random.normal(k3, (10, 10), dtype=jnp.float32)
    return {"x": x, "emb": emb, "emb2": emb2}

def reference(x, emb, emb2):
    out1 = jnp.take(emb, x, axis=0)   # [B, L, 10]
    out2 = jnp.take(emb2, x, axis=0)  # [B, L, 10]
    return out1.sum() + out2.sum()

if __name__ == "__main__":
    import jax
    _d = setup_inputs()
    print(jax.jit(kernel)(*tuple(_d.values())))

</pallas_src>

<mosaic_0001>
#map = affine_map<(d0, d1) -> (0, 0)>
module attributes {stable_mosaic.version = 14 : i64} {
  func.func @_sc_sum(%arg0: i32, %arg1: i32, %arg2: memref<200x16384xi32, #tpu.memory_space<hbm>>, %arg3: memref<10x10xf32, #tpu.memory_space<hbm>>, %arg4: memref<10x10xf32, #tpu.memory_space<hbm>>, %arg5: memref<32x16xf32, #tpu.memory_space<hbm>>, %arg6: memref<24x512xi32, #tpu.memory_space<vmem>>, %arg7: memref<24x512xi32, #tpu.memory_space<vmem>>, %arg8: memref<10x10xf32, #tpu.memory_space<vmem>>, %arg9: memref<10x10xf32, #tpu.memory_space<vmem>>, %arg10: memref<256xf32, #tpu.memory_space<vmem>>, %arg11: memref<1x16xf32, #tpu.memory_space<vmem>>, %arg12: memref<!tpu.dma_semaphore, #tpu.memory_space<semaphore_mem>>, %arg13: memref<!tpu.dma_semaphore, #tpu.memory_space<semaphore_mem>>) attributes {dimension_semantics = [#tpu.dimension_semantics<core_parallel>, #tpu.dimension_semantics<subcore_parallel>], iteration_bounds = array<i64: 2, 16>, scalar_prefetch = 0 : i64, scratch_operands = 8 : i64, tpu.core_type = #tpu.core_type<sc_vector_subcore>, window_params = [{transform_indices = #map}, {transform_indices = #map}, {transform_indices = #map}, {transform_indices = #map}]} {
    %mul3A = arith.constant 2 : i32
    %mul3A_0 = arith.muli %arg1, %mul3A : i32
    %add3A = arith.addi %mul3A_0, %arg0 : i32
    %mul3A_1 = arith.constant 512 : i32
    %mul3A_2 = arith.muli %add3A, %mul3A_1 : i32
    "tpu.region"() ({
      %run_scoped3A = tpu.sem_alloc : memref<!tpu.dma_semaphore, #tpu.memory_space<semaphore_mem>>
      tpu.enqueue_dma source(%arg3 : memref<10x10xf32, #tpu.memory_space<hbm>>) target(%arg8 : memref<10x10xf32, #tpu.memory_space<vmem>>) target_semaphore(%run_scoped3A : memref<!tpu.dma_semaphore, #tpu.memory_space<semaphore_mem>>)
      tpu.wait_dma2 semaphore(%run_scoped3A : memref<!tpu.dma_semaphore, #tpu.memory_space<semaphore_mem>>) src(%arg3 : memref<10x10xf32, #tpu.memory_space<hbm>>) dst(%arg8 : memref<10x10xf32, #tpu.memory_space<vmem>>)
      tpu.yield
    }) : () -> ()
    "tpu.region"() ({
      %run_scoped3A = tpu.sem_alloc : memref<!tpu.dma_semaphore, #tpu.memory_space<semaphore_mem>>
      tpu.enqueue_dma source(%arg4 : memref<10x10xf32, #tpu.memory_space<hbm>>) target(%arg9 : memref<10x10xf32, #tpu.memory_space<vmem>>) target_semaphore(%run_scoped3A : memref<!tpu.dma_semaphore, #tpu.memory_space<semaphore_mem>>)
      tpu.wait_dma2 semaphore(%run_scoped3A : memref<!tpu.dma_semaphore, #tpu.memory_space<semaphore_mem>>) src(%arg4 : memref<10x10xf32, #tpu.memory_space<hbm>>) dst(%arg9 : memref<10x10xf32, #tpu.memory_space<vmem>>)
      tpu.yield
    }) : () -> ()
    %iota3A = tpu.iota {dimensions = array<i32: 0>} : vector<16xi32>
    %lt3A = arith.constant 10 : i32
    %lt3A_3 = vector.broadcast %lt3A : i32 to vector<16xi32>
    %lt3A_4 = arith.cmpi slt, %iota3A, %lt3A_3 : vector<16xi32>
    %broadcast_in_dim3A = arith.constant 0.000000e+00 : f32
    %broadcast_in_dim3A_5 = vector.broadcast %broadcast_in_dim3A : f32 to vector<16xf32>
    %broadcast_in_dim3A_6 = arith.constant 0 : i32
    %broadcast_in_dim3A_7 = vector.broadcast %broadcast_in_dim3A_6 : i32 to vector<16xi32>
    %gather3A = tpu.vector_load_idx %arg8[%iota3A, %broadcast_in_dim3A_7] masked %lt3A_4 : memref<10x10xf32, #tpu.memory_space<vmem>>[vector<16xi32>, vector<16xi32>], vector<16xf32>, vector<16xi1>
    %add3A_8 = arith.addf %broadcast_in_dim3A_5, %gather3A : vector<16xf32>
    %gather3A_9 = tpu.vector_load_idx %arg9[%iota3A, %broadcast_in_dim3A_7] masked %lt3A_4 : memref<10x10xf32, #tpu.memory_space<vmem>>[vector<16xi32>, vector<16xi32>], vector<16xf32>, vector<16xi1>
    %add3A_10 = arith.addf %add3A_8, %gather3A_9 : vector<16xf32>
    %broadcast_in_dim3A_11 = arith.constant 1 : i32
    %broadcast_in_dim3A_12 = vector.broadcast %broadcast_in_dim3A_11 : i32 to vector<16xi32>
    %gather3A_13 = tpu.vector_load_idx %arg8[%iota3A, %broadcast_in_dim3A_12] masked %lt3A_4 : memref<10x10xf32, #tpu.memory_space<vmem>>[vector<16xi32>, vector<16xi32>], vector<16xf32>, vector<16xi1>
    %add3A_14 = arith.addf %add3A_10, %gather3A_13 : vector<16xf32>
    %gather3A_15 = tpu.vector_load_idx %arg9[%iota3A, %broadcast_in_dim3A_12] masked %lt3A_4 : memref<10x10xf32, #tpu.memory_space<vmem>>[vector<16xi32>, vector<16xi32>], vector<16xf32>, vector<16xi1>
    %add3A_16 = arith.addf %add3A_14, %gather3A_15 : vector<16xf32>
    %broadcast_in_dim3A_17 = arith.constant 2 : i32
    %broadcast_in_dim3A_18 = vector.broadcast %broadcast_in_dim3A_17 : i32 to vector<16xi32>
    %gather3A_19 = tpu.vector_load_idx %arg8[%iota3A, %broadcast_in_dim3A_18] masked %lt3A_4 : memref<10x10xf32, #tpu.memory_space<vmem>>[vector<16xi32>, vector<16xi32>], vector<16xf32>, vector<16xi1>
    %add3A_20 = arith.addf %add3A_16, %gather3A_19 : vector<16xf32>
    %gather3A_21 = tpu.vector_load_idx %arg9[%iota3A, %broadcast_in_dim3A_18] masked %lt3A_4 : memref<10x10xf32, #tpu.memory_space<vmem>>[vector<16xi32>, vector<16xi32>], vector<16xf32>, vector<16xi1>
    %add3A_22 = arith.addf %add3A_20, %gather3A_21 : vector<16xf32>
    %broadcast_in_dim3A_23 = arith.constant 3 : i32
    %broadcast_in_dim3A_24 = vector.broadcast %broadcast_in_dim3A_23 : i32 to vector<16xi32>
    %gather3A_25 = tpu.vector_load_idx %arg8[%iota3A, %broadcast_in_dim3A_24] masked %lt3A_4 : memref<10x10xf32, #tpu.memory_space<vmem>>[vector<16xi32>, vector<16xi32>], vector<16xf32>, vector<16xi1>
    %add3A_26 = arith.addf %add3A_22, %gather3A_25 : vector<16xf32>
    %gather3A_27 = tpu.vector_load_idx %arg9[%iota3A, %broadcast_in_dim3A_24] masked %lt3A_4 : memref<10x10xf32, #tpu.memory_space<vmem>>[vector<16xi32>, vector<16xi32>], vector<16xf32>, vector<16xi1>
    %add3A_28 = arith.addf %add3A_26, %gather3A_27 : vector<16xf32>
    %broadcast_in_dim3A_29 = arith.constant 4 : i32
    %broadcast_in_dim3A_30 = vector.broadcast %broadcast_in_dim3A_29 : i32 to vector<16xi32>
    %gather3A_31 = tpu.vector_load_idx %arg8[%iota3A, %broadcast_in_dim3A_30] masked %lt3A_4 : memref<10x10xf32, #tpu.memory_space<vmem>>[vector<16xi32>, vector<16xi32>], vector<16xf32>, vector<16xi1>
    %add3A_32 = arith.addf %add3A_28, %gather3A_31 : vector<16xf32>
    %gather3A_33 = tpu.vector_load_idx %arg9[%iota3A, %broadcast_in_dim3A_30] masked %lt3A_4 : memref<10x10xf32, #tpu.memory_space<vmem>>[vector<16xi32>, vector<16xi32>], vector<16xf32>, vector<16xi1>
    %add3A_34 = arith.addf %add3A_32, %gather3A_33 : vector<16xf32>
    %broadcast_in_dim3A_35 = arith.constant 5 : i32
    %broadcast_in_dim3A_36 = vector.broadcast %broadcast_in_dim3A_35 : i32 to vector<16xi32>
    %gather3A_37 = tpu.vector_load_idx %arg8[%iota3A, %broadcast_in_dim3A_36] masked %lt3A_4 : memref<10x10xf32, #tpu.memory_space<vmem>>[vector<16xi32>, vector<16xi32>], vector<16xf32>, vector<16xi1>
    %add3A_38 = arith.addf %add3A_34, %gather3A_37 : vector<16xf32>
    %gather3A_39 = tpu.vector_load_idx %arg9[%iota3A, %broadcast_in_dim3A_36] masked %lt3A_4 : memref<10x10xf32, #tpu.memory_space<vmem>>[vector<16xi32>, vector<16xi32>], vector<16xf32>, vector<16xi1>
    %add3A_40 = arith.addf %add3A_38, %gather3A_39 : vector<16xf32>
    %broadcast_in_dim3A_41 = arith.constant 6 : i32
    %broadcast_in_dim3A_42 = vector.broadcast %broadcast_in_dim3A_41 : i32 to vector<16xi32>
    %gather3A_43 = tpu.vector_load_idx %arg8[%iota3A, %broadcast_in_dim3A_42] masked %lt3A_4 : memref<10x10xf32, #tpu.memory_space<vmem>>[vector<16xi32>, vector<16xi32>], vector<16xf32>, vector<16xi1>
    %add3A_44 = arith.addf %add3A_40, %gather3A_43 : vector<16xf32>
    %gather3A_45 = tpu.vector_load_idx %arg9[%iota3A, %broadcast_in_dim3A_42] masked %lt3A_4 : memref<10x10xf32, #tpu.memory_space<vmem>>[vector<16xi32>, vector<16xi32>], vector<16xf32>, vector<16xi1>
    %add3A_46 = arith.addf %add3A_44, %gather3A_45 : vector<16xf32>
    %broadcast_in_dim3A_47 = arith.constant 7 : i32
    %broadcast_in_dim3A_48 = vector.broadcast %broadcast_in_dim3A_47 : i32 to vector<16xi32>
    %gather3A_49 = tpu.vector_load_idx %arg8[%iota3A, %broadcast_in_dim3A_48] masked %lt3A_4 : memref<10x10xf32, #tpu.memory_space<vmem>>[vector<16xi32>, vector<16xi32>], vector<16xf32>, vector<16xi1>
    %add3A_50 = arith.addf %add3A_46, %gather3A_49 : vector<16xf32>
    %gather3A_51 = tpu.vector_load_idx %arg9[%iota3A, %broadcast_in_dim3A_48] masked %lt3A_4 : memref<10x10xf32, #tpu.memory_space<vmem>>[vector<16xi32>, vector<16xi32>], vector<16xf32>, vector<16xi1>
    %add3A_52 = arith.addf %add3A_50, %gather3A_51 : vector<16xf32>
    %broadcast_in_dim3A_53 = arith.constant 8 : i32
    %broadcast_in_dim3A_54 = vector.broadcast %broadcast_in_dim3A_53 : i32 to vector<16xi32>
    %gather3A_55 = tpu.vector_load_idx %arg8[%iota3A, %broadcast_in_dim3A_54] masked %lt3A_4 : memref<10x10xf32, #tpu.memory_space<vmem>>[vector<16xi32>, vector<16xi32>], vector<16xf32>, vector<16xi1>
    %add3A_56 = arith.addf %add3A_52, %gather3A_55 : vector<16xf32>
    %gather3A_57 = tpu.vector_load_idx %arg9[%iota3A, %broadcast_in_dim3A_54] masked %lt3A_4 : memref<10x10xf32, #tpu.memory_space<vmem>>[vector<16xi32>, vector<16xi32>], vector<16xf32>, vector<16xi1>
    %add3A_58 = arith.addf %add3A_56, %gather3A_57 : vector<16xf32>
    %broadcast_in_dim3A_59 = arith.constant 9 : i32
    %broadcast_in_dim3A_60 = vector.broadcast %broadcast_in_dim3A_59 : i32 to vector<16xi32>
    %gather3A_61 = tpu.vector_load_idx %arg8[%iota3A, %broadcast_in_dim3A_60] masked %lt3A_4 : memref<10x10xf32, #tpu.memory_space<vmem>>[vector<16xi32>, vector<16xi32>], vector<16xf32>, vector<16xi1>
    %add3A_62 = arith.addf %add3A_58, %gather3A_61 : vector<16xf32>
    %gather3A_63 = tpu.vector_load_idx %arg9[%iota3A, %broadcast_in_dim3A_60] masked %lt3A_4 : memref<10x10xf32, #tpu.memory_space<vmem>>[vector<16xi32>, vector<16xi32>], vector<16xf32>, vector<16xi1>
    %add3A_64 = arith.addf %add3A_62, %gather3A_63 : vector<16xf32>
    %select_n3A = arith.select %lt3A_4, %add3A_64, %broadcast_in_dim3A_5 : vector<16xi1>, vector<16xf32>
    %slice3A = vector.extract_strided_slice %select_n3A {offsets = [0], sizes = [1], strides = [1]} : vector<16xf32> to vector<1xf32>
    %squeeze3A = vector.extract %slice3A[0] : f32 from vector<1xf32>
    %add3A_65 = vector.broadcast %squeeze3A : f32 to vector<16xf32>
    %add3A_66 = arith.addf %add3A_65, %select_n3A : vector<16xf32>
    %swap3A = arith.constant 0 : index
    %swap3A_67 = tpu.vector_load %arg10[%swap3A] {strides = array<i32>} : memref<256xf32, #tpu.memory_space<vmem>>, vector<16xf32>,
    tpu.vector_store %arg10[%swap3A], %add3A_66 {strides = array<i32>} : memref<256xf32, #tpu.memory_space<vmem>>, vector<16xf32>,
    %slice3A_68 = vector.extract_strided_slice %select_n3A {offsets = [1], sizes = [1], strides = [1]} : vector<16xf32> to vector<1xf32>
    %squeeze3A_69 = vector.extract %slice3A_68[0] : f32 from vector<1xf32>
    %add3A_70 = vector.broadcast %squeeze3A_69 : f32 to vector<16xf32>
    %add3A_71 = arith.addf %add3A_70, %select_n3A : vector<16xf32>
    %swap3A_72 = arith.constant 16 : index
    %swap3A_73 = tpu.vector_load %arg10[%swap3A_72] {strides = array<i32>} : memref<256xf32, #tpu.memory_space<vmem>>, vector<16xf32>,
    tpu.vector_store %arg10[%swap3A_72], %add3A_71 {strides = array<i32>} : memref<256xf32, #tpu.memory_space<vmem>>, vector<16xf32>,
    %slice3A_74 = vector.extract_strided_slice %select_n3A {offsets = [2], sizes = [1], strides = [1]} : vector<16xf32> to vector<1xf32>
    %squeeze3A_75 = vector.extract %slice3A_74[0] : f32 from vector<1xf32>
    %add3A_76 = vector.broadcast %squeeze3A_75 : f32 to vector<16xf32>
    %add3A_77 = arith.addf %add3A_76, %select_n3A : vector<16xf32>
    %swap3A_78 = arith.constant 32 : index
    %swap3A_79 = tpu.vector_load %arg10[%swap3A_78] {strides = array<i32>} : memref<256xf32, #tpu.memory_space<vmem>>, vector<16xf32>,
    tpu.vector_store %arg10[%swap3A_78], %add3A_77 {strides = array<i32>} : memref<256xf32, #tpu.memory_space<vmem>>, vector<16xf32>,
    %slice3A_80 = vector.extract_strided_slice %select_n3A {offsets = [3], sizes = [1], strides = [1]} : vector<16xf32> to vector<1xf32>
    %squeeze3A_81 = vector.extract %slice3A_80[0] : f32 from vector<1xf32>
    %add3A_82 = vector.broadcast %squeeze3A_81 : f32 to vector<16xf32>
    %add3A_83 = arith.addf %add3A_82, %select_n3A : vector<16xf32>
    %swap3A_84 = arith.constant 48 : index
    %swap3A_85 = tpu.vector_load %arg10[%swap3A_84] {strides = array<i32>} : memref<256xf32, #tpu.memory_space<vmem>>, vector<16xf32>,
    tpu.vector_store %arg10[%swap3A_84], %add3A_83 {strides = array<i32>} : memref<256xf32, #tpu.memory_space<vmem>>, vector<16xf32>,
    %slice3A_86 = vector.extract_strided_slice %select_n3A {offsets = [4], sizes = [1], strides = [1]} : vector<16xf32> to vector<1xf32>
    %squeeze3A_87 = vector.extract %slice3A_86[0] : f32 from vector<1xf32>
    %add3A_88 = vector.broadcast %squeeze3A_87 : f32 to vector<16xf32>
    %add3A_89 = arith.addf %add3A_88, %select_n3A : vector<16xf32>
    %swap3A_90 = arith.constant 64 : index
    %swap3A_91 = tpu.vector_load %arg10[%swap3A_90] {strides = array<i32>} : memref<256xf32, #tpu.memory_space<vmem>>, vector<16xf32>,
    tpu.vector_store %arg10[%swap3A_90], %add3A_89 {strides = array<i32>} : memref<256xf32, #tpu.memory_space<vmem>>, vector<16xf32>,
    %slice3A_92 = vector.extract_strided_slice %select_n3A {offsets = [5], sizes = [1], strides = [1]} : vector<16xf32> to vector<1xf32>
    %squeeze3A_93 = vector.extract %slice3A_92[0] : f32 from vector<1xf32>
    %add3A_94 = vector.broadcast %squeeze3A_93 : f32 to vector<16xf32>
    %add3A_95 = arith.addf %add3A_94, %select_n3A : vector<16xf32>
    %swap3A_96 = arith.constant 80 : index
    %swap3A_97 = tpu.vector_load %arg10[%swap3A_96] {strides = array<i32>} : memref<256xf32, #tpu.memory_space<vmem>>, vector<16xf32>,
    tpu.vector_store %arg10[%swap3A_96], %add3A_95 {strides = array<i32>} : memref<256xf32, #tpu.memory_space<vmem>>, vector<16xf32>,
    %slice3A_98 = vector.extract_strided_slice %select_n3A {offsets = [6], sizes = [1], strides = [1]} : vector<16xf32> to vector<1xf32>
    %squeeze3A_99 = vector.extract %slice3A_98[0] : f32 from vector<1xf32>
    %add3A_100 = vector.broadcast %squeeze3A_99 : f32 to vector<16xf32>
    %add3A_101 = arith.addf %add3A_100, %select_n3A : vector<16xf32>
    %swap3A_102 = arith.constant 96 : index
    %swap3A_103 = tpu.vector_load %arg10[%swap3A_102] {strides = array<i32>} : memref<256xf32, #tpu.memory_space<vmem>>, vector<16xf32>,
    tpu.vector_store %arg10[%swap3A_102], %add3A_101 {strides = array<i32>} : memref<256xf32, #tpu.memory_space<vmem>>, vector<16xf32>,
    %slice3A_104 = vector.extract_strided_slice %select_n3A {offsets = [7], sizes = [1], strides = [1]} : vector<16xf32> to vector<1xf32>
    %squeeze3A_105 = vector.extract %slice3A_104[0] : f32 from vector<1xf32>
    %add3A_106 = vector.broadcast %squeeze3A_105 : f32 to vector<16xf32>
    %add3A_107 = arith.addf %add3A_106, %select_n3A : vector<16xf32>
    %swap3A_108 = arith.constant 112 : index
    %swap3A_109 = tpu.vector_load %arg10[%swap3A_108] {strides = array<i32>} : memref<256xf32, #tpu.memory_space<vmem>>, vector<16xf32>,
    tpu.vector_store %arg10[%swap3A_108], %add3A_107 {strides = array<i32>} : memref<256xf32, #tpu.memory_space<vmem>>, vector<16xf32>,
    %slice3A_110 = vector.extract_strided_slice %select_n3A {offsets = [8], sizes = [1], strides = [1]} : vector<16xf32> to vector<1xf32>
    %squeeze3A_111 = vector.extract %slice3A_110[0] : f32 from vector<1xf32>
    %add3A_112 = vector.broadcast %squeeze3A_111 : f32 to vector<16xf32>
    %add3A_113 = arith.addf %add3A_112, %select_n3A : vector<16xf32>
    %swap3A_114 = arith.constant 128 : index
    %swap3A_115 = tpu.vector_load %arg10[%swap3A_114] {strides = array<i32>} : memref<256xf32, #tpu.memory_space<vmem>>, vector<16xf32>,
    tpu.vector_store %arg10[%swap3A_114], %add3A_113 {strides = array<i32>} : memref<256xf32, #tpu.memory_space<vmem>>, vector<16xf32>,
    %slice3A_116 = vector.extract_strided_slice %select_n3A {offsets = [9], sizes = [1], strides = [1]} : vector<16xf32> to vector<1xf32>
    %squeeze3A_117 = vector.extract %slice3A_116[0] : f32 from vector<1xf32>
    %add3A_118 = vector.broadcast %squeeze3A_117 : f32 to vector<16xf32>
    %add3A_119 = arith.addf %add3A_118, %select_n3A : vector<16xf32>
    %swap3A_120 = arith.constant 144 : index
    %swap3A_121 = tpu.vector_load %arg10[%swap3A_120] {strides = array<i32>} : memref<256xf32, #tpu.memory_space<vmem>>, vector<16xf32>,
    tpu.vector_store %arg10[%swap3A_120], %add3A_119 {strides = array<i32>} : memref<256xf32, #tpu.memory_space<vmem>>, vector<16xf32>,
    %dma_start3A = arith.constant 0 : i32
    %dma_start3A_122 = tpu.memref_slice %arg2[%dma_start3A, %mul3A_2] : memref<200x16384xi32, #tpu.memory_space<hbm>> -> memref<24x512xi32, #tpu.memory_space<hbm>>
    %dma_start3A_123 = arith.constant 0 : i32
    %dma_start3A_124 = tpu.memref_slice %arg2[%dma_start3A_123, %mul3A_2] : memref<200x16384xi32, #tpu.memory_space<hbm>> -> memref<24x512xi32, #tpu.memory_space<hbm>>
    tpu.enqueue_dma source(%dma_start3A_124 : memref<24x512xi32, #tpu.memory_space<hbm>>) target(%arg6 : memref<24x512xi32, #tpu.memory_space<vmem>>) target_semaphore(%arg12 : memref<!tpu.dma_semaphore, #tpu.memory_space<semaphore_mem>>)
    %dma_start3A_125 = arith.constant 24 : i32
    %dma_start3A_126 = tpu.memref_slice %arg2[%dma_start3A_125, %mul3A_2] : memref<200x16384xi32, #tpu.memory_space<hbm>> -> memref<24x512xi32, #tpu.memory_space<hbm>>
    %dma_start3A_127 = arith.constant 24 : i32
    %dma_start3A_128 = tpu.memref_slice %arg2[%dma_start3A_127, %mul3A_2] : memref<200x16384xi32, #tpu.memory_space<hbm>> -> memref<24x512xi32, #tpu.memory_space<hbm>>
    tpu.enqueue_dma source(%dma_start3A_128 : memref<24x512xi32, #tpu.memory_space<hbm>>) target(%arg7 : memref<24x512xi32, #tpu.memory_space<vmem>>) target_semaphore(%arg13 : memref<!tpu.dma_semaphore, #tpu.memory_space<semaphore_mem>>)
    %dma_wait3A = arith.constant 0 : i32
    %dma_wait3A_129 = tpu.memref_slice %arg2[%dma_wait3A, %mul3A_2] : memref<200x16384xi32, #tpu.memory_space<hbm>> -> memref<24x512xi32, #tpu.memory_space<hbm>>
    %dma_wait3A_130 = arith.constant 0 : i32
    %dma_wait3A_131 = tpu.memref_slice %arg2[%dma_wait3A_130, %mul3A_2] : memref<200x16384xi32, #tpu.memory_space<hbm>> -> memref<24x512xi32, #tpu.memory_space<hbm>>
    tpu.wait_dma2 semaphore(%arg12 : memref<!tpu.dma_semaphore, #tpu.memory_space<semaphore_mem>>) src(%dma_wait3A_131 : memref<24x512xi32, #tpu.memory_space<hbm>>) dst(%arg6 : memref<24x512xi32, #tpu.memory_space<vmem>>)
    %scan3A = arith.constant 0 : i32
    %scan3A_132 = arith.constant 24 : i32
    %scan3A_133 = arith.addi %scan3A, %scan3A_132 : i32
    %scan3A_134 = arith.constant 1 : i32
    %scan3A_135 = scf.for %scan3A_193 = %scan3A to %scan3A_133 step %scan3A_134 iter_args(%scan3A_194 = %broadcast_in_dim3A_5) -> (vector<16xf32>)  : i32 {
      %get3A = arith.index_cast %scan3A_193 : i32 to index
      %get3A_195 = arith.constant 0 : index
      %get3A_196 = tpu.vector_load %arg6[%get3A, %get3A_195] {strides = array<i32>} : memref<24x512xi32, #tpu.memory_space<vmem>>, vector<16xi32>,
      %get3A_197 = arith.index_cast %scan3A_193 : i32 to index
      %get3A_198 = arith.constant 16 : index
      %get3A_199 = tpu.vector_load %arg6[%get3A_197, %get3A_198] {strides = array<i32>} : memref<24x512xi32, #tpu.memory_space<vmem>>, vector<16xi32>,
      %mul3A_200 = arith.constant 16 : i32
      %mul3A_201 = vector.broadcast %mul3A_200 : i32 to vector<16xi32>
      %mul3A_202 = arith.muli %get3A_196, %mul3A_201 : vector<16xi32>
      %add3A_203 = arith.addi %mul3A_202, %get3A_199 : vector<16xi32>
      %gather3A_204 = tpu.vector_load_idx %arg10[%add3A_203] : memref<256xf32, #tpu.memory_space<vmem>>[vector<16xi32>], vector<16xf32>,
      %add3A_205 = arith.addf %scan3A_194, %gather3A_204 : vector<16xf32>
      %get3A_206 = arith.index_cast %scan3A_193 : i32 to index
      %get3A_207 = arith.constant 32 : index
      %get3A_208 = tpu.vector_load %arg6[%get3A_206, %get3A_207] {strides = array<i32>} : memref<24x512xi32, #tpu.memory_space<vmem>>, vector<16xi32>,
      %get3A_209 = arith.index_cast %scan3A_193 : i32 to index
      %get3A_210 = arith.constant 48 : index
      %get3A_211 = tpu.vector_load %arg6[%get3A_209, %get3A_210] {strides = array<i32>} : memref<24x512xi32, #tpu.memory_space<vmem>>, vector<16xi32>,
      %mul3A_212 = arith.constant 16 : i32
      %mul3A_213 = vector.broadcast %mul3A_212 : i32 to vector<16xi32>
      %mul3A_214 = arith.muli %get3A_208, %mul3A_213 : vector<16xi32>
      %add3A_215 = arith.addi %mul3A_214, %get3A_211 : vector<16xi32>
      %gather3A_216 = tpu.vector_load_idx %arg10[%add3A_215] : memref<256xf32, #tpu.memory_space<vmem>>[vector<16xi32>], vector<16xf32>,
      %add3A_217 = arith.addf %add3A_205, %gather3A_216 : vector<16xf32>
      %get3A_218 = arith.index_cast %scan3A_193 : i32 to index
      %get3A_219 = arith.constant 64 : index
      %get3A_220 = tpu.vector_load %arg6[%get3A_218, %get3A_219] {strides = array<i32>} : memref<24x512xi32, #tpu.memory_space<vmem>>, vector<16xi32>,
      %get3A_221 = arith.index_cast %scan3A_193 : i32 to index
      %get3A_222 = arith.constant 80 : index
      %get3A_223 = tpu.vector_load %arg6[%get3A_221, %get3A_222] {strides = array<i32>} : memref<24x512xi32, #tpu.memory_space<vmem>>, vector<16xi32>,
      %mul3A_224 = arith.constant 16 : i32
      %mul3A_225 = vector.broadcast %mul3A_224 : i32 to vector<16xi32>
      %mul3A_226 = arith.muli %get3A_220, %mul3A_225 : vector<16xi32>
      %add3A_227 = arith.addi %mul3A_226, %get3A_223 : vector<16xi32>
      %gather3A_228 = tpu.vector_load_idx %arg10[%add3A_227] : memref<256xf32, #tpu.memory_space<vmem>>[vector<16xi32>], vector<16xf32>,
      %add3A_229 = arith.addf %add3A_217, %gather3A_228 : vector<16xf32>
      %get3A_230 = arith.index_cast %scan3A_193 : i32 to index
      %get3A_231 = arith.constant 96 : index
      %get3A_232 = tpu.vector_load %arg6[%get3A_230, %get3A_231] {strides = array<i32>} : memref<24x512xi32, #tpu.memory_space<vmem>>, vector<16xi32>,
      %get3A_233 = arith.index_cast %scan3A_193 : i32 to index
      %get3A_234 = arith.constant 112 : index
      %get3A_235 = tpu.vector_load %arg6[%get3A_233, %get3A_234] {strides = array<i32>} : memref<24x512xi32, #tpu.memory_space<vmem>>, vector<16xi32>,
      %mul3A_236 = arith.constant 16 : i32
      %mul3A_237 = vector.broadcast %mul3A_236 : i32 to vector<16xi32>
      %mul3A_238 = arith.muli %get3A_232, %mul3A_237 : vector<16xi32>
      %add3A_239 = arith.addi %mul3A_238, %get3A_235 : vector<16xi32>
      %gather3A_240 = tpu.vector_load_idx %arg10[%add3A_239] : memref<256xf32, #tpu.memory_space<vmem>>[vector<16xi32>], vector<16xf32>,
      %add3A_241 = arith.addf %add3A_229, %gather3A_240 : vector<16xf32>
      %get3A_242 = arith.index_cast %scan3A_193 : i32 to index
      %get3A_243 = arith.constant 128 : index
      %get3A_244 = tpu.vector_load %arg6[%get3A_242, %get3A_243] {strides = array<i32>} : memref<24x512xi32, #tpu.memory_space<vmem>>, vector<16xi32>,
      %get3A_245 = arith.index_cast %scan3A_193 : i32 to index
      %get3A_246 = arith.constant 144 : index
      %get3A_247 = tpu.vector_load %arg6[%get3A_245, %get3A_246] {strides = array<i32>} : memref<24x512xi32, #tpu.memory_space<vmem>>, vector<16xi32>,
      %mul3A_248 = arith.constant 16 : i32
      %mul3A_249 = vector.broadcast %mul3A_248 : i32 to vector<16xi32>
      %mul3A_250 = arith.muli %get3A_244, %mul3A_249 : vector<16xi32>
      %add3A_251 = arith.addi %mul3A_250, %get3A_247 : vector<16xi32>
      %gather3A_252 = tpu.vector_load_idx %arg10[%add3A_251] : memref<256xf32, #tpu.memory_space<vmem>>[vector<16xi32>], vector<16xf32>,
      %add3A_253 = arith.addf %add3A_241, %gather3A_252 : vector<16xf32>
      %get3A_254 = arith.index_cast %scan3A_193 : i32 to index
      %get3A_255 = arith.constant 160 : index
      %get3A_256 = tpu.vector_load %arg6[%get3A_254, %get3A_255] {strides = array<i32>} : memref<24x512xi32, #tpu.memory_space<vmem>>, vector<16xi32>,
      %get3A_257 = arith.index_cast %scan3A_193 : i32 to index
      %get3A_258 = arith.constant 176 : index
      %get3A_259 = tpu.vector_load %arg6[%get3A_257, %get3A_258] {strides = array<i32>} : memref<24x512xi32, #tpu.memory_space<vmem>>, vector<16xi32>,
      %mul3A_260 = arith.constant 16 : i32
      %mul3A_261 = vector.broadcast %mul3A_260 : i32 to vector<16xi32>
      %mul3A_262 = arith.muli %get3A_256, %mul3A_261 : vector<16xi32>
      %add3A_263 = arith.addi %mul3A_262, %get3A_259 : vector<16xi32>
      %gather3A_264 = tpu.vector_load_idx %arg10[%add3A_263] : memref<256xf32, #tpu.memory_space<vmem>>[vector<16xi32>], vector<16xf32>,
      %add3A_265 = arith.addf %add3A_253, %gather3A_264 : vector<16xf32>
      %get3A_266 = arith.index_cast %scan3A_193 : i32 to index
      %get3A_267 = arith.constant 192 : index
      %get3A_268 = tpu.vector_load %arg6[%get3A_266, %get3A_267] {strides = array<i32>} : memref<24x512xi32, #tpu.memory_space<vmem>>, vector<16xi32>,
      %get3A_269 = arith.index_cast %scan3A_193 : i32 to index
      %get3A_270 = arith.constant 208 : index
      %get3A_271 = tpu.vector_load %arg6[%get3A_269, %get3A_270] {strides = array<i32>} : memref<24x512xi32, #tpu.memory_space<vmem>>, vector<16xi32>,
      %mul3A_272 = arith.constant 16 : i32
      %mul3A_273 = vector.broadcast %mul3A_272 : i32 to vector<16xi32>
      %mul3A_274 = arith.muli %get3A_268, %mul3A_273 : vector<16xi32>
      %add3A_275 = arith.addi %mul3A_274, %get3A_271 : vector<16xi32>
      %gather3A_276 = tpu.vector_load_idx %arg10[%add3A_275] : memref<256xf32, #tpu.memory_space<vmem>>[vector<16xi32>], vector<16xf32>,
      %add3A_277 = arith.addf %add3A_265, %gather3A_276 : vector<16xf32>
      %get3A_278 = arith.index_cast %scan3A_193 : i32 to index
      %get3A_279 = arith.constant 224 : index
      %get3A_280 = tpu.vector_load %arg6[%get3A_278, %get3A_279] {strides = array<i32>} : memref<24x512xi32, #tpu.memory_space<vmem>>, vector<16xi32>,
      %get3A_281 = arith.index_cast %scan3A_193 : i32 to index
      %get3A_282 = arith.constant 240 : index
      %get3A_283 = tpu.vector_load %arg6[%get3A_281, %get3A_282] {strides = array<i32>} : memref<24x512xi32, #tpu.memory_space<vmem>>, vector<16xi32>,
      %mul3A_284 = arith.constant 16 : i32
      %mul3A_285 = vector.broadcast %mul3A_284 : i32 to vector<16xi32>
      %mul3A_286 = arith.muli %get3A_280, %mul3A_285 : vector<16xi32>
      %add3A_287 = arith.addi %mul3A_286, %get3A_283 : vector<16xi32>
      %gather3A_288 = tpu.vector_load_idx %arg10[%add3A_287] : memref<256xf32, #tpu.memory_space<vmem>>[vector<16xi32>], vector<16xf32>,
      %add3A_289 = arith.addf %add3A_277, %gather3A_288 : vector<16xf32>
      %get3A_290 = arith.index_cast %scan3A_193 : i32 to index
      %get3A_291 = arith.constant 256 : index
      %get3A_292 = tpu.vector_load %arg6[%get3A_290, %get3A_291] {strides = array<i32>} : memref<24x512xi32, #tpu.memory_space<vmem>>, vector<16xi32>,
      %get3A_293 = arith.index_cast %scan3A_193 : i32 to index
      %get3A_294 = arith.constant 272 : index
      %get3A_295 = tpu.vector_load %arg6[%get3A_293, %get3A_294] {strides = array<i32>} : memref<24x512xi32, #tpu.memory_space<vmem>>, vector<16xi32>,
      %mul3A_296 = arith.constant 16 : i32
      %mul3A_297 = vector.broadcast %mul3A_296 : i32 to vector<16xi32>
      %mul3A_298 = arith.muli %get3A_292, %mul3A_297 : vector<16xi32>
      %add3A_299 = arith.addi %mul3A_298, %get3A_295 : vector<16xi32>
      %gather3A_300 = tpu.vector_load_idx %arg10[%add3A_299] : memref<256xf32, #tpu.memory_space<vmem>>[vector<16xi32>], vector<16xf32>,
      %add3A_301 = arith.addf %add3A_289, %gather3A_300 : vector<16xf32>
      %get3A_302 = arith.index_cast %scan3A_193 : i32 to index
      %get3A_303 = arith.constant 288 : index
      %get3A_304 = tpu.vector_load %arg6[%get3A_302, %get3A_303] {strides = array<i32>} : memref<24x512xi32, #tpu.memory_space<vmem>>, vector<16xi32>,
      %get3A_305 = arith.index_cast %scan3A_193 : i32 to index
      %get3A_306 = arith.constant 304 : index
      %get3A_307 = tpu.vector_load %arg6[%get3A_305, %get3A_306] {strides = array<i32>} : memref<24x512xi32, #tpu.memory_space<vmem>>, vector<16xi32>,
      %mul3A_308 = arith.constant 16 : i32
      %mul3A_309 = vector.broadcast %mul3A_308 : i32 to vector<16xi32>
      %mul3A_310 = arith.muli %get3A_304, %mul3A_309 : vector<16xi32>
      %add3A_311 = arith.addi %mul3A_310, %get3A_307 : vector<16xi32>
      %gather3A_312 = tpu.vector_load_idx %arg10[%add3A_311] : memref<256xf32, #tpu.memory_space<vmem>>[vector<16xi32>], vector<16xf32>,
      %add3A_313 = arith.addf %add3A_301, %gather3A_312 : vector<16xf32>
      %get3A_314 = arith.index_cast %scan3A_193 : i32 to index
      %get3A_315 = arith.constant 320 : index
      %get3A_316 = tpu.vector_load %arg6[%get3A_314, %get3A_315] {strides = array<i32>} : memref<24x512xi32, #tpu.memory_space<vmem>>, vector<16xi32>,
      %get3A_317 = arith.index_cast %scan3A_193 : i32 to index
      %get3A_318 = arith.constant 336 : index
      %get3A_319 = tpu.vector_load %arg6[%get3A_317, %get3A_318] {strides = array<i32>} : memref<24x512xi32, #tpu.memory_space<vmem>>, vector<16xi32>,
      %mul3A_320 = arith.constant 16 : i32
      %mul3A_321 = vector.broadcast %mul3A_320 : i32 to vector<16xi32>
      %mul3A_322 = arith.muli %get3A_316, %mul3A_321 : vector<16xi32>
      %add3A_323 = arith.addi %mul3A_322, %get3A_319 : vector<16xi32>
      %gather3A_324 = tpu.vector_load_idx %arg10[%add3A_323] : memref<256xf32, #tpu.memory_space<vmem>>[vector<16xi32>], vector<16xf32>,
      %add3A_325 = arith.addf %add3A_313, %gather3A_324 : vector<16xf32>
      %get3A_326 = arith.index_cast %scan3A_193 : i32 to index
      %get3A_327 = arith.constant 352 : index
      %get3A_328 = tpu.vector_load %arg6[%get3A_326, %get3A_327] {strides = array<i32>} : memref<24x512xi32, #tpu.memory_space<vmem>>, vector<16xi32>,
      %get3A_329 = arith.index_cast %scan3A_193 : i32 to index
      %get3A_330 = arith.constant 368 : index
      %get3A_331 = tpu.vector_load %arg6[%get3A_329, %get3A_330] {strides = array<i32>} : memref<24x512xi32, #tpu.memory_space<vmem>>, vector<16xi32>,
      %mul3A_332 = arith.constant 16 : i32
      %mul3A_333 = vector.broadcast %mul3A_332 : i32 to vector<16xi32>
      %mul3A_334 = arith.muli %get3A_328, %mul3A_333 : vector<16xi32>
      %add3A_335 = arith.addi %mul3A_334, %get3A_331 : vector<16xi32>
      %gather3A_336 = tpu.vector_load_idx %arg10[%add3A_335] : memref<256xf32, #tpu.memory_space<vmem>>[vector<16xi32>], vector<16xf32>,
      %add3A_337 = arith.addf %add3A_325, %gather3A_336 : vector<16xf32>
      %get3A_338 = arith.index_cast %scan3A_193 : i32 to index
      %get3A_339 = arith.constant 384 : index
      %get3A_340 = tpu.vector_load %arg6[%get3A_338, %get3A_339] {strides = array<i32>} : memref<24x512xi32, #tpu.memory_space<vmem>>, vector<16xi32>,
      %get3A_341 = arith.index_cast %scan3A_193 : i32 to index
      %get3A_342 = arith.constant 400 : index
      %get3A_343 = tpu.vector_load %arg6[%get3A_341, %get3A_342] {strides = array<i32>} : memref<24x512xi32, #tpu.memory_space<vmem>>, vector<16xi32>,
      %mul3A_344 = arith.constant 16 : i32
      %mul3A_345 = vector.broadcast %mul3A_344 : i32 to vector<16xi32>
      %mul3A_346 = arith.muli %get3A_340, %mul3A_345 : vector<16xi32>
      %add3A_347 = arith.addi %mul3A_346, %get3A_343 : vector<16xi32>
      %gather3A_348 = tpu.vector_load_idx %arg10[%add3A_347] : memref<256xf32, #tpu.memory_space<vmem>>[vector<16xi32>], vector<16xf32>,
      %add3A_349 = arith.addf %add3A_337, %gather3A_348 : vector<16xf32>
      %get3A_350 = arith.index_cast %scan3A_193 : i32 to index
      %get3A_351 = arith.constant 416 : index
      %get3A_352 = tpu.vector_load %arg6[%get3A_350, %get3A_351] {strides = array<i32>} : memref<24x512xi32, #tpu.memory_space<vmem>>, vector<16xi32>,
      %get3A_353 = arith.index_cast %scan3A_193 : i32 to index
      %get3A_354 = arith.constant 432 : index
      %get3A_355 = tpu.vector_load %arg6[%get3A_353, %get3A_354] {strides = array<i32>} : memref<24x512xi32, #tpu.memory_space<vmem>>, vector<16xi32>,
      %mul3A_356 = arith.constant 16 : i32
      %mul3A_357 = vector.broadcast %mul3A_356 : i32 to vector<16xi32>
      %mul3A_358 = arith.muli %get3A_352, %mul3A_357 : vector<16xi32>
      %add3A_359 = arith.addi %mul3A_358, %get3A_355 : vector<16xi32>
      %gather3A_360 = tpu.vector_load_idx %arg10[%add3A_359] : memref<256xf32, #tpu.memory_space<vmem>>[vector<16xi32>], vector<16xf32>,
      %add3A_361 = arith.addf %add3A_349, %gather3A_360 : vector<16xf32>
      %get3A_362 = arith.index_cast %scan3A_193 : i32 to index
      %get3A_363 = arith.constant 448 : index
      %get3A_364 = tpu.vector_load %arg6[%get3A_362, %get3A_363] {strides = array<i32>} : memref<24x512xi32, #tpu.memory_space<vmem>>, vector<16xi32>,
      %get3A_365 = arith.index_cast %scan3A_193 : i32 to index
      %get3A_366 = arith.constant 464 : index
      %get3A_367 = tpu.vector_load %arg6[%get3A_365, %get3A_366] {strides = array<i32>} : memref<24x512xi32, #tpu.memory_space<vmem>>, vector<16xi32>,
      %mul3A_368 = arith.constant 16 : i32
      %mul3A_369 = vector.broadcast %mul3A_368 : i32 to vector<16xi32>
      %mul3A_370 = arith.muli %get3A_364, %mul3A_369 : vector<16xi32>
      %add3A_371 = arith.addi %mul3A_370, %get3A_367 : vector<16xi32>
      %gather3A_372 = tpu.vector_load_idx %arg10[%add3A_371] : memref<256xf32, #tpu.memory_space<vmem>>[vector<16xi32>], vector<16xf32>,
      %add3A_373 = arith.addf %add3A_361, %gather3A_372 : vector<16xf32>
      %get3A_374 = arith.index_cast %scan3A_193 : i32 to index
      %get3A_375 = arith.constant 480 : index
      %get3A_376 = tpu.vector_load %arg6[%get3A_374, %get3A_375] {strides = array<i32>} : memref<24x512xi32, #tpu.memory_space<vmem>>, vector<16xi32>,
      %get3A_377 = arith.index_cast %scan3A_193 : i32 to index
      %get3A_378 = arith.constant 496 : index
      %get3A_379 = tpu.vector_load %arg6[%get3A_377, %get3A_378] {strides = array<i32>} : memref<24x512xi32, #tpu.memory_space<vmem>>, vector<16xi32>,
      %mul3A_380 = arith.constant 16 : i32
      %mul3A_381 = vector.broadcast %mul3A_380 : i32 to vector<16xi32>
      %mul3A_382 = arith.muli %get3A_376, %mul3A_381 : vector<16xi32>
      %add3A_383 = arith.addi %mul3A_382, %get3A_379 : vector<16xi32>
      %gather3A_384 = tpu.vector_load_idx %arg10[%add3A_383] : memref<256xf32, #tpu.memory_space<vmem>>[vector<16xi32>], vector<16xf32>,
      %add3A_385 = arith.addf %add3A_373, %gather3A_384 : vector<16xf32>
      scf.yield %add3A_385 : vector<16xf32>
    }
    %scan3A_136 = arith.constant 24 : i32
    %dma_start3A_137 = arith.constant 48 : i32
    %dma_start3A_138 = tpu.memref_slice %arg2[%dma_start3A_137, %mul3A_2] : memref<200x16384xi32, #tpu.memory_space<hbm>> -> memref<24x512xi32, #tpu.memory_space<hbm>>
    %dma_start3A_139 = arith.constant 48 : i32
    %dma_start3A_140 = tpu.memref_slice %arg2[%dma_start3A_139, %mul3A_2] : memref<200x16384xi32, #tpu.memory_space<hbm>> -> memref<24x512xi32, #tpu.memory_space<hbm>>
    tpu.enqueue_dma source(%dma_start3A_140 : memref<24x512xi32, #tpu.memory_space<hbm>>) target(%arg6 : memref<24x512xi32, #tpu.memory_space<vmem>>) target_semaphore(%arg12 : memref<!tpu.dma_semaphore, #tpu.memory_space<semaphore_mem>>)
    %dma_wait3A_141 = arith.constant 24 : i32
    %dma_wait3A_142 = tpu.memref_slice %arg2[%dma_wait3A_141, %mul3A_2] : memref<200x16384xi32, #tpu.memory_space<hbm>> -> memref<24x512xi32, #tpu.memory_space<hbm>>
    %dma_wait3A_143 = arith.constant 24 : i32
    %dma_wait3A_144 = tpu.memref_slice %arg2[%dma_wait3A_143, %mul3A_2] : memref<200x16384xi32, #tpu.memory_space<hbm>> -> memref<24x512xi32, #tpu.memory_space<hbm>>
    tpu.wait_dma2 semaphore(%arg13 : memref<!tpu.dma_semaphore, #tpu.memory_space<semaphore_mem>>) src(%dma_wait3A_144 : memref<24x512xi32, #tpu.memory_space<hbm>>) dst(%arg7 : memref<24x512xi32, #tpu.memory_space<vmem>>)
    %scan3A_145 = arith.constant 0 : i32
    %scan3A_146 = arith.constant 24 : i32
    %scan3A_147 = arith.addi %scan3A_145, %scan3A_146 : i32
    %scan3A_148 = arith.constant 1 : i32
    %scan3A_149 = scf.for %scan3A_193 = %scan3A_145 to %scan3A_147 step %scan3A_148 iter_args(%scan3A_194 = %scan3A_135) -> (vector<16xf32>)  : i32 {
      %get3A = arith.index_cast %scan3A_193 : i32 to index
      %get3A_195 = arith.constant 0 : index
      %get3A_196 = tpu.vector_load %arg7[%get3A, %get3A_195] {strides = array<i32>} : memref<24x512xi32, #tpu.memory_space<vmem>>, vector<16xi32>,
      %get3A_197 = arith.index_cast %scan3A_193 : i32 to index
      %get3A_198 = arith.constant 16 : index
      %get3A_199 = tpu.vector_load %arg7[%get3A_197, %get3A_198] {strides = array<i32>} : memref<24x512xi32, #tpu.memory_space<vmem>>, vector<16xi32>,
      %mul3A_200 = arith.constant 16 : i32
      %mul3A_201 = vector.broadcast %mul3A_200 : i32 to vector<16xi32>
      %mul3A_202 = arith.muli %get3A_196, %mul3A_201 : vector<16xi32>
      %add3A_203 = arith.addi %mul3A_202, %get3A_199 : vector<16xi32>
      %gather3A_204 = tpu.vector_load_idx %arg10[%add3A_203] : memref<256xf32, #tpu.memory_space<vmem>>[vector<16xi32>], vector<16xf32>,
      %add3A_205 = arith.addf %scan3A_194, %gather3A_204 : vector<16xf32>
      %get3A_206 = arith.index_cast %scan3A_193 : i32 to index
      %get3A_207 = arith.constant 32 : index
      %get3A_208 = tpu.vector_load %arg7[%get3A_206, %get3A_207] {strides = array<i32>} : memref<24x512xi32, #tpu.memory_space<vmem>>, vector<16xi32>,
      %get3A_209 = arith.index_cast %scan3A_193 : i32 to index
      %get3A_210 = arith.constant 48 : index
      %get3A_211 = tpu.vector_load %arg7[%get3A_209, %get3A_210] {strides = array<i32>} : memref<24x512xi32, #tpu.memory_space<vmem>>, vector<16xi32>,
      %mul3A_212 = arith.constant 16 : i32
      %mul3A_213 = vector.broadcast %mul3A_212 : i32 to vector<16xi32>
      %mul3A_214 = arith.muli %get3A_208, %mul3A_213 : vector<16xi32>
      %add3A_215 = arith.addi %mul3A_214, %get3A_211 : vector<16xi32>
      %gather3A_216 = tpu.vector_load_idx %arg10[%add3A_215] : memref<256xf32, #tpu.memory_space<vmem>>[vector<16xi32>], vector<16xf32>,
      %add3A_217 = arith.addf %add3A_205, %gather3A_216 : vector<16xf32>
      %get3A_218 = arith.index_cast %scan3A_193 : i32 to index
      %get3A_219 = arith.constant 64 : index
      %get3A_220 = tpu.vector_load %arg7[%get3A_218, %get3A_219] {strides = array<i32>} : memref<24x512xi32, #tpu.memory_space<vmem>>, vector<16xi32>,
      %get3A_221 = arith.index_cast %scan3A_193 : i32 to index
      %get3A_222 = arith.constant 80 : index
      %get3A_223 = tpu.vector_load %arg7[%get3A_221, %get3A_222] {strides = array<i32>} : memref<24x512xi32, #tpu.memory_space<vmem>>, vector<16xi32>,
      %mul3A_224 = arith.constant 16 : i32
      %mul3A_225 = vector.broadcast %mul3A_224 : i32 to vector<16xi32>
      %mul3A_226 = arith.muli %get3A_220, %mul3A_225 : vector<16xi32>
      %add3A_227 = arith.addi %mul3A_226, %get3A_223 : vector<16xi32>
      %gather3A_228 = tpu.vector_load_idx %arg10[%add3A_227] : memref<256xf32, #tpu.memory_space<vmem>>[vector<16xi32>], vector<16xf32>,
      %add3A_229 = arith.addf %add3A_217, %gather3A_228 : vector<16xf32>
      %get3A_230 = arith.index_cast %scan3A_193 : i32 to index
      %get3A_231 = arith.constant 96 : index
      %get3A_232 = tpu.vector_load %arg7[%get3A_230, %get3A_231] {strides = array<i32>} : memref<24x512xi32, #tpu.memory_space<vmem>>, vector<16xi32>,
      %get3A_233 = arith.index_cast %scan3A_193 : i32 to index
      %get3A_234 = arith.constant 112 : index
      %get3A_235 = tpu.vector_load %arg7[%get3A_233, %get3A_234] {strides = array<i32>} : memref<24x512xi32, #tpu.memory_space<vmem>>, vector<16xi32>,
      %mul3A_236 = arith.constant 16 : i32
      %mul3A_237 = vector.broadcast %mul3A_236 : i32 to vector<16xi32>
      %mul3A_238 = arith.muli %get3A_232, %mul3A_237 : vector<16xi32>
      %add3A_239 = arith.addi %mul3A_238, %get3A_235 : vector<16xi32>
      %gather3A_240 = tpu.vector_load_idx %arg10[%add3A_239] : memref<256xf32, #tpu.memory_space<vmem>>[vector<16xi32>], vector<16xf32>,
      %add3A_241 = arith.addf %add3A_229, %gather3A_240 : vector<16xf32>
      %get3A_242 = arith.index_cast %scan3A_193 : i32 to index
      %get3A_243 = arith.constant 128 : index
      %get3A_244 = tpu.vector_load %arg7[%get3A_242, %get3A_243] {strides = array<i32>} : memref<24x512xi32, #tpu.memory_space<vmem>>, vector<16xi32>,
      %get3A_245 = arith.index_cast %scan3A_193 : i32 to index
      %get3A_246 = arith.constant 144 : index
      %get3A_247 = tpu.vector_load %arg7[%get3A_245, %get3A_246] {strides = array<i32>} : memref<24x512xi32, #tpu.memory_space<vmem>>, vector<16xi32>,
      %mul3A_248 = arith.constant 16 : i32
      %mul3A_249 = vector.broadcast %mul3A_248 : i32 to vector<16xi32>
      %mul3A_250 = arith.muli %get3A_244, %mul3A_249 : vector<16xi32>
      %add3A_251 = arith.addi %mul3A_250, %get3A_247 : vector<16xi32>
      %gather3A_252 = tpu.vector_load_idx %arg10[%add3A_251] : memref<256xf32, #tpu.memory_space<vmem>>[vector<16xi32>], vector<16xf32>,
      %add3A_253 = arith.addf %add3A_241, %gather3A_252 : vector<16xf32>
      %get3A_254 = arith.index_cast %scan3A_193 : i32 to index
      %get3A_255 = arith.constant 160 : index
      %get3A_256 = tpu.vector_load %arg7[%get3A_254, %get3A_255] {strides = array<i32>} : memref<24x512xi32, #tpu.memory_space<vmem>>, vector<16xi32>,
      %get3A_257 = arith.index_cast %scan3A_193 : i32 to index
      %get3A_258 = arith.constant 176 : index
      %get3A_259 = tpu.vector_load %arg7[%get3A_257, %get3A_258] {strides = array<i32>} : memref<24x512xi32, #tpu.memory_space<vmem>>, vector<16xi32>,
      %mul3A_260 = arith.constant 16 : i32
      %mul3A_261 = vector.broadcast %mul3A_260 : i32 to vector<16xi32>
      %mul3A_262 = arith.muli %get3A_256, %mul3A_261 : vector<16xi32>
      %add3A_263 = arith.addi %mul3A_262, %get3A_259 : vector<16xi32>
      %gather3A_264 = tpu.vector_load_idx %arg10[%add3A_263] : memref<256xf32, #tpu.memory_space<vmem>>[vector<16xi32>], vector<16xf32>,
      %add3A_265 = arith.addf %add3A_253, %gather3A_264 : vector<16xf32>
      %get3A_266 = arith.index_cast %scan3A_193 : i32 to index
      %get3A_267 = arith.constant 192 : index
      %get3A_268 = tpu.vector_load %arg7[%get3A_266, %get3A_267] {strides = array<i32>} : memref<24x512xi32, #tpu.memory_space<vmem>>, vector<16xi32>,
      %get3A_269 = arith.index_cast %scan3A_193 : i32 to index
      %get3A_270 = arith.constant 208 : index
      %get3A_271 = tpu.vector_load %arg7[%get3A_269, %get3A_270] {strides = array<i32>} : memref<24x512xi32, #tpu.memory_space<vmem>>, vector<16xi32>,
      %mul3A_272 = arith.constant 16 : i32
      %mul3A_273 = vector.broadcast %mul3A_272 : i32 to vector<16xi32>
      %mul3A_274 = arith.muli %get3A_268, %mul3A_273 : vector<16xi32>
      %add3A_275 = arith.addi %mul3A_274, %get3A_271 : vector<16xi32>
      %gather3A_276 = tpu.vector_load_idx %arg10[%add3A_275] : memref<256xf32, #tpu.memory_space<vmem>>[vector<16xi32>], vector<16xf32>,
      %add3A_277 = arith.addf %add3A_265, %gather3A_276 : vector<16xf32>
      %get3A_278 = arith.index_cast %scan3A_193 : i32 to index
      %get3A_279 = arith.constant 224 : index
      %get3A_280 = tpu.vector_load %arg7[%get3A_278, %get3A_279] {strides = array<i32>} : memref<24x512xi32, #tpu.memory_space<vmem>>, vector<16xi32>,
      %get3A_281 = arith.index_cast %scan3A_193 : i32 to index
      %get3A_282 = arith.constant 240 : index
      %get3A_283 = tpu.vector_load %arg7[%get3A_281, %get3A_282] {strides = array<i32>} : memref<24x512xi32, #tpu.memory_space<vmem>>, vector<16xi32>,
      %mul3A_284 = arith.constant 16 : i32
      %mul3A_285 = vector.broadcast %mul3A_284 : i32 to vector<16xi32>
      %mul3A_286 = arith.muli %get3A_280, %mul3A_285 : vector<16xi32>
      %add3A_287 = arith.addi %mul3A_286, %get3A_283 : vector<16xi32>
      %gather3A_288 = tpu.vector_load_idx %arg10[%add3A_287] : memref<256xf32, #tpu.memory_space<vmem>>[vector<16xi32>], vector<16xf32>,
      %add3A_289 = arith.addf %add3A_277, %gather3A_288 : vector<16xf32>
      %get3A_290 = arith.index_cast %scan3A_193 : i32 to index
      %get3A_291 = arith.constant 256 : index
      %get3A_292 = tpu.vector_load %arg7[%get3A_290, %get3A_291] {strides = array<i32>} : memref<24x512xi32, #tpu.memory_space<vmem>>, vector<16xi32>,
      %get3A_293 = arith.index_cast %scan3A_193 : i32 to index
      %get3A_294 = arith.constant 272 : index
      %get3A_295 = tpu.vector_load %arg7[%get3A_293, %get3A_294] {strides = array<i32>} : memref<24x512xi32, #tpu.memory_space<vmem>>, vector<16xi32>,
      %mul3A_296 = arith.constant 16 : i32
      %mul3A_297 = vector.broadcast %mul3A_296 : i32 to vector<16xi32>
      %mul3A_298 = arith.muli %get3A_292, %mul3A_297 : vector<16xi32>
      %add3A_299 = arith.addi %mul3A_298, %get3A_295 : vector<16xi32>
      %gather3A_300 = tpu.vector_load_idx %arg10[%add3A_299] : memref<256xf32, #tpu.memory_space<vmem>>[vector<16xi32>], vector<16xf32>,
      %add3A_301 = arith.addf %add3A_289, %gather3A_300 : vector<16xf32>
      %get3A_302 = arith.index_cast %scan3A_193 : i32 to index
      %get3A_303 = arith.constant 288 : index
      %get3A_304 = tpu.vector_load %arg7[%get3A_302, %get3A_303] {strides = array<i32>} : memref<24x512xi32, #tpu.memory_space<vmem>>, vector<16xi32>,
      %get3A_305 = arith.index_cast %scan3A_193 : i32 to index
      %get3A_306 = arith.constant 304 : index
      %get3A_307 = tpu.vector_load %arg7[%get3A_305, %get3A_306] {strides = array<i32>} : memref<24x512xi32, #tpu.memory_space<vmem>>, vector<16xi32>,
      %mul3A_308 = arith.constant 16 : i32
      %mul3A_309 = vector.broadcast %mul3A_308 : i32 to vector<16xi32>
      %mul3A_310 = arith.muli %get3A_304, %mul3A_309 : vector<16xi32>
      %add3A_311 = arith.addi %mul3A_310, %get3A_307 : vector<16xi32>
      %gather3A_312 = tpu.vector_load_idx %arg10[%add3A_311] : memref<256xf32, #tpu.memory_space<vmem>>[vector<16xi32>], vector<16xf32>,
      %add3A_313 = arith.addf %add3A_301, %gather3A_312 : vector<16xf32>
      %get3A_314 = arith.index_cast %scan3A_193 : i32 to index
      %get3A_315 = arith.constant 320 : index
      %get3A_316 = tpu.vector_load %arg7[%get3A_314, %get3A_315] {strides = array<i32>} : memref<24x512xi32, #tpu.memory_space<vmem>>, vector<16xi32>,
      %get3A_317 = arith.index_cast %scan3A_193 : i32 to index
      %get3A_318 = arith.constant 336 : index
      %get3A_319 = tpu.vector_load %arg7[%get3A_317, %get3A_318] {strides = array<i32>} : memref<24x512xi32, #tpu.memory_space<vmem>>, vector<16xi32>,
      %mul3A_320 = arith.constant 16 : i32
      %mul3A_321 = vector.broadcast %mul3A_320 : i32 to vector<16xi32>
      %mul3A_322 = arith.muli %get3A_316, %mul3A_321 : vector<16xi32>
      %add3A_323 = arith.addi %mul3A_322, %get3A_319 : vector<16xi32>
      %gather3A_324 = tpu.vector_load_idx %arg10[%add3A_323] : memref<256xf32, #tpu.memory_space<vmem>>[vector<16xi32>], vector<16xf32>,
      %add3A_325 = arith.addf %add3A_313, %gather3A_324 : vector<16xf32>
      %get3A_326 = arith.index_cast %scan3A_193 : i32 to index
      %get3A_327 = arith.constant 352 : index
      %get3A_328 = tpu.vector_load %arg7[%get3A_326, %get3A_327] {strides = array<i32>} : memref<24x512xi32, #tpu.memory_space<vmem>>, vector<16xi32>,
      %get3A_329 = arith.index_cast %scan3A_193 : i32 to index
      %get3A_330 = arith.constant 368 : index
      %get3A_331 = tpu.vector_load %arg7[%get3A_329, %get3A_330] {strides = array<i32>} : memref<24x512xi32, #tpu.memory_space<vmem>>, vector<16xi32>,
      %mul3A_332 = arith.constant 16 : i32
      %mul3A_333 = vector.broadcast %mul3A_332 : i32 to vector<16xi32>
      %mul3A_334 = arith.muli %get3A_328, %mul3A_333 : vector<16xi32>
      %add3A_335 = arith.addi %mul3A_334, %get3A_331 : vector<16xi32>
      %gather3A_336 = tpu.vector_load_idx %arg10[%add3A_335] : memref<256xf32, #tpu.memory_space<vmem>>[vector<16xi32>], vector<16xf32>,
      %add3A_337 = arith.addf %add3A_325, %gather3A_336 : vector<16xf32>
      %get3A_338 = arith.index_cast %scan3A_193 : i32 to index
      %get3A_339 = arith.constant 384 : index
      %get3A_340 = tpu.vector_load %arg7[%get3A_338, %get3A_339] {strides = array<i32>} : memref<24x512xi32, #tpu.memory_space<vmem>>, vector<16xi32>,
      %get3A_341 = arith.index_cast %scan3A_193 : i32 to index
      %get3A_342 = arith.constant 400 : index
      %get3A_343 = tpu.vector_load %arg7[%get3A_341, %get3A_342] {strides = array<i32>} : memref<24x512xi32, #tpu.memory_space<vmem>>, vector<16xi32>,
      %mul3A_344 = arith.constant 16 : i32
      %mul3A_345 = vector.broadcast %mul3A_344 : i32 to vector<16xi32>
      %mul3A_346 = arith.muli %get3A_340, %mul3A_345 : vector<16xi32>
      %add3A_347 = arith.addi %mul3A_346, %get3A_343 : vector<16xi32>
      %gather3A_348 = tpu.vector_load_idx %arg10[%add3A_347] : memref<256xf32, #tpu.memory_space<vmem>>[vector<16xi32>], vector<16xf32>,
      %add3A_349 = arith.addf %add3A_337, %gather3A_348 : vector<16xf32>
      %get3A_350 = arith.index_cast %scan3A_193 : i32 to index
      %get3A_351 = arith.constant 416 : index
      %get3A_352 = tpu.vector_load %arg7[%get3A_350, %get3A_351] {strides = array<i32>} : memref<24x512xi32, #tpu.memory_space<vmem>>, vector<16xi32>,
      %get3A_353 = arith.index_cast %scan3A_193 : i32 to index
      %get3A_354 = arith.constant 432 : index
      %get3A_355 = tpu.vector_load %arg7[%get3A_353, %get3A_354] {strides = array<i32>} : memref<24x512xi32, #tpu.memory_space<vmem>>, vector<16xi32>,
      %mul3A_356 = arith.constant 16 : i32
      %mul3A_357 = vector.broadcast %mul3A_356 : i32 to vector<16xi32>
      %mul3A_358 = arith.muli %get3A_352, %mul3A_357 : vector<16xi32>
      %add3A_359 = arith.addi %mul3A_358, %get3A_355 : vector<16xi32>
      %gather3A_360 = tpu.vector_load_idx %arg10[%add3A_359] : memref<256xf32, #tpu.memory_space<vmem>>[vector<16xi32>], vector<16xf32>,
      %add3A_361 = arith.addf %add3A_349, %gather3A_360 : vector<16xf32>
      %get3A_362 = arith.index_cast %scan3A_193 : i32 to index
      %get3A_363 = arith.constant 448 : index
      %get3A_364 = tpu.vector_load %arg7[%get3A_362, %get3A_363] {strides = array<i32>} : memref<24x512xi32, #tpu.memory_space<vmem>>, vector<16xi32>,
      %get3A_365 = arith.index_cast %scan3A_193 : i32 to index
      %get3A_366 = arith.constant 464 : index
      %get3A_367 = tpu.vector_load %arg7[%get3A_365, %get3A_366] {strides = array<i32>} : memref<24x512xi32, #tpu.memory_space<vmem>>, vector<16xi32>,
      %mul3A_368 = arith.constant 16 : i32
      %mul3A_369 = vector.broadcast %mul3A_368 : i32 to vector<16xi32>
      %mul3A_370 = arith.muli %get3A_364, %mul3A_369 : vector<16xi32>
      %add3A_371 = arith.addi %mul3A_370, %get3A_367 : vector<16xi32>
      %gather3A_372 = tpu.vector_load_idx %arg10[%add3A_371] : memref<256xf32, #tpu.memory_space<vmem>>[vector<16xi32>], vector<16xf32>,
      %add3A_373 = arith.addf %add3A_361, %gather3A_372 : vector<16xf32>
      %get3A_374 = arith.index_cast %scan3A_193 : i32 to index
      %get3A_375 = arith.constant 480 : index
      %get3A_376 = tpu.vector_load %arg7[%get3A_374, %get3A_375] {strides = array<i32>} : memref<24x512xi32, #tpu.memory_space<vmem>>, vector<16xi32>,
      %get3A_377 = arith.index_cast %scan3A_193 : i32 to index
      %get3A_378 = arith.constant 496 : index
      %get3A_379 = tpu.vector_load %arg7[%get3A_377, %get3A_378] {strides = array<i32>} : memref<24x512xi32, #tpu.memory_space<vmem>>, vector<16xi32>,
      %mul3A_380 = arith.constant 16 : i32
      %mul3A_381 = vector.broadcast %mul3A_380 : i32 to vector<16xi32>
      %mul3A_382 = arith.muli %get3A_376, %mul3A_381 : vector<16xi32>
      %add3A_383 = arith.addi %mul3A_382, %get3A_379 : vector<16xi32>
      %gather3A_384 = tpu.vector_load_idx %arg10[%add3A_383] : memref<256xf32, #tpu.memory_space<vmem>>[vector<16xi32>], vector<16xf32>,
      %add3A_385 = arith.addf %add3A_373, %gather3A_384 : vector<16xf32>
      scf.yield %add3A_385 : vector<16xf32>
    }
    %scan3A_150 = arith.constant 24 : i32
    %dma_start3A_151 = arith.constant 72 : i32
    %dma_start3A_152 = tpu.memref_slice %arg2[%dma_start3A_151, %mul3A_2] : memref<200x16384xi32, #tpu.memory_space<hbm>> -> memref<24x512xi32, #tpu.memory_space<hbm>>
    %dma_start3A_153 = arith.constant 72 : i32
    %dma_start3A_154 = tpu.memref_slice %arg2[%dma_start3A_153, %mul3A_2] : memref<200x16384xi32, #tpu.memory_space<hbm>> -> memref<24x512xi32, #tpu.memory_space<hbm>>
    tpu.enqueue_dma source(%dma_start3A_154 : memref<24x512xi32, #tpu.memory_space<hbm>>) target(%arg7 : memref<24x512xi32, #tpu.memory_space<vmem>>) target_semaphore(%arg13 : memref<!tpu.dma_semaphore, #tpu.memory_space<semaphore_mem>>)
    %dma_wait3A_155 = arith.constant 48 : i32
    %dma_wait3A_156 = tpu.memref_slice %arg2[%dma_wait3A_155, %mul3A_2] : memref<200x16384xi32, #tpu.memory_space<hbm>> -> memref<24x512xi32, #tpu.memory_space<hbm>>
    %dma_wait3A_157 = arith.constant 48 : i32
    %dma_wait3A_158 = tpu.memref_slice %arg2[%dma_wait3A_157, %mul3A_2] : memref<200x16384xi32, #tpu.memory_space<hbm>> -> memref<24x512xi32, #tpu.memory_space<hbm>>
    tpu.wait_dma2 semaphore(%arg12 : memref<!tpu.dma_semaphore, #tpu.memory_space<semaphore_mem>>) src(%dma_wait3A_158 : memref<24x512xi32, #tpu.memory_space<hbm>>) dst(%arg6 : memref<24x512xi32, #tpu.memory_space<vmem>>)
    %scan3A_159 = arith.constant 0 : i32
    %scan3A_160 = arith.constant 24 : i32
    %scan3A_161 = arith.addi %scan3A_159, %scan3A_160 : i32
    %scan3A_162 = arith.constant 1 : i32
    %scan3A_163 = scf.for %scan3A_193 = %scan3A_159 to %scan3A_161 step %scan3A_162 iter_args(%scan3A_194 = %scan3A_149) -> (vector<16xf32>)  : i32 {
      %get3A = arith.index_cast %scan3A_193 : i32 to index
      %get3A_195 = arith.constant 0 : index
      %get3A_196 = tpu.vector_load %arg6[%get3A, %get3A_195] {strides = array<i32>} : memref<24x512xi32, #tpu.memory_space<vmem>>, vector<16xi32>,
      %get3A_197 = arith.index_cast %scan3A_193 : i32 to index
      %get3A_198 = arith.constant 16 : index
      %get3A_199 = tpu.vector_load %arg6[%get3A_197, %get3A_198] {strides = array<i32>} : memref<24x512xi32, #tpu.memory_space<vmem>>, vector<16xi32>,
      %mul3A_200 = arith.constant 16 : i32
      %mul3A_201 = vector.broadcast %mul3A_200 : i32 to vector<16xi32>
      %mul3A_202 = arith.muli %get3A_196, %mul3A_201 : vector<16xi32>
      %add3A_203 = arith.addi %mul3A_202, %get3A_199 : vector<16xi32>
      %gather3A_204 = tpu.vector_load_idx %arg10[%add3A_203] : memref<256xf32, #tpu.memory_space<vmem>>[vector<16xi32>], vector<16xf32>,
      %add3A_205 = arith.addf %scan3A_194, %gather3A_204 : vector<16xf32>
      %get3A_206 = arith.index_cast %scan3A_193 : i32 to index
      %get3A_207 = arith.constant 32 : index
      %get3A_208 = tpu.vector_load %arg6[%get3A_206, %get3A_207] {strides = array<i32>} : memref<24x512xi32, #tpu.memory_space<vmem>>, vector<16xi32>,
      %get3A_209 = arith.index_cast %scan3A_193 : i32 to index
      %get3A_210 = arith.constant 48 : index
      %get3A_211 = tpu.vector_load %arg6[%get3A_209, %get3A_210] {strides = array<i32>} : memref<24x512xi32, #tpu.memory_space<vmem>>, vector<16xi32>,
      %mul3A_212 = arith.constant 16 : i32
      %mul3A_213 = vector.broadcast %mul3A_212 : i32 to vector<16xi32>
      %mul3A_214 = arith.muli %get3A_208, %mul3A_213 : vector<16xi32>
      %add3A_215 = arith.addi %mul3A_214, %get3A_211 : vector<16xi32>
      %gather3A_216 = tpu.vector_load_idx %arg10[%add3A_215] : memref<256xf32, #tpu.memory_space<vmem>>[vector<16xi32>], vector<16xf32>,
      %add3A_217 = arith.addf %add3A_205, %gather3A_216 : vector<16xf32>
      %get3A_218 = arith.index_cast %scan3A_193 : i32 to index
      %get3A_219 = arith.constant 64 : index
      %get3A_220 = tpu.vector_load %arg6[%get3A_218, %get3A_219] {strides = array<i32>} : memref<24x512xi32, #tpu.memory_space<vmem>>, vector<16xi32>,
      %get3A_221 = arith.index_cast %scan3A_193 : i32 to index
      %get3A_222 = arith.constant 80 : index
      %get3A_223 = tpu.vector_load %arg6[%get3A_221, %get3A_222] {strides = array<i32>} : memref<24x512xi32, #tpu.memory_space<vmem>>, vector<16xi32>,
      %mul3A_224 = arith.constant 16 : i32
      %mul3A_225 = vector.broadcast %mul3A_224 : i32 to vector<16xi32>
      %mul3A_226 = arith.muli %get3A_220, %mul3A_225 : vector<16xi32>
      %add3A_227 = arith.addi %mul3A_226, %get3A_223 : vector<16xi32>
      %gather3A_228 = tpu.vector_load_idx %arg10[%add3A_227] : memref<256xf32, #tpu.memory_space<vmem>>[vector<16xi32>], vector<16xf32>,
      %add3A_229 = arith.addf %add3A_217, %gather3A_228 : vector<16xf32>
      %get3A_230 = arith.index_cast %scan3A_193 : i32 to index
      %get3A_231 = arith.constant 96 : index
      %get3A_232 = tpu.vector_load %arg6[%get3A_230, %get3A_231] {strides = array<i32>} : memref<24x512xi32, #tpu.memory_space<vmem>>, vector<16xi32>,
      %get3A_233 = arith.index_cast %scan3A_193 : i32 to index
      %get3A_234 = arith.constant 112 : index
      %get3A_235 = tpu.vector_load %arg6[%get3A_233, %get3A_234] {strides = array<i32>} : memref<24x512xi32, #tpu.memory_space<vmem>>, vector<16xi32>,
      %mul3A_236 = arith.constant 16 : i32
      %mul3A_237 = vector.broadcast %mul3A_236 : i32 to vector<16xi32>
      %mul3A_238 = arith.muli %get3A_232, %mul3A_237 : vector<16xi32>
      %add3A_239 = arith.addi %mul3A_238, %get3A_235 : vector<16xi32>
      %gather3A_240 = tpu.vector_load_idx %arg10[%add3A_239] : memref<256xf32, #tpu.memory_space<vmem>>[vector<16xi32>], vector<16xf32>,
      %add3A_241 = arith.addf %add3A_229, %gather3A_240 : vector<16xf32>
      %get3A_242 = arith.index_cast %scan3A_193 : i32 to index
      %get3A_243 = arith.constant 128 : index
      %get3A_244 = tpu.vector_load %arg6[%get3A_242, %get3A_243] {strides = array<i32>} : memref<24x512xi32, #tpu.memory_space<vmem>>, vector<16xi32>,
      %get3A_245 = arith.index_cast %scan3A_193 : i32 to index
      %get3A_246 = arith.constant 144 : index
      %get3A_247 = tpu.vector_load %arg6[%get3A_245, %get3A_246] {strides = array<i32>} : memref<24x512xi32, #tpu.memory_space<vmem>>, vector<16xi32>,
      %mul3A_248 = arith.constant 16 : i32
      %mul3A_249 = vector.broadcast %mul3A_248 : i32 to vector<16xi32>
      %mul3A_250 = arith.muli %get3A_244, %mul3A_249 : vector<16xi32>
      %add3A_251 = arith.addi %mul3A_250, %get3A_247 : vector<16xi32>
      %gather3A_252 = tpu.vector_load_idx %arg10[%add3A_251] : memref<256xf32, #tpu.memory_space<vmem>>[vector<16xi32>], vector<16xf32>,
      %add3A_253 = arith.addf %add3A_241, %gather3A_252 : vector<16xf32>
      %get3A_254 = arith.index_cast %scan3A_193 : i32 to index
      %get3A_255 = arith.constant 160 : index
      %get3A_256 = tpu.vector_load %arg6[%get3A_254, %get3A_255] {strides = array<i32>} : memref<24x512xi32, #tpu.memory_space<vmem>>, vector<16xi32>,
      %get3A_257 = arith.index_cast %scan3A_193 : i32 to index
      %get3A_258 = arith.constant 176 : index
      %get3A_259 = tpu.vector_load %arg6[%get3A_257, %get3A_258] {strides = array<i32>} : memref<24x512xi32, #tpu.memory_space<vmem>>, vector<16xi32>,
      %mul3A_260 = arith.constant 16 : i32
      %mul3A_261 = vector.broadcast %mul3A_260 : i32 to vector<16xi32>
      %mul3A_262 = arith.muli %get3A_256, %mul3A_261 : vector<16xi32>
      %add3A_263 = arith.addi %mul3A_262, %get3A_259 : vector<16xi32>
      %gather3A_264 = tpu.vector_load_idx %arg10[%add3A_263] : memref<256xf32, #tpu.memory_space<vmem>>[vector<16xi32>], vector<16xf32>,
      %add3A_265 = arith.addf %add3A_253, %gather3A_264 : vector<16xf32>
      %get3A_266 = arith.index_cast %scan3A_193 : i32 to index
      %get3A_267 = arith.constant 192 : index
      %get3A_268 = tpu.vector_load %arg6[%get3A_266, %get3A_267] {strides = array<i32>} : memref<24x512xi32, #tpu.memory_space<vmem>>, vector<16xi32>,
      %get3A_269 = arith.index_cast %scan3A_193 : i32 to index
      %get3A_270 = arith.constant 208 : index
      %get3A_271 = tpu.vector_load %arg6[%get3A_269, %get3A_270] {strides = array<i32>} : memref<24x512xi32, #tpu.memory_space<vmem>>, vector<16xi32>,
      %mul3A_272 = arith.constant 16 : i32
      %mul3A_273 = vector.broadcast %mul3A_272 : i32 to vector<16xi32>
      %mul3A_274 = arith.muli %get3A_268, %mul3A_273 : vector<16xi32>
      %add3A_275 = arith.addi %mul3A_274, %get3A_271 : vector<16xi32>
      %gather3A_276 = tpu.vector_load_idx %arg10[%add3A_275] : memref<256xf32, #tpu.memory_space<vmem>>[vector<16xi32>], vector<16xf32>,
      %add3A_277 = arith.addf %add3A_265, %gather3A_276 : vector<16xf32>
      %get3A_278 = arith.index_cast %scan3A_193 : i32 to index
      %get3A_279 = arith.constant 224 : index
      %get3A_280 = tpu.vector_load %arg6[%get3A_278, %get3A_279] {strides = array<i32>} : memref<24x512xi32, #tpu.memory_space<vmem>>, vector<16xi32>,
      %get3A_281 = arith.index_cast %scan3A_193 : i32 to index
      %get3A_282 = arith.constant 240 : index
      %get3A_283 = tpu.vector_load %arg6[%get3A_281, %get3A_282] {strides = array<i32>} : memref<24x512xi32, #tpu.memory_space<vmem>>, vector<16xi32>,
      %mul3A_284 = arith.constant 16 : i32
      %mul3A_285 = vector.broadcast %mul3A_284 : i32 to vector<16xi32>
      %mul3A_286 = arith.muli %get3A_280, %mul3A_285 : vector<16xi32>
      %add3A_287 = arith.addi %mul3A_286, %get3A_283 : vector<16xi32>
      %gather3A_288 = tpu.vector_load_idx %arg10[%add3A_287] : memref<256xf32, #tpu.memory_space<vmem>>[vector<16xi32>], vector<16xf32>,
      %add3A_289 = arith.addf %add3A_277, %gather3A_288 : vector<16xf32>
      %get3A_290 = arith.index_cast %scan3A_193 : i32 to index
      %get3A_291 = arith.constant 256 : index
      %get3A_292 = tpu.vector_load %arg6[%get3A_290, %get3A_291] {strides = array<i32>} : memref<24x512xi32, #tpu.memory_space<vmem>>, vector<16xi32>,
      %get3A_293 = arith.index_cast %scan3A_193 : i32 to index
      %get3A_294 = arith.constant 272 : index
      %get3A_295 = tpu.vector_load %arg6[%get3A_293, %get3A_294] {strides = array<i32>} : memref<24x512xi32, #tpu.memory_space<vmem>>, vector<16xi32>,
      %mul3A_296 = arith.constant 16 : i32
      %mul3A_297 = vector.broadcast %mul3A_296 : i32 to vector<16xi32>
      %mul3A_298 = arith.muli %get3A_292, %mul3A_297 : vector<16xi32>
      %add3A_299 = arith.addi %mul3A_298, %get3A_295 : vector<16xi32>
      %gather3A_300 = tpu.vector_load_idx %arg10[%add3A_299] : memref<256xf32, #tpu.memory_space<vmem>>[vector<16xi32>], vector<16xf32>,
      %add3A_301 = arith.addf %add3A_289, %gather3A_300 : vector<16xf32>
      %get3A_302 = arith.index_cast %scan3A_193 : i32 to index
      %get3A_303 = arith.constant 288 : index
      %get3A_304 = tpu.vector_load %arg6[%get3A_302, %get3A_303] {strides = array<i32>} : memref<24x512xi32, #tpu.memory_space<vmem>>, vector<16xi32>,
      %get3A_305 = arith.index_cast %scan3A_193 : i32 to index
      %get3A_306 = arith.constant 304 : index
      %get3A_307 = tpu.vector_load %arg6[%get3A_305, %get3A_306] {strides = array<i32>} : memref<24x512xi32, #tpu.memory_space<vmem>>, vector<16xi32>,
      %mul3A_308 = arith.constant 16 : i32
      %mul3A_309 = vector.broadcast %mul3A_308 : i32 to vector<16xi32>
      %mul3A_310 = arith.muli %get3A_304, %mul3A_309 : vector<16xi32>
      %add3A_311 = arith.addi %mul3A_310, %get3A_307 : vector<16xi32>
      %gather3A_312 = tpu.vector_load_idx %arg10[%add3A_311] : memref<256xf32, #tpu.memory_space<vmem>>[vector<16xi32>], vector<16xf32>,
      %add3A_313 = arith.addf %add3A_301, %gather3A_312 : vector<16xf32>
      %get3A_314 = arith.index_cast %scan3A_193 : i32 to index
      %get3A_315 = arith.constant 320 : index
      %get3A_316 = tpu.vector_load %arg6[%get3A_314, %get3A_315] {strides = array<i32>} : memref<24x512xi32, #tpu.memory_space<vmem>>, vector<16xi32>,
      %get3A_317 = arith.index_cast %scan3A_193 : i32 to index
      %get3A_318 = arith.constant 336 : index
      %get3A_319 = tpu.vector_load %arg6[%get3A_317, %get3A_318] {strides = array<i32>} : memref<24x512xi32, #tpu.memory_space<vmem>>, vector<16xi32>,
      %mul3A_320 = arith.constant 16 : i32
      %mul3A_321 = vector.broadcast %mul3A_320 : i32 to vector<16xi32>
      %mul3A_322 = arith.muli %get3A_316, %mul3A_321 : vector<16xi32>
      %add3A_323 = arith.addi %mul3A_322, %get3A_319 : vector<16xi32>
      %gather3A_324 = tpu.vector_load_idx %arg10[%add3A_323] : memref<256xf32, #tpu.memory_space<vmem>>[vector<16xi32>], vector<16xf32>,
      %add3A_325 = arith.addf %add3A_313, %gather3A_324 : vector<16xf32>
      %get3A_326 = arith.index_cast %scan3A_193 : i32 to index
      %get3A_327 = arith.constant 352 : index
      %get3A_328 = tpu.vector_load %arg6[%get3A_326, %get3A_327] {strides = array<i32>} : memref<24x512xi32, #tpu.memory_space<vmem>>, vector<16xi32>,
      %get3A_329 = arith.index_cast %scan3A_193 : i32 to index
      %get3A_330 = arith.constant 368 : index
      %get3A_331 = tpu.vector_load %arg6[%get3A_329, %get3A_330] {strides = array<i32>} : memref<24x512xi32, #tpu.memory_space<vmem>>, vector<16xi32>,
      %mul3A_332 = arith.constant 16 : i32
      %mul3A_333 = vector.broadcast %mul3A_332 : i32 to vector<16xi32>
      %mul3A_334 = arith.muli %get3A_328, %mul3A_333 : vector<16xi32>
      %add3A_335 = arith.addi %mul3A_334, %get3A_331 : vector<16xi32>
      %gather3A_336 = tpu.vector_load_idx %arg10[%add3A_335] : memref<256xf32, #tpu.memory_space<vmem>>[vector<16xi32>], vector<16xf32>,
      %add3A_337 = arith.addf %add3A_325, %gather3A_336 : vector<16xf32>
      %get3A_338 = arith.index_cast %scan3A_193 : i32 to index
      %get3A_339 = arith.constant 384 : index
      %get3A_340 = tpu.vector_load %arg6[%get3A_338, %get3A_339] {strides = array<i32>} : memref<24x512xi32, #tpu.memory_space<vmem>>, vector<16xi32>,
      %get3A_341 = arith.index_cast %scan3A_193 : i32 to index
      %get3A_342 = arith.constant 400 : index
      %get3A_343 = tpu.vector_load %arg6[%get3A_341, %get3A_342] {strides = array<i32>} : memref<24x512xi32, #tpu.memory_space<vmem>>, vector<16xi32>,
      %mul3A_344 = arith.constant 16 : i32
      %mul3A_345 = vector.broadcast %mul3A_344 : i32 to vector<16xi32>
      %mul3A_346 = arith.muli %get3A_340, %mul3A_345 : vector<16xi32>
      %add3A_347 = arith.addi %mul3A_346, %get3A_343 : vector<16xi32>
      %gather3A_348 = tpu.vector_load_idx %arg10[%add3A_347] : memref<256xf32, #tpu.memory_space<vmem>>[vector<16xi32>], vector<16xf32>,
      %add3A_349 = arith.addf %add3A_337, %gather3A_348 : vector<16xf32>
      %get3A_350 = arith.index_cast %scan3A_193 : i32 to index
      %get3A_351 = arith.constant 416 : index
      %get3A_352 = tpu.vector_load %arg6[%get3A_350, %get3A_351] {strides = array<i32>} : memref<24x512xi32, #tpu.memory_space<vmem>>, vector<16xi32>,
      %get3A_353 = arith.index_cast %scan3A_193 : i32 to index
      %get3A_354 = arith.constant 432 : index
      %get3A_355 = tpu.vector_load %arg6[%get3A_353, %get3A_354] {strides = array<i32>} : memref<24x512xi32, #tpu.memory_space<vmem>>, vector<16xi32>,
      %mul3A_356 = arith.constant 16 : i32
      %mul3A_357 = vector.broadcast %mul3A_356 : i32 to vector<16xi32>
      %mul3A_358 = arith.muli %get3A_352, %mul3A_357 : vector<16xi32>
      %add3A_359 = arith.addi %mul3A_358, %get3A_355 : vector<16xi32>
      %gather3A_360 = tpu.vector_load_idx %arg10[%add3A_359] : memref<256xf32, #tpu.memory_space<vmem>>[vector<16xi32>], vector<16xf32>,
      %add3A_361 = arith.addf %add3A_349, %gather3A_360 : vector<16xf32>
      %get3A_362 = arith.index_cast %scan3A_193 : i32 to index
      %get3A_363 = arith.constant 448 : index
      %get3A_364 = tpu.vector_load %arg6[%get3A_362, %get3A_363] {strides = array<i32>} : memref<24x512xi32, #tpu.memory_space<vmem>>, vector<16xi32>,
      %get3A_365 = arith.index_cast %scan3A_193 : i32 to index
      %get3A_366 = arith.constant 464 : index
      %get3A_367 = tpu.vector_load %arg6[%get3A_365, %get3A_366] {strides = array<i32>} : memref<24x512xi32, #tpu.memory_space<vmem>>, vector<16xi32>,
      %mul3A_368 = arith.constant 16 : i32
      %mul3A_369 = vector.broadcast %mul3A_368 : i32 to vector<16xi32>
      %mul3A_370 = arith.muli %get3A_364, %mul3A_369 : vector<16xi32>
      %add3A_371 = arith.addi %mul3A_370, %get3A_367 : vector<16xi32>
      %gather3A_372 = tpu.vector_load_idx %arg10[%add3A_371] : memref<256xf32, #tpu.memory_space<vmem>>[vector<16xi32>], vector<16xf32>,
      %add3A_373 = arith.addf %add3A_361, %gather3A_372 : vector<16xf32>
      %get3A_374 = arith.index_cast %scan3A_193 : i32 to index
      %get3A_375 = arith.constant 480 : index
      %get3A_376 = tpu.vector_load %arg6[%get3A_374, %get3A_375] {strides = array<i32>} : memref<24x512xi32, #tpu.memory_space<vmem>>, vector<16xi32>,
      %get3A_377 = arith.index_cast %scan3A_193 : i32 to index
      %get3A_378 = arith.constant 496 : index
      %get3A_379 = tpu.vector_load %arg6[%get3A_377, %get3A_378] {strides = array<i32>} : memref<24x512xi32, #tpu.memory_space<vmem>>, vector<16xi32>,
      %mul3A_380 = arith.constant 16 : i32
      %mul3A_381 = vector.broadcast %mul3A_380 : i32 to vector<16xi32>
      %mul3A_382 = arith.muli %get3A_376, %mul3A_381 : vector<16xi32>
      %add3A_383 = arith.addi %mul3A_382, %get3A_379 : vector<16xi32>
      %gather3A_384 = tpu.vector_load_idx %arg10[%add3A_383] : memref<256xf32, #tpu.memory_space<vmem>>[vector<16xi32>], vector<16xf32>,
      %add3A_385 = arith.addf %add3A_373, %gather3A_384 : vector<16xf32>
      scf.yield %add3A_385 : vector<16xf32>
    }
    %scan3A_164 = arith.constant 24 : i32
    %dma_start3A_165 = arith.constant 96 : i32
    %dma_start3A_166 = tpu.memref_slice %arg2[%dma_start3A_165, %mul3A_2] : memref<200x16384xi32, #tpu.memory_space<hbm>> -> memref<24x512xi32, #tpu.memory_space<hbm>>
    %dma_start3A_167 = arith.constant 96 : i32
    %dma_start3A_168 = tpu.memref_slice %arg2[%dma_start3A_167, %mul3A_2] : memref<200x16384xi32, #tpu.memory_space<hbm>> -> memref<24x512xi32, #tpu.memory_space<hbm>>
    tpu.enqueue_dma source(%dma_start3A_168 : memref<24x512xi32, #tpu.memory_space<hbm>>) target(%arg6 : memref<24x512xi32, #tpu.memory_space<vmem>>) target_semaphore(%arg12 : memref<!tpu.dma_semaphore, #tpu.memory_space<semaphore_mem>>)
    %dma_wait3A_169 = arith.constant 72 : i32
    %dma_wait3A_170 = tpu.memref_slice %arg2[%dma_wait3A_169, %mul3A_2] : memref<200x16384xi32, #tpu.memory_space<hbm>> -> memref<24x512xi32, #tpu.memory_space<hbm>>
    %dma_wait3A_171 = arith.constant 72 : i32
    %dma_wait3A_172 = tpu.memref_slice %arg2[%dma_wait3A_171, %mul3A_2] : memref<200x16384xi32, #tpu.memory_space<hbm>> -> memref<24x512xi32, #tpu.memory_space<hbm>>
    tpu.wait_dma2 semaphore(%arg13 : memref<!tpu.dma_semaphore, #tpu.memory_space<semaphore_mem>>) src(%dma_wait3A_172 : memref<24x512xi32, #tpu.memory_space<hbm>>) dst(%arg7 : memref<24x512xi32, #tpu.memory_space<vmem>>)
    %scan3A_173 = arith.constant 0 : i32
    %scan3A_174 = arith.constant 24 : i32
    %scan3A_175 = arith.addi %scan3A_173, %scan3A_174 : i32
    %scan3A_176 = arith.constant 1 : i32
    %scan3A_177 = scf.for %scan3A_193 = %scan3A_173 to %scan3A_175 step %scan3A_176 iter_args(%scan3A_194 = %scan3A_163) -> (vector<16xf32>)  : i32 {
      %get3A = arith.index_cast %scan3A_193 : i32 to index
      %get3A_195 = arith.constant 0 : index
      %get3A_196 = tpu.vector_load %arg7[%get3A, %get3A_195] {strides = array<i32>} : memref<24x512xi32, #tpu.memory_space<vmem>>, vector<16xi32>,
      %get3A_197 = arith.index_cast %scan3A_193 : i32 to index
      %get3A_198 = arith.constant 16 : index
      %get3A_199 = tpu.vector_load %arg7[%get3A_197, %get3A_198] {strides = array<i32>} : memref<24x512xi32, #tpu.memory_space<vmem>>, vector<16xi32>,
      %mul3A_200 = arith.constant 16 : i32
      %mul3A_201 = vector.broadcast %mul3A_200 : i32 to vector<16xi32>
      %mul3A_202 = arith.muli %get3A_196, %mul3A_201 : vector<16xi32>
      %add3A_203 = arith.addi %mul3A_202, %get3A_199 : vector<16xi32>
      %gather3A_204 = tpu.vector_load_idx %arg10[%add3A_203] : memref<256xf32, #tpu.memory_space<vmem>>[vector<16xi32>], vector<16xf32>,
      %add3A_205 = arith.addf %scan3A_194, %gather3A_204 : vector<16xf32>
      %get3A_206 = arith.index_cast %scan3A_193 : i32 to index
      %get3A_207 = arith.constant 32 : index
      %get3A_208 = tpu.vector_load %arg7[%get3A_206, %get3A_207] {strides = array<i32>} : memref<24x512xi32, #tpu.memory_space<vmem>>, vector<16xi32>,
      %get3A_209 = arith.index_cast %scan3A_193 : i32 to index
      %get3A_210 = arith.constant 48 : index
      %get3A_211 = tpu.vector_load %arg7[%get3A_209, %get3A_210] {strides = array<i32>} : memref<24x512xi32, #tpu.memory_space<vmem>>, vector<16xi32>,
      %mul3A_212 = arith.constant 16 : i32
      %mul3A_213 = vector.broadcast %mul3A_212 : i32 to vector<16xi32>
      %mul3A_214 = arith.muli %get3A_208, %mul3A_213 : vector<16xi32>
      %add3A_215 = arith.addi %mul3A_214, %get3A_211 : vector<16xi32>
      %gather3A_216 = tpu.vector_load_idx %arg10[%add3A_215] : memref<256xf32, #tpu.memory_space<vmem>>[vector<16xi32>], vector<16xf32>,
      %add3A_217 = arith.addf %add3A_205, %gather3A_216 : vector<16xf32>
      %get3A_218 = arith.index_cast %scan3A_193 : i32 to index
      %get3A_219 = arith.constant 64 : index
      %get3A_220 = tpu.vector_load %arg7[%get3A_218, %get3A_219] {strides = array<i32>} : memref<24x512xi32, #tpu.memory_space<vmem>>, vector<16xi32>,
      %get3A_221 = arith.index_cast %scan3A_193 : i32 to index
      %get3A_222 = arith.constant 80 : index
      %get3A_223 = tpu.vector_load %arg7[%get3A_221, %get3A_222] {strides = array<i32>} : memref<24x512xi32, #tpu.memory_space<vmem>>, vector<16xi32>,
      %mul3A_224 = arith.constant 16 : i32
      %mul3A_225 = vector.broadcast %mul3A_224 : i32 to vector<16xi32>
      %mul3A_226 = arith.muli %get3A_220, %mul3A_225 : vector<16xi32>
      %add3A_227 = arith.addi %mul3A_226, %get3A_223 : vector<16xi32>
      %gather3A_228 = tpu.vector_load_idx %arg10[%add3A_227] : memref<256xf32, #tpu.memory_space<vmem>>[vector<16xi32>], vector<16xf32>,
      %add3A_229 = arith.addf %add3A_217, %gather3A_228 : vector<16xf32>
      %get3A_230 = arith.index_cast %scan3A_193 : i32 to index
      %get3A_231 = arith.constant 96 : index
      %get3A_232 = tpu.vector_load %arg7[%get3A_230, %get3A_231] {strides = array<i32>} : memref<24x512xi32, #tpu.memory_space<vmem>>, vector<16xi32>,
      %get3A_233 = arith.index_cast %scan3A_193 : i32 to index
      %get3A_234 = arith.constant 112 : index
      %get3A_235 = tpu.vector_load %arg7[%get3A_233, %get3A_234] {strides = array<i32>} : memref<24x512xi32, #tpu.memory_space<vmem>>, vector<16xi32>,
      %mul3A_236 = arith.constant 16 : i32
      %mul3A_237 = vector.broadcast %mul3A_236 : i32 to vector<16xi32>
      %mul3A_238 = arith.muli %get3A_232, %mul3A_237 : vector<16xi32>
      %add3A_239 = arith.addi %mul3A_238, %get3A_235 : vector<16xi32>
      %gather3A_240 = tpu.vector_load_idx %arg10[%add3A_239] : memref<256xf32, #tpu.memory_space<vmem>>[vector<16xi32>], vector<16xf32>,
      %add3A_241 = arith.addf %add3A_229, %gather3A_240 : vector<16xf32>
      %get3A_242 = arith.index_cast %scan3A_193 : i32 to index
      %get3A_243 = arith.constant 128 : index
      %get3A_244 = tpu.vector_load %arg7[%get3A_242, %get3A_243] {strides = array<i32>} : memref<24x512xi32, #tpu.memory_space<vmem>>, vector<16xi32>,
      %get3A_245 = arith.index_cast %scan3A_193 : i32 to index
      %get3A_246 = arith.constant 144 : index
      %get3A_247 = tpu.vector_load %arg7[%get3A_245, %get3A_246] {strides = array<i32>} : memref<24x512xi32, #tpu.memory_space<vmem>>, vector<16xi32>,
      %mul3A_248 = arith.constant 16 : i32
      %mul3A_249 = vector.broadcast %mul3A_248 : i32 to vector<16xi32>
      %mul3A_250 = arith.muli %get3A_244, %mul3A_249 : vector<16xi32>
      %add3A_251 = arith.addi %mul3A_250, %get3A_247 : vector<16xi32>
      %gather3A_252 = tpu.vector_load_idx %arg10[%add3A_251] : memref<256xf32, #tpu.memory_space<vmem>>[vector<16xi32>], vector<16xf32>,
      %add3A_253 = arith.addf %add3A_241, %gather3A_252 : vector<16xf32>
      %get3A_254 = arith.index_cast %scan3A_193 : i32 to index
      %get3A_255 = arith.constant 160 : index
      %get3A_256 = tpu.vector_load %arg7[%get3A_254, %get3A_255] {strides = array<i32>} : memref<24x512xi32, #tpu.memory_space<vmem>>, vector<16xi32>,
      %get3A_257 = arith.index_cast %scan3A_193 : i32 to index
      %get3A_258 = arith.constant 176 : index
      %get3A_259 = tpu.vector_load %arg7[%get3A_257, %get3A_258] {strides = array<i32>} : memref<24x512xi32, #tpu.memory_space<vmem>>, vector<16xi32>,
      %mul3A_260 = arith.constant 16 : i32
      %mul3A_261 = vector.broadcast %mul3A_260 : i32 to vector<16xi32>
      %mul3A_262 = arith.muli %get3A_256, %mul3A_261 : vector<16xi32>
      %add3A_263 = arith.addi %mul3A_262, %get3A_259 : vector<16xi32>
      %gather3A_264 = tpu.vector_load_idx %arg10[%add3A_263] : memref<256xf32, #tpu.memory_space<vmem>>[vector<16xi32>], vector<16xf32>,
      %add3A_265 = arith.addf %add3A_253, %gather3A_264 : vector<16xf32>
      %get3A_266 = arith.index_cast %scan3A_193 : i32 to index
      %get3A_267 = arith.constant 192 : index
      %get3A_268 = tpu.vector_load %arg7[%get3A_266, %get3A_267] {strides = array<i32>} : memref<24x512xi32, #tpu.memory_space<vmem>>, vector<16xi32>,
      %get3A_269 = arith.index_cast %scan3A_193 : i32 to index
      %get3A_270 = arith.constant 208 : index
      %get3A_271 = tpu.vector_load %arg7[%get3A_269, %get3A_270] {strides = array<i32>} : memref<24x512xi32, #tpu.memory_space<vmem>>, vector<16xi32>,
      %mul3A_272 = arith.constant 16 : i32
      %mul3A_273 = vector.broadcast %mul3A_272 : i32 to vector<16xi32>
      %mul3A_274 = arith.muli %get3A_268, %mul3A_273 : vector<16xi32>
      %add3A_275 = arith.addi %mul3A_274, %get3A_271 : vector<16xi32>
      %gather3A_276 = tpu.vector_load_idx %arg10[%add3A_275] : memref<256xf32, #tpu.memory_space<vmem>>[vector<16xi32>], vector<16xf32>,
      %add3A_277 = arith.addf %add3A_265, %gather3A_276 : vector<16xf32>
      %get3A_278 = arith.index_cast %scan3A_193 : i32 to index
      %get3A_279 = arith.constant 224 : index
      %get3A_280 = tpu.vector_load %arg7[%get3A_278, %get3A_279] {strides = array<i32>} : memref<24x512xi32, #tpu.memory_space<vmem>>, vector<16xi32>,
      %get3A_281 = arith.index_cast %scan3A_193 : i32 to index
      %get3A_282 = arith.constant 240 : index
      %get3A_283 = tpu.vector_load %arg7[%get3A_281, %get3A_282] {strides = array<i32>} : memref<24x512xi32, #tpu.memory_space<vmem>>, vector<16xi32>,
      %mul3A_284 = arith.constant 16 : i32
      %mul3A_285 = vector.broadcast %mul3A_284 : i32 to vector<16xi32>
      %mul3A_286 = arith.muli %get3A_280, %mul3A_285 : vector<16xi32>
      %add3A_287 = arith.addi %mul3A_286, %get3A_283 : vector<16xi32>
      %gather3A_288 = tpu.vector_load_idx %arg10[%add3A_287] : memref<256xf32, #tpu.memory_space<vmem>>[vector<16xi32>], vector<16xf32>,
      %add3A_289 = arith.addf %add3A_277, %gather3A_288 : vector<16xf32>
      %get3A_290 = arith.index_cast %scan3A_193 : i32 to index
      %get3A_291 = arith.constant 256 : index
      %get3A_292 = tpu.vector_load %arg7[%get3A_290, %get3A_291] {strides = array<i32>} : memref<24x512xi32, #tpu.memory_space<vmem>>, vector<16xi32>,
      %get3A_293 = arith.index_cast %scan3A_193 : i32 to index
      %get3A_294 = arith.constant 272 : index
      %get3A_295 = tpu.vector_load %arg7[%get3A_293, %get3A_294] {strides = array<i32>} : memref<24x512xi32, #tpu.memory_space<vmem>>, vector<16xi32>,
      %mul3A_296 = arith.constant 16 : i32
      %mul3A_297 = vector.broadcast %mul3A_296 : i32 to vector<16xi32>
      %mul3A_298 = arith.muli %get3A_292, %mul3A_297 : vector<16xi32>
      %add3A_299 = arith.addi %mul3A_298, %get3A_295 : vector<16xi32>
      %gather3A_300 = tpu.vector_load_idx %arg10[%add3A_299] : memref<256xf32, #tpu.memory_space<vmem>>[vector<16xi32>], vector<16xf32>,
      %add3A_301 = arith.addf %add3A_289, %gather3A_300 : vector<16xf32>
      %get3A_302 = arith.index_cast %scan3A_193 : i32 to index
      %get3A_303 = arith.constant 288 : index
      %get3A_304 = tpu.vector_load %arg7[%get3A_302, %get3A_303] {strides = array<i32>} : memref<24x512xi32, #tpu.memory_space<vmem>>, vector<16xi32>,
      %get3A_305 = arith.index_cast %scan3A_193 : i32 to index
      %get3A_306 = arith.constant 304 : index
      %get3A_307 = tpu.vector_load %arg7[%get3A_305, %get3A_306] {strides = array<i32>} : memref<24x512xi32, #tpu.memory_space<vmem>>, vector<16xi32>,
      %mul3A_308 = arith.constant 16 : i32
      %mul3A_309 = vector.broadcast %mul3A_308 : i32 to vector<16xi32>
      %mul3A_310 = arith.muli %get3A_304, %mul3A_309 : vector<16xi32>
      %add3A_311 = arith.addi %mul3A_310, %get3A_307 : vector<16xi32>
      %gather3A_312 = tpu.vector_load_idx %arg10[%add3A_311] : memref<256xf32, #tpu.memory_space<vmem>>[vector<16xi32>], vector<16xf32>,
      %add3A_313 = arith.addf %add3A_301, %gather3A_312 : vector<16xf32>
      %get3A_314 = arith.index_cast %scan3A_193 : i32 to index
      %get3A_315 = arith.constant 320 : index
      %get3A_316 = tpu.vector_load %arg7[%get3A_314, %get3A_315] {strides = array<i32>} : memref<24x512xi32, #tpu.memory_space<vmem>>, vector<16xi32>,
      %get3A_317 = arith.index_cast %scan3A_193 : i32 to index
      %get3A_318 = arith.constant 336 : index
      %get3A_319 = tpu.vector_load %arg7[%get3A_317, %get3A_318] {strides = array<i32>} : memref<24x512xi32, #tpu.memory_space<vmem>>, vector<16xi32>,
      %mul3A_320 = arith.constant 16 : i32
      %mul3A_321 = vector.broadcast %mul3A_320 : i32 to vector<16xi32>
      %mul3A_322 = arith.muli %get3A_316, %mul3A_321 : vector<16xi32>
      %add3A_323 = arith.addi %mul3A_322, %get3A_319 : vector<16xi32>
      %gather3A_324 = tpu.vector_load_idx %arg10[%add3A_323] : memref<256xf32, #tpu.memory_space<vmem>>[vector<16xi32>], vector<16xf32>,
      %add3A_325 = arith.addf %add3A_313, %gather3A_324 : vector<16xf32>
      %get3A_326 = arith.index_cast %scan3A_193 : i32 to index
      %get3A_327 = arith.constant 352 : index
      %get3A_328 = tpu.vector_load %arg7[%get3A_326, %get3A_327] {strides = array<i32>} : memref<24x512xi32, #tpu.memory_space<vmem>>, vector<16xi32>,
      %get3A_329 = arith.index_cast %scan3A_193 : i32 to index
      %get3A_330 = arith.constant 368 : index
      %get3A_331 = tpu.vector_load %arg7[%get3A_329, %get3A_330] {strides = array<i32>} : memref<24x512xi32, #tpu.memory_space<vmem>>, vector<16xi32>,
      %mul3A_332 = arith.constant 16 : i32
      %mul3A_333 = vector.broadcast %mul3A_332 : i32 to vector<16xi32>
      %mul3A_334 = arith.muli %get3A_328, %mul3A_333 : vector<16xi32>
      %add3A_335 = arith.addi %mul3A_334, %get3A_331 : vector<16xi32>
      %gather3A_336 = tpu.vector_load_idx %arg10[%add3A_335] : memref<256xf32, #tpu.memory_space<vmem>>[vector<16xi32>], vector<16xf32>,
      %add3A_337 = arith.addf %add3A_325, %gather3A_336 : vector<16xf32>
      %get3A_338 = arith.index_cast %scan3A_193 : i32 to index
      %get3A_339 = arith.constant 384 : index
      %get3A_340 = tpu.vector_load %arg7[%get3A_338, %get3A_339] {strides = array<i32>} : memref<24x512xi32, #tpu.memory_space<vmem>>, vector<16xi32>,
      %get3A_341 = arith.index_cast %scan3A_193 : i32 to index
      %get3A_342 = arith.constant 400 : index
      %get3A_343 = tpu.vector_load %arg7[%get3A_341, %get3A_342] {strides = array<i32>} : memref<24x512xi32, #tpu.memory_space<vmem>>, vector<16xi32>,
      %mul3A_344 = arith.constant 16 : i32
      %mul3A_345 = vector.broadcast %mul3A_344 : i32 to vector<16xi32>
      %mul3A_346 = arith.muli %get3A_340, %mul3A_345 : vector<16xi32>
      %add3A_347 = arith.addi %mul3A_346, %get3A_343 : vector<16xi32>
      %gather3A_348 = tpu.vector_load_idx %arg10[%add3A_347] : memref<256xf32, #tpu.memory_space<vmem>>[vector<16xi32>], vector<16xf32>,
      %add3A_349 = arith.addf %add3A_337, %gather3A_348 : vector<16xf32>
      %get3A_350 = arith.index_cast %scan3A_193 : i32 to index
      %get3A_351 = arith.constant 416 : index
      %get3A_352 = tpu.vector_load %arg7[%get3A_350, %get3A_351] {strides = array<i32>} : memref<24x512xi32, #tpu.memory_space<vmem>>, vector<16xi32>,
      %get3A_353 = arith.index_cast %scan3A_193 : i32 to index
      %get3A_354 = arith.constant 432 : index
      %get3A_355 = tpu.vector_load %arg7[%get3A_353, %get3A_354] {strides = array<i32>} : memref<24x512xi32, #tpu.memory_space<vmem>>, vector<16xi32>,
      %mul3A_356 = arith.constant 16 : i32
      %mul3A_357 = vector.broadcast %mul3A_356 : i32 to vector<16xi32>
      %mul3A_358 = arith.muli %get3A_352, %mul3A_357 : vector<16xi32>
      %add3A_359 = arith.addi %mul3A_358, %get3A_355 : vector<16xi32>
      %gather3A_360 = tpu.vector_load_idx %arg10[%add3A_359] : memref<256xf32, #tpu.memory_space<vmem>>[vector<16xi32>], vector<16xf32>,
      %add3A_361 = arith.addf %add3A_349, %gather3A_360 : vector<16xf32>
      %get3A_362 = arith.index_cast %scan3A_193 : i32 to index
      %get3A_363 = arith.constant 448 : index
      %get3A_364 = tpu.vector_load %arg7[%get3A_362, %get3A_363] {strides = array<i32>} : memref<24x512xi32, #tpu.memory_space<vmem>>, vector<16xi32>,
      %get3A_365 = arith.index_cast %scan3A_193 : i32 to index
      %get3A_366 = arith.constant 464 : index
      %get3A_367 = tpu.vector_load %arg7[%get3A_365, %get3A_366] {strides = array<i32>} : memref<24x512xi32, #tpu.memory_space<vmem>>, vector<16xi32>,
      %mul3A_368 = arith.constant 16 : i32
      %mul3A_369 = vector.broadcast %mul3A_368 : i32 to vector<16xi32>
      %mul3A_370 = arith.muli %get3A_364, %mul3A_369 : vector<16xi32>
      %add3A_371 = arith.addi %mul3A_370, %get3A_367 : vector<16xi32>
      %gather3A_372 = tpu.vector_load_idx %arg10[%add3A_371] : memref<256xf32, #tpu.memory_space<vmem>>[vector<16xi32>], vector<16xf32>,
      %add3A_373 = arith.addf %add3A_361, %gather3A_372 : vector<16xf32>
      %get3A_374 = arith.index_cast %scan3A_193 : i32 to index
      %get3A_375 = arith.constant 480 : index
      %get3A_376 = tpu.vector_load %arg7[%get3A_374, %get3A_375] {strides = array<i32>} : memref<24x512xi32, #tpu.memory_space<vmem>>, vector<16xi32>,
      %get3A_377 = arith.index_cast %scan3A_193 : i32 to index
      %get3A_378 = arith.constant 496 : index
      %get3A_379 = tpu.vector_load %arg7[%get3A_377, %get3A_378] {strides = array<i32>} : memref<24x512xi32, #tpu.memory_space<vmem>>, vector<16xi32>,
      %mul3A_380 = arith.constant 16 : i32
      %mul3A_381 = vector.broadcast %mul3A_380 : i32 to vector<16xi32>
      %mul3A_382 = arith.muli %get3A_376, %mul3A_381 : vector<16xi32>
      %add3A_383 = arith.addi %mul3A_382, %get3A_379 : vector<16xi32>
      %gather3A_384 = tpu.vector_load_idx %arg10[%add3A_383] : memref<256xf32, #tpu.memory_space<vmem>>[vector<16xi32>], vector<16xf32>,
      %add3A_385 = arith.addf %add3A_373, %gather3A_384 : vector<16xf32>
      scf.yield %add3A_385 : vector<16xf32>
    }
    %scan3A_178 = arith.constant 24 : i32
    %dma_wait3A_179 = arith.constant 96 : i32
    %dma_wait3A_180 = tpu.memref_slice %arg2[%dma_wait3A_179, %mul3A_2] : memref<200x16384xi32, #tpu.memory_space<hbm>> -> memref<24x512xi32, #tpu.memory_space<hbm>>
    %dma_wait3A_181 = arith.constant 96 : i32
    %dma_wait3A_182 = tpu.memref_slice %arg2[%dma_wait3A_181, %mul3A_2] : memref<200x16384xi32, #tpu.memory_space<hbm>> -> memref<24x512xi32, #tpu.memory_space<hbm>>
    tpu.wait_dma2 semaphore(%arg12 : memref<!tpu.dma_semaphore, #tpu.memory_space<semaphore_mem>>) src(%dma_wait3A_182 : memref<24x512xi32, #tpu.memory_space<hbm>>) dst(%arg6 : memref<24x512xi32, #tpu.memory_space<vmem>>)
    %scan3A_183 = arith.constant 0 : i32
    %scan3A_184 = arith.constant 24 : i32
    %scan3A_185 = arith.addi %scan3A_183, %scan3A_184 : i32
    %scan3A_186 = arith.constant 1 : i32
    %scan3A_187 = scf.for %scan3A_193 = %scan3A_183 to %scan3A_185 step %scan3A_186 iter_args(%scan3A_194 = %scan3A_177) -> (vector<16xf32>)  : i32 {
      %get3A = arith.index_cast %scan3A_193 : i32 to index
      %get3A_195 = arith.constant 0 : index
      %get3A_196 = tpu.vector_load %arg6[%get3A, %get3A_195] {strides = array<i32>} : memref<24x512xi32, #tpu.memory_space<vmem>>, vector<16xi32>,
      %get3A_197 = arith.index_cast %scan3A_193 : i32 to index
      %get3A_198 = arith.constant 16 : index
      %get3A_199 = tpu.vector_load %arg6[%get3A_197, %get3A_198] {strides = array<i32>} : memref<24x512xi32, #tpu.memory_space<vmem>>, vector<16xi32>,
      %mul3A_200 = arith.constant 16 : i32
      %mul3A_201 = vector.broadcast %mul3A_200 : i32 to vector<16xi32>
      %mul3A_202 = arith.muli %get3A_196, %mul3A_201 : vector<16xi32>
      %add3A_203 = arith.addi %mul3A_202, %get3A_199 : vector<16xi32>
      %gather3A_204 = tpu.vector_load_idx %arg10[%add3A_203] : memref<256xf32, #tpu.memory_space<vmem>>[vector<16xi32>], vector<16xf32>,
      %add3A_205 = arith.addf %scan3A_194, %gather3A_204 : vector<16xf32>
      %get3A_206 = arith.index_cast %scan3A_193 : i32 to index
      %get3A_207 = arith.constant 32 : index
      %get3A_208 = tpu.vector_load %arg6[%get3A_206, %get3A_207] {strides = array<i32>} : memref<24x512xi32, #tpu.memory_space<vmem>>, vector<16xi32>,
      %get3A_209 = arith.index_cast %scan3A_193 : i32 to index
      %get3A_210 = arith.constant 48 : index
      %get3A_211 = tpu.vector_load %arg6[%get3A_209, %get3A_210] {strides = array<i32>} : memref<24x512xi32, #tpu.memory_space<vmem>>, vector<16xi32>,
      %mul3A_212 = arith.constant 16 : i32
      %mul3A_213 = vector.broadcast %mul3A_212 : i32 to vector<16xi32>
      %mul3A_214 = arith.muli %get3A_208, %mul3A_213 : vector<16xi32>
      %add3A_215 = arith.addi %mul3A_214, %get3A_211 : vector<16xi32>
      %gather3A_216 = tpu.vector_load_idx %arg10[%add3A_215] : memref<256xf32, #tpu.memory_space<vmem>>[vector<16xi32>], vector<16xf32>,
      %add3A_217 = arith.addf %add3A_205, %gather3A_216 : vector<16xf32>
      %get3A_218 = arith.index_cast %scan3A_193 : i32 to index
      %get3A_219 = arith.constant 64 : index
      %get3A_220 = tpu.vector_load %arg6[%get3A_218, %get3A_219] {strides = array<i32>} : memref<24x512xi32, #tpu.memory_space<vmem>>, vector<16xi32>,
      %get3A_221 = arith.index_cast %scan3A_193 : i32 to index
      %get3A_222 = arith.constant 80 : index
      %get3A_223 = tpu.vector_load %arg6[%get3A_221, %get3A_222] {strides = array<i32>} : memref<24x512xi32, #tpu.memory_space<vmem>>, vector<16xi32>,
      %mul3A_224 = arith.constant 16 : i32
      %mul3A_225 = vector.broadcast %mul3A_224 : i32 to vector<16xi32>
      %mul3A_226 = arith.muli %get3A_220, %mul3A_225 : vector<16xi32>
      %add3A_227 = arith.addi %mul3A_226, %get3A_223 : vector<16xi32>
      %gather3A_228 = tpu.vector_load_idx %arg10[%add3A_227] : memref<256xf32, #tpu.memory_space<vmem>>[vector<16xi32>], vector<16xf32>,
      %add3A_229 = arith.addf %add3A_217, %gather3A_228 : vector<16xf32>
      %get3A_230 = arith.index_cast %scan3A_193 : i32 to index
      %get3A_231 = arith.constant 96 : index
      %get3A_232 = tpu.vector_load %arg6[%get3A_230, %get3A_231] {strides = array<i32>} : memref<24x512xi32, #tpu.memory_space<vmem>>, vector<16xi32>,
      %get3A_233 = arith.index_cast %scan3A_193 : i32 to index
      %get3A_234 = arith.constant 112 : index
      %get3A_235 = tpu.vector_load %arg6[%get3A_233, %get3A_234] {strides = array<i32>} : memref<24x512xi32, #tpu.memory_space<vmem>>, vector<16xi32>,
      %mul3A_236 = arith.constant 16 : i32
      %mul3A_237 = vector.broadcast %mul3A_236 : i32 to vector<16xi32>
      %mul3A_238 = arith.muli %get3A_232, %mul3A_237 : vector<16xi32>
      %add3A_239 = arith.addi %mul3A_238, %get3A_235 : vector<16xi32>
      %gather3A_240 = tpu.vector_load_idx %arg10[%add3A_239] : memref<256xf32, #tpu.memory_space<vmem>>[vector<16xi32>], vector<16xf32>,
      %add3A_241 = arith.addf %add3A_229, %gather3A_240 : vector<16xf32>
      %get3A_242 = arith.index_cast %scan3A_193 : i32 to index
      %get3A_243 = arith.constant 128 : index
      %get3A_244 = tpu.vector_load %arg6[%get3A_242, %get3A_243] {strides = array<i32>} : memref<24x512xi32, #tpu.memory_space<vmem>>, vector<16xi32>,
      %get3A_245 = arith.index_cast %scan3A_193 : i32 to index
      %get3A_246 = arith.constant 144 : index
      %get3A_247 = tpu.vector_load %arg6[%get3A_245, %get3A_246] {strides = array<i32>} : memref<24x512xi32, #tpu.memory_space<vmem>>, vector<16xi32>,
      %mul3A_248 = arith.constant 16 : i32
      %mul3A_249 = vector.broadcast %mul3A_248 : i32 to vector<16xi32>
      %mul3A_250 = arith.muli %get3A_244, %mul3A_249 : vector<16xi32>
      %add3A_251 = arith.addi %mul3A_250, %get3A_247 : vector<16xi32>
      %gather3A_252 = tpu.vector_load_idx %arg10[%add3A_251] : memref<256xf32, #tpu.memory_space<vmem>>[vector<16xi32>], vector<16xf32>,
      %add3A_253 = arith.addf %add3A_241, %gather3A_252 : vector<16xf32>
      %get3A_254 = arith.index_cast %scan3A_193 : i32 to index
      %get3A_255 = arith.constant 160 : index
      %get3A_256 = tpu.vector_load %arg6[%get3A_254, %get3A_255] {strides = array<i32>} : memref<24x512xi32, #tpu.memory_space<vmem>>, vector<16xi32>,
      %get3A_257 = arith.index_cast %scan3A_193 : i32 to index
      %get3A_258 = arith.constant 176 : index
      %get3A_259 = tpu.vector_load %arg6[%get3A_257, %get3A_258] {strides = array<i32>} : memref<24x512xi32, #tpu.memory_space<vmem>>, vector<16xi32>,
      %mul3A_260 = arith.constant 16 : i32
      %mul3A_261 = vector.broadcast %mul3A_260 : i32 to vector<16xi32>
      %mul3A_262 = arith.muli %get3A_256, %mul3A_261 : vector<16xi32>
      %add3A_263 = arith.addi %mul3A_262, %get3A_259 : vector<16xi32>
      %gather3A_264 = tpu.vector_load_idx %arg10[%add3A_263] : memref<256xf32, #tpu.memory_space<vmem>>[vector<16xi32>], vector<16xf32>,
      %add3A_265 = arith.addf %add3A_253, %gather3A_264 : vector<16xf32>
      %get3A_266 = arith.index_cast %scan3A_193 : i32 to index
      %get3A_267 = arith.constant 192 : index
      %get3A_268 = tpu.vector_load %arg6[%get3A_266, %get3A_267] {strides = array<i32>} : memref<24x512xi32, #tpu.memory_space<vmem>>, vector<16xi32>,
      %get3A_269 = arith.index_cast %scan3A_193 : i32 to index
      %get3A_270 = arith.constant 208 : index
      %get3A_271 = tpu.vector_load %arg6[%get3A_269, %get3A_270] {strides = array<i32>} : memref<24x512xi32, #tpu.memory_space<vmem>>, vector<16xi32>,
      %mul3A_272 = arith.constant 16 : i32
      %mul3A_273 = vector.broadcast %mul3A_272 : i32 to vector<16xi32>
      %mul3A_274 = arith.muli %get3A_268, %mul3A_273 : vector<16xi32>
      %add3A_275 = arith.addi %mul3A_274, %get3A_271 : vector<16xi32>
      %gather3A_276 = tpu.vector_load_idx %arg10[%add3A_275] : memref<256xf32, #tpu.memory_space<vmem>>[vector<16xi32>], vector<16xf32>,
      %add3A_277 = arith.addf %add3A_265, %gather3A_276 : vector<16xf32>
      %get3A_278 = arith.index_cast %scan3A_193 : i32 to index
      %get3A_279 = arith.constant 224 : index
      %get3A_280 = tpu.vector_load %arg6[%get3A_278, %get3A_279] {strides = array<i32>} : memref<24x512xi32, #tpu.memory_space<vmem>>, vector<16xi32>,
      %get3A_281 = arith.index_cast %scan3A_193 : i32 to index
      %get3A_282 = arith.constant 240 : index
      %get3A_283 = tpu.vector_load %arg6[%get3A_281, %get3A_282] {strides = array<i32>} : memref<24x512xi32, #tpu.memory_space<vmem>>, vector<16xi32>,
      %mul3A_284 = arith.constant 16 : i32
      %mul3A_285 = vector.broadcast %mul3A_284 : i32 to vector<16xi32>
      %mul3A_286 = arith.muli %get3A_280, %mul3A_285 : vector<16xi32>
      %add3A_287 = arith.addi %mul3A_286, %get3A_283 : vector<16xi32>
      %gather3A_288 = tpu.vector_load_idx %arg10[%add3A_287] : memref<256xf32, #tpu.memory_space<vmem>>[vector<16xi32>], vector<16xf32>,
      %add3A_289 = arith.addf %add3A_277, %gather3A_288 : vector<16xf32>
      %get3A_290 = arith.index_cast %scan3A_193 : i32 to index
      %get3A_291 = arith.constant 256 : index
      %get3A_292 = tpu.vector_load %arg6[%get3A_290, %get3A_291] {strides = array<i32>} : memref<24x512xi32, #tpu.memory_space<vmem>>, vector<16xi32>,
      %get3A_293 = arith.index_cast %scan3A_193 : i32 to index
      %get3A_294 = arith.constant 272 : index
      %get3A_295 = tpu.vector_load %arg6[%get3A_293, %get3A_294] {strides = array<i32>} : memref<24x512xi32, #tpu.memory_space<vmem>>, vector<16xi32>,
      %mul3A_296 = arith.constant 16 : i32
      %mul3A_297 = vector.broadcast %mul3A_296 : i32 to vector<16xi32>
      %mul3A_298 = arith.muli %get3A_292, %mul3A_297 : vector<16xi32>
      %add3A_299 = arith.addi %mul3A_298, %get3A_295 : vector<16xi32>
      %gather3A_300 = tpu.vector_load_idx %arg10[%add3A_299] : memref<256xf32, #tpu.memory_space<vmem>>[vector<16xi32>], vector<16xf32>,
      %add3A_301 = arith.addf %add3A_289, %gather3A_300 : vector<16xf32>
      %get3A_302 = arith.index_cast %scan3A_193 : i32 to index
      %get3A_303 = arith.constant 288 : index
      %get3A_304 = tpu.vector_load %arg6[%get3A_302, %get3A_303] {strides = array<i32>} : memref<24x512xi32, #tpu.memory_space<vmem>>, vector<16xi32>,
      %get3A_305 = arith.index_cast %scan3A_193 : i32 to index
      %get3A_306 = arith.constant 304 : index
      %get3A_307 = tpu.vector_load %arg6[%get3A_305, %get3A_306] {strides = array<i32>} : memref<24x512xi32, #tpu.memory_space<vmem>>, vector<16xi32>,
      %mul3A_308 = arith.constant 16 : i32
      %mul3A_309 = vector.broadcast %mul3A_308 : i32 to vector<16xi32>
      %mul3A_310 = arith.muli %get3A_304, %mul3A_309 : vector<16xi32>
      %add3A_311 = arith.addi %mul3A_310, %get3A_307 : vector<16xi32>
      %gather3A_312 = tpu.vector_load_idx %arg10[%add3A_311] : memref<256xf32, #tpu.memory_space<vmem>>[vector<16xi32>], vector<16xf32>,
      %add3A_313 = arith.addf %add3A_301, %gather3A_312 : vector<16xf32>
      %get3A_314 = arith.index_cast %scan3A_193 : i32 to index
      %get3A_315 = arith.constant 320 : index
      %get3A_316 = tpu.vector_load %arg6[%get3A_314, %get3A_315] {strides = array<i32>} : memref<24x512xi32, #tpu.memory_space<vmem>>, vector<16xi32>,
      %get3A_317 = arith.index_cast %scan3A_193 : i32 to index
      %get3A_318 = arith.constant 336 : index
      %get3A_319 = tpu.vector_load %arg6[%get3A_317, %get3A_318] {strides = array<i32>} : memref<24x512xi32, #tpu.memory_space<vmem>>, vector<16xi32>,
      %mul3A_320 = arith.constant 16 : i32
      %mul3A_321 = vector.broadcast %mul3A_320 : i32 to vector<16xi32>
      %mul3A_322 = arith.muli %get3A_316, %mul3A_321 : vector<16xi32>
      %add3A_323 = arith.addi %mul3A_322, %get3A_319 : vector<16xi32>
      %gather3A_324 = tpu.vector_load_idx %arg10[%add3A_323] : memref<256xf32, #tpu.memory_space<vmem>>[vector<16xi32>], vector<16xf32>,
      %add3A_325 = arith.addf %add3A_313, %gather3A_324 : vector<16xf32>
      %get3A_326 = arith.index_cast %scan3A_193 : i32 to index
      %get3A_327 = arith.constant 352 : index
      %get3A_328 = tpu.vector_load %arg6[%get3A_326, %get3A_327] {strides = array<i32>} : memref<24x512xi32, #tpu.memory_space<vmem>>, vector<16xi32>,
      %get3A_329 = arith.index_cast %scan3A_193 : i32 to index
      %get3A_330 = arith.constant 368 : index
      %get3A_331 = tpu.vector_load %arg6[%get3A_329, %get3A_330] {strides = array<i32>} : memref<24x512xi32, #tpu.memory_space<vmem>>, vector<16xi32>,
      %mul3A_332 = arith.constant 16 : i32
      %mul3A_333 = vector.broadcast %mul3A_332 : i32 to vector<16xi32>
      %mul3A_334 = arith.muli %get3A_328, %mul3A_333 : vector<16xi32>
      %add3A_335 = arith.addi %mul3A_334, %get3A_331 : vector<16xi32>
      %gather3A_336 = tpu.vector_load_idx %arg10[%add3A_335] : memref<256xf32, #tpu.memory_space<vmem>>[vector<16xi32>], vector<16xf32>,
      %add3A_337 = arith.addf %add3A_325, %gather3A_336 : vector<16xf32>
      %get3A_338 = arith.index_cast %scan3A_193 : i32 to index
      %get3A_339 = arith.constant 384 : index
      %get3A_340 = tpu.vector_load %arg6[%get3A_338, %get3A_339] {strides = array<i32>} : memref<24x512xi32, #tpu.memory_space<vmem>>, vector<16xi32>,
      %get3A_341 = arith.index_cast %scan3A_193 : i32 to index
      %get3A_342 = arith.constant 400 : index
      %get3A_343 = tpu.vector_load %arg6[%get3A_341, %get3A_342] {strides = array<i32>} : memref<24x512xi32, #tpu.memory_space<vmem>>, vector<16xi32>,
      %mul3A_344 = arith.constant 16 : i32
      %mul3A_345 = vector.broadcast %mul3A_344 : i32 to vector<16xi32>
      %mul3A_346 = arith.muli %get3A_340, %mul3A_345 : vector<16xi32>
      %add3A_347 = arith.addi %mul3A_346, %get3A_343 : vector<16xi32>
      %gather3A_348 = tpu.vector_load_idx %arg10[%add3A_347] : memref<256xf32, #tpu.memory_space<vmem>>[vector<16xi32>], vector<16xf32>,
      %add3A_349 = arith.addf %add3A_337, %gather3A_348 : vector<16xf32>
      %get3A_350 = arith.index_cast %scan3A_193 : i32 to index
      %get3A_351 = arith.constant 416 : index
      %get3A_352 = tpu.vector_load %arg6[%get3A_350, %get3A_351] {strides = array<i32>} : memref<24x512xi32, #tpu.memory_space<vmem>>, vector<16xi32>,
      %get3A_353 = arith.index_cast %scan3A_193 : i32 to index
      %get3A_354 = arith.constant 432 : index
      %get3A_355 = tpu.vector_load %arg6[%get3A_353, %get3A_354] {strides = array<i32>} : memref<24x512xi32, #tpu.memory_space<vmem>>, vector<16xi32>,
      %mul3A_356 = arith.constant 16 : i32
      %mul3A_357 = vector.broadcast %mul3A_356 : i32 to vector<16xi32>
      %mul3A_358 = arith.muli %get3A_352, %mul3A_357 : vector<16xi32>
      %add3A_359 = arith.addi %mul3A_358, %get3A_355 : vector<16xi32>
      %gather3A_360 = tpu.vector_load_idx %arg10[%add3A_359] : memref<256xf32, #tpu.memory_space<vmem>>[vector<16xi32>], vector<16xf32>,
      %add3A_361 = arith.addf %add3A_349, %gather3A_360 : vector<16xf32>
      %get3A_362 = arith.index_cast %scan3A_193 : i32 to index
      %get3A_363 = arith.constant 448 : index
      %get3A_364 = tpu.vector_load %arg6[%get3A_362, %get3A_363] {strides = array<i32>} : memref<24x512xi32, #tpu.memory_space<vmem>>, vector<16xi32>,
      %get3A_365 = arith.index_cast %scan3A_193 : i32 to index
      %get3A_366 = arith.constant 464 : index
      %get3A_367 = tpu.vector_load %arg6[%get3A_365, %get3A_366] {strides = array<i32>} : memref<24x512xi32, #tpu.memory_space<vmem>>, vector<16xi32>,
      %mul3A_368 = arith.constant 16 : i32
      %mul3A_369 = vector.broadcast %mul3A_368 : i32 to vector<16xi32>
      %mul3A_370 = arith.muli %get3A_364, %mul3A_369 : vector<16xi32>
      %add3A_371 = arith.addi %mul3A_370, %get3A_367 : vector<16xi32>
      %gather3A_372 = tpu.vector_load_idx %arg10[%add3A_371] : memref<256xf32, #tpu.memory_space<vmem>>[vector<16xi32>], vector<16xf32>,
      %add3A_373 = arith.addf %add3A_361, %gather3A_372 : vector<16xf32>
      %get3A_374 = arith.index_cast %scan3A_193 : i32 to index
      %get3A_375 = arith.constant 480 : index
      %get3A_376 = tpu.vector_load %arg6[%get3A_374, %get3A_375] {strides = array<i32>} : memref<24x512xi32, #tpu.memory_space<vmem>>, vector<16xi32>,
      %get3A_377 = arith.index_cast %scan3A_193 : i32 to index
      %get3A_378 = arith.constant 496 : index
      %get3A_379 = tpu.vector_load %arg6[%get3A_377, %get3A_378] {strides = array<i32>} : memref<24x512xi32, #tpu.memory_space<vmem>>, vector<16xi32>,
      %mul3A_380 = arith.constant 16 : i32
      %mul3A_381 = vector.broadcast %mul3A_380 : i32 to vector<16xi32>
      %mul3A_382 = arith.muli %get3A_376, %mul3A_381 : vector<16xi32>
      %add3A_383 = arith.addi %mul3A_382, %get3A_379 : vector<16xi32>
      %gather3A_384 = tpu.vector_load_idx %arg10[%add3A_383] : memref<256xf32, #tpu.memory_space<vmem>>[vector<16xi32>], vector<16xf32>,
      %add3A_385 = arith.addf %add3A_373, %gather3A_384 : vector<16xf32>
      scf.yield %add3A_385 : vector<16xf32>
    }
    %scan3A_188 = arith.constant 24 : i32
    %swap3A_189 = arith.constant 0 : i32
    %swap3A_190 = arith.index_cast %swap3A_189 : i32 to index
    %swap3A_191 = arith.constant 0 : index
    %swap3A_192 = tpu.vector_load %arg11[%swap3A_190, %swap3A_191] {strides = array<i32>} : memref<1x16xf32, #tpu.memory_space<vmem>>, vector<16xf32>,
    tpu.vector_store %arg11[%swap3A_190, %swap3A_191], %scan3A_187 {strides = array<i32>} : memref<1x16xf32, #tpu.memory_space<vmem>>, vector<16xf32>,
    "tpu.region"() ({
      %run_scoped3A = tpu.sem_alloc : memref<!tpu.dma_semaphore, #tpu.memory_space<semaphore_mem>>
      %dma_start3A_193 = arith.constant 0 : i32
      %dma_start3A_194 = tpu.memref_slice %arg5[%add3A, %dma_start3A_193] : memref<32x16xf32, #tpu.memory_space<hbm>> -> memref<1x16xf32, #tpu.memory_space<hbm>>
      %dma_start3A_195 = arith.constant 0 : i32
      %dma_start3A_196 = tpu.memref_slice %arg5[%add3A, %dma_start3A_195] : memref<32x16xf32, #tpu.memory_space<hbm>> -> memref<1x16xf32, #tpu.memory_space<hbm>>
      tpu.enqueue_dma source(%arg11 : memref<1x16xf32, #tpu.memory_space<vmem>>) target(%dma_start3A_196 : memref<1x16xf32, #tpu.memory_space<hbm>>) target_semaphore(%run_scoped3A : memref<!tpu.dma_semaphore, #tpu.memory_space<semaphore_mem>>)
      %dma_wait3A_197 = arith.constant 0 : i32
      %dma_wait3A_198 = tpu.memref_slice %arg5[%add3A, %dma_wait3A_197] : memref<32x16xf32, #tpu.memory_space<hbm>> -> memref<1x16xf32, #tpu.memory_space<hbm>>
      %dma_wait3A_199 = arith.constant 0 : i32
      %dma_wait3A_200 = tpu.memref_slice %arg5[%add3A, %dma_wait3A_199] : memref<32x16xf32, #tpu.memory_space<hbm>> -> memref<1x16xf32, #tpu.memory_space<hbm>>
      tpu.wait_dma2 semaphore(%run_scoped3A : memref<!tpu.dma_semaphore, #tpu.memory_space<semaphore_mem>>) src(%arg11 : memref<1x16xf32, #tpu.memory_space<vmem>>) dst(%dma_wait3A_200 : memref<1x16xf32, #tpu.memory_space<hbm>>)
      tpu.yield
    }) : () -> ()
    return
  }
}

module attributes {stable_mosaic.version = 14 : i64} {
  func.func @_tc_body(%arg0: i32, %arg1: i32, %arg2: memref<40x2048xi32, #tpu.memory_space<vmem>>, %arg3: memref<10x10xf32, #tpu.memory_space<smem>>, %arg4: memref<10x10xf32, #tpu.memory_space<smem>>, %arg5: memref<1x1xf32, #tpu.memory_space<smem>>, %arg6: memref<10xf32, #tpu.memory_space<smem>>, %arg7: memref<8x128xf32, #tpu.memory_space<vmem>>) attributes {dimension_semantics = [#tpu.dimension_semantics<arbitrary>, #tpu.dimension_semantics<arbitrary>], iteration_bounds = array<i64: 2, 8>, scalar_prefetch = 0 : i64, scratch_operands = 2 : i64, tpu.core_type = #tpu.core_type<tc>, window_params = [{transform_indices = @transform_0, window_bounds = array<i64: 40, 2048>}, {transform_indices = @transform_1, window_bounds = array<i64: 10, 10>}, {transform_indices = @transform_2, window_bounds = array<i64: 10, 10>}, {transform_indices = @transform_3, window_bounds = array<i64: 1, 1>}]} {
    %eq3A = arith.constant 0 : i32
    %eq3A_0 = arith.cmpi eq, %arg0, %eq3A : i32
    %eq3A_1 = arith.constant 0 : i32
    %eq3A_2 = arith.cmpi eq, %arg1, %eq3A_1 : i32
    %and3A = arith.andi %eq3A_0, %eq3A_2 : i1
    %convert_element_type3A = arith.extui %and3A : i1 to i32
    %cond3A = arith.constant 0 : i32
    %cond3A_3 = arith.cmpi ne, %convert_element_type3A, %cond3A : i32
    scf.if %cond3A_3 {
      %broadcast_in_dim3A_241 = arith.constant 0.000000e+00 : f32
      %broadcast_in_dim3A_242 = vector.broadcast %broadcast_in_dim3A_241 : f32 to vector<8x128xf32>
      %swap3A_243 = arith.constant 0 : index
      %swap3A_244 = arith.constant 0 : index
      %swap3A_245 = vector.load %arg7[%swap3A_243, %swap3A_244] : memref<8x128xf32, #tpu.memory_space<vmem>>, vector<8x128xf32>
      tpu.vector_store %arg7[%swap3A_243, %swap3A_244], %broadcast_in_dim3A_242 {strides = array<i32>} : memref<8x128xf32, #tpu.memory_space<vmem>>, vector<8x128xf32>,
      %get3A_246 = arith.constant 0 : index
      %get3A_247 = arith.constant 0 : index
      %get3A_248 = memref.load %arg3[%get3A_246, %get3A_247] : memref<10x10xf32, #tpu.memory_space<smem>>
      %get3A_249 = arith.constant 0 : index
      %get3A_250 = arith.constant 0 : index
      %get3A_251 = memref.load %arg4[%get3A_249, %get3A_250] : memref<10x10xf32, #tpu.memory_space<smem>>
      %add3A_252 = arith.addf %get3A_248, %get3A_251 : f32
      %get3A_253 = arith.constant 0 : index
      %get3A_254 = arith.constant 1 : index
      %get3A_255 = memref.load %arg3[%get3A_253, %get3A_254] : memref<10x10xf32, #tpu.memory_space<smem>>
      %add3A_256 = arith.addf %add3A_252, %get3A_255 : f32
      %get3A_257 = arith.constant 0 : index
      %get3A_258 = arith.constant 1 : index
      %get3A_259 = memref.load %arg4[%get3A_257, %get3A_258] : memref<10x10xf32, #tpu.memory_space<smem>>
      %add3A_260 = arith.addf %add3A_256, %get3A_259 : f32
      %get3A_261 = arith.constant 0 : index
      %get3A_262 = arith.constant 2 : index
      %get3A_263 = memref.load %arg3[%get3A_261, %get3A_262] : memref<10x10xf32, #tpu.memory_space<smem>>
      %add3A_264 = arith.addf %add3A_260, %get3A_263 : f32
      %get3A_265 = arith.constant 0 : index
      %get3A_266 = arith.constant 2 : index
      %get3A_267 = memref.load %arg4[%get3A_265, %get3A_266] : memref<10x10xf32, #tpu.memory_space<smem>>
      %add3A_268 = arith.addf %add3A_264, %get3A_267 : f32
      %get3A_269 = arith.constant 0 : index
      %get3A_270 = arith.constant 3 : index
      %get3A_271 = memref.load %arg3[%get3A_269, %get3A_270] : memref<10x10xf32, #tpu.memory_space<smem>>
      %add3A_272 = arith.addf %add3A_268, %get3A_271 : f32
      %get3A_273 = arith.constant 0 : index
      %get3A_274 = arith.constant 3 : index
      %get3A_275 = memref.load %arg4[%get3A_273, %get3A_274] : memref<10x10xf32, #tpu.memory_space<smem>>
      %add3A_276 = arith.addf %add3A_272, %get3A_275 : f32
      %get3A_277 = arith.constant 0 : index
      %get3A_278 = arith.constant 4 : index
      %get3A_279 = memref.load %arg3[%get3A_277, %get3A_278] : memref<10x10xf32, #tpu.memory_space<smem>>
      %add3A_280 = arith.addf %add3A_276, %get3A_279 : f32
      %get3A_281 = arith.constant 0 : index
      %get3A_282 = arith.constant 4 : index
      %get3A_283 = memref.load %arg4[%get3A_281, %get3A_282] : memref<10x10xf32, #tpu.memory_space<smem>>
      %add3A_284 = arith.addf %add3A_280, %get3A_283 : f32
      %get3A_285 = arith.constant 0 : index
      %get3A_286 = arith.constant 5 : index
      %get3A_287 = memref.load %arg3[%get3A_285, %get3A_286] : memref<10x10xf32, #tpu.memory_space<smem>>
      %add3A_288 = arith.addf %add3A_284, %get3A_287 : f32
      %get3A_289 = arith.constant 0 : index
      %get3A_290 = arith.constant 5 : index
      %get3A_291 = memref.load %arg4[%get3A_289, %get3A_290] : memref<10x10xf32, #tpu.memory_space<smem>>
      %add3A_292 = arith.addf %add3A_288, %get3A_291 : f32
      %get3A_293 = arith.constant 0 : index
      %get3A_294 = arith.constant 6 : index
      %get3A_295 = memref.load %arg3[%get3A_293, %get3A_294] : memref<10x10xf32, #tpu.memory_space<smem>>
      %add3A_296 = arith.addf %add3A_292, %get3A_295 : f32
      %get3A_297 = arith.constant 0 : index
      %get3A_298 = arith.constant 6 : index
      %get3A_299 = memref.load %arg4[%get3A_297, %get3A_298] : memref<10x10xf32, #tpu.memory_space<smem>>
      %add3A_300 = arith.addf %add3A_296, %get3A_299 : f32
      %get3A_301 = arith.constant 0 : index
      %get3A_302 = arith.constant 7 : index
      %get3A_303 = memref.load %arg3[%get3A_301, %get3A_302] : memref<10x10xf32, #tpu.memory_space<smem>>
      %add3A_304 = arith.addf %add3A_300, %get3A_303 : f32
      %get3A_305 = arith.constant 0 : index
      %get3A_306 = arith.constant 7 : index
      %get3A_307 = memref.load %arg4[%get3A_305, %get3A_306] : memref<10x10xf32, #tpu.memory_space<smem>>
      %add3A_308 = arith.addf %add3A_304, %get3A_307 : f32
      %get3A_309 = arith.constant 0 : index
      %get3A_310 = arith.constant 8 : index
      %get3A_311 = memref.load %arg3[%get3A_309, %get3A_310] : memref<10x10xf32, #tpu.memory_space<smem>>
      %add3A_312 = arith.addf %add3A_308, %get3A_311 : f32
      %get3A_313 = arith.constant 0 : index
      %get3A_314 = arith.constant 8 : index
      %get3A_315 = memref.load %arg4[%get3A_313, %get3A_314] : memref<10x10xf32, #tpu.memory_space<smem>>
      %add3A_316 = arith.addf %add3A_312, %get3A_315 : f32
      %get3A_317 = arith.constant 0 : index
      %get3A_318 = arith.constant 9 : index
      %get3A_319 = memref.load %arg3[%get3A_317, %get3A_318] : memref<10x10xf32, #tpu.memory_space<smem>>
      %add3A_320 = arith.addf %add3A_316, %get3A_319 : f32
      %get3A_321 = arith.constant 0 : index
      %get3A_322 = arith.constant 9 : index
      %get3A_323 = memref.load %arg4[%get3A_321, %get3A_322] : memref<10x10xf32, #tpu.memory_space<smem>>
      %add3A_324 = arith.addf %add3A_320, %get3A_323 : f32
      %swap3A_325 = arith.constant 0 : index
      %swap3A_326 = memref.load %arg6[%swap3A_325] : memref<10xf32, #tpu.memory_space<smem>>
      memref.store %add3A_324, %arg6[%swap3A_325] : memref<10xf32, #tpu.memory_space<smem>>
      %get3A_327 = arith.constant 1 : index
      %get3A_328 = arith.constant 0 : index
      %get3A_329 = memref.load %arg3[%get3A_327, %get3A_328] : memref<10x10xf32, #tpu.memory_space<smem>>
      %get3A_330 = arith.constant 1 : index
      %get3A_331 = arith.constant 0 : index
      %get3A_332 = memref.load %arg4[%get3A_330, %get3A_331] : memref<10x10xf32, #tpu.memory_space<smem>>
      %add3A_333 = arith.addf %get3A_329, %get3A_332 : f32
      %get3A_334 = arith.constant 1 : index
      %get3A_335 = arith.constant 1 : index
      %get3A_336 = memref.load %arg3[%get3A_334, %get3A_335] : memref<10x10xf32, #tpu.memory_space<smem>>
      %add3A_337 = arith.addf %add3A_333, %get3A_336 : f32
      %get3A_338 = arith.constant 1 : index
      %get3A_339 = arith.constant 1 : index
      %get3A_340 = memref.load %arg4[%get3A_338, %get3A_339] : memref<10x10xf32, #tpu.memory_space<smem>>
      %add3A_341 = arith.addf %add3A_337, %get3A_340 : f32
      %get3A_342 = arith.constant 1 : index
      %get3A_343 = arith.constant 2 : index
      %get3A_344 = memref.load %arg3[%get3A_342, %get3A_343] : memref<10x10xf32, #tpu.memory_space<smem>>
      %add3A_345 = arith.addf %add3A_341, %get3A_344 : f32
      %get3A_346 = arith.constant 1 : index
      %get3A_347 = arith.constant 2 : index
      %get3A_348 = memref.load %arg4[%get3A_346, %get3A_347] : memref<10x10xf32, #tpu.memory_space<smem>>
      %add3A_349 = arith.addf %add3A_345, %get3A_348 : f32
      %get3A_350 = arith.constant 1 : index
      %get3A_351 = arith.constant 3 : index
      %get3A_352 = memref.load %arg3[%get3A_350, %get3A_351] : memref<10x10xf32, #tpu.memory_space<smem>>
      %add3A_353 = arith.addf %add3A_349, %get3A_352 : f32
      %get3A_354 = arith.constant 1 : index
      %get3A_355 = arith.constant 3 : index
      %get3A_356 = memref.load %arg4[%get3A_354, %get3A_355] : memref<10x10xf32, #tpu.memory_space<smem>>
      %add3A_357 = arith.addf %add3A_353, %get3A_356 : f32
      %get3A_358 = arith.constant 1 : index
      %get3A_359 = arith.constant 4 : index
      %get3A_360 = memref.load %arg3[%get3A_358, %get3A_359] : memref<10x10xf32, #tpu.memory_space<smem>>
      %add3A_361 = arith.addf %add3A_357, %get3A_360 : f32
      %get3A_362 = arith.constant 1 : index
      %get3A_363 = arith.constant 4 : index
      %get3A_364 = memref.load %arg4[%get3A_362, %get3A_363] : memref<10x10xf32, #tpu.memory_space<smem>>
      %add3A_365 = arith.addf %add3A_361, %get3A_364 : f32
      %get3A_366 = arith.constant 1 : index
      %get3A_367 = arith.constant 5 : index
      %get3A_368 = memref.load %arg3[%get3A_366, %get3A_367] : memref<10x10xf32, #tpu.memory_space<smem>>
      %add3A_369 = arith.addf %add3A_365, %get3A_368 : f32
      %get3A_370 = arith.constant 1 : index
      %get3A_371 = arith.constant 5 : index
      %get3A_372 = memref.load %arg4[%get3A_370, %get3A_371] : memref<10x10xf32, #tpu.memory_space<smem>>
      %add3A_373 = arith.addf %add3A_369, %get3A_372 : f32
      %get3A_374 = arith.constant 1 : index
      %get3A_375 = arith.constant 6 : index
      %get3A_376 = memref.load %arg3[%get3A_374, %get3A_375] : memref<10x10xf32, #tpu.memory_space<smem>>
      %add3A_377 = arith.addf %add3A_373, %get3A_376 : f32
      %get3A_378 = arith.constant 1 : index
      %get3A_379 = arith.constant 6 : index
      %get3A_380 = memref.load %arg4[%get3A_378, %get3A_379] : memref<10x10xf32, #tpu.memory_space<smem>>
      %add3A_381 = arith.addf %add3A_377, %get3A_380 : f32
      %get3A_382 = arith.constant 1 : index
      %get3A_383 = arith.constant 7 : index
      %get3A_384 = memref.load %arg3[%get3A_382, %get3A_383] : memref<10x10xf32, #tpu.memory_space<smem>>
      %add3A_385 = arith.addf %add3A_381, %get3A_384 : f32
      %get3A_386 = arith.constant 1 : index
      %get3A_387 = arith.constant 7 : index
      %get3A_388 = memref.load %arg4[%get3A_386, %get3A_387] : memref<10x10xf32, #tpu.memory_space<smem>>
      %add3A_389 = arith.addf %add3A_385, %get3A_388 : f32
      %get3A_390 = arith.constant 1 : index
      %get3A_391 = arith.constant 8 : index
      %get3A_392 = memref.load %arg3[%get3A_390, %get3A_391] : memref<10x10xf32, #tpu.memory_space<smem>>
      %add3A_393 = arith.addf %add3A_389, %get3A_392 : f32
      %get3A_394 = arith.constant 1 : index
      %get3A_395 = arith.constant 8 : index
      %get3A_396 = memref.load %arg4[%get3A_394, %get3A_395] : memref<10x10xf32, #tpu.memory_space<smem>>
      %add3A_397 = arith.addf %add3A_393, %get3A_396 : f32
      %get3A_398 = arith.constant 1 : index
      %get3A_399 = arith.constant 9 : index
      %get3A_400 = memref.load %arg3[%get3A_398, %get3A_399] : memref<10x10xf32, #tpu.memory_space<smem>>
      %add3A_401 = arith.addf %add3A_397, %get3A_400 : f32
      %get3A_402 = arith.constant 1 : index
      %get3A_403 = arith.constant 9 : index
      %get3A_404 = memref.load %arg4[%get3A_402, %get3A_403] : memref<10x10xf32, #tpu.memory_space<smem>>
      %add3A_405 = arith.addf %add3A_401, %get3A_404 : f32
      %swap3A_406 = arith.constant 1 : index
      %swap3A_407 = memref.load %arg6[%swap3A_406] : memref<10xf32, #tpu.memory_space<smem>>
      memref.store %add3A_405, %arg6[%swap3A_406] : memref<10xf32, #tpu.memory_space<smem>>
      %get3A_408 = arith.constant 2 : index
      %get3A_409 = arith.constant 0 : index
      %get3A_410 = memref.load %arg3[%get3A_408, %get3A_409] : memref<10x10xf32, #tpu.memory_space<smem>>
      %get3A_411 = arith.constant 2 : index
      %get3A_412 = arith.constant 0 : index
      %get3A_413 = memref.load %arg4[%get3A_411, %get3A_412] : memref<10x10xf32, #tpu.memory_space<smem>>
      %add3A_414 = arith.addf %get3A_410, %get3A_413 : f32
      %get3A_415 = arith.constant 2 : index
      %get3A_416 = arith.constant 1 : index
      %get3A_417 = memref.load %arg3[%get3A_415, %get3A_416] : memref<10x10xf32, #tpu.memory_space<smem>>
      %add3A_418 = arith.addf %add3A_414, %get3A_417 : f32
      %get3A_419 = arith.constant 2 : index
      %get3A_420 = arith.constant 1 : index
      %get3A_421 = memref.load %arg4[%get3A_419, %get3A_420] : memref<10x10xf32, #tpu.memory_space<smem>>
      %add3A_422 = arith.addf %add3A_418, %get3A_421 : f32
      %get3A_423 = arith.constant 2 : index
      %get3A_424 = arith.constant 2 : index
      %get3A_425 = memref.load %arg3[%get3A_423, %get3A_424] : memref<10x10xf32, #tpu.memory_space<smem>>
      %add3A_426 = arith.addf %add3A_422, %get3A_425 : f32
      %get3A_427 = arith.constant 2 : index
      %get3A_428 = arith.constant 2 : index
      %get3A_429 = memref.load %arg4[%get3A_427, %get3A_428] : memref<10x10xf32, #tpu.memory_space<smem>>
      %add3A_430 = arith.addf %add3A_426, %get3A_429 : f32
      %get3A_431 = arith.constant 2 : index
      %get3A_432 = arith.constant 3 : index
      %get3A_433 = memref.load %arg3[%get3A_431, %get3A_432] : memref<10x10xf32, #tpu.memory_space<smem>>
      %add3A_434 = arith.addf %add3A_430, %get3A_433 : f32
      %get3A_435 = arith.constant 2 : index
      %get3A_436 = arith.constant 3 : index
      %get3A_437 = memref.load %arg4[%get3A_435, %get3A_436] : memref<10x10xf32, #tpu.memory_space<smem>>
      %add3A_438 = arith.addf %add3A_434, %get3A_437 : f32
      %get3A_439 = arith.constant 2 : index
      %get3A_440 = arith.constant 4 : index
      %get3A_441 = memref.load %arg3[%get3A_439, %get3A_440] : memref<10x10xf32, #tpu.memory_space<smem>>
      %add3A_442 = arith.addf %add3A_438, %get3A_441 : f32
      %get3A_443 = arith.constant 2 : index
      %get3A_444 = arith.constant 4 : index
      %get3A_445 = memref.load %arg4[%get3A_443, %get3A_444] : memref<10x10xf32, #tpu.memory_space<smem>>
      %add3A_446 = arith.addf %add3A_442, %get3A_445 : f32
      %get3A_447 = arith.constant 2 : index
      %get3A_448 = arith.constant 5 : index
      %get3A_449 = memref.load %arg3[%get3A_447, %get3A_448] : memref<10x10xf32, #tpu.memory_space<smem>>
      %add3A_450 = arith.addf %add3A_446, %get3A_449 : f32
      %get3A_451 = arith.constant 2 : index
      %get3A_452 = arith.constant 5 : index
      %get3A_453 = memref.load %arg4[%get3A_451, %get3A_452] : memref<10x10xf32, #tpu.memory_space<smem>>
      %add3A_454 = arith.addf %add3A_450, %get3A_453 : f32
      %get3A_455 = arith.constant 2 : index
      %get3A_456 = arith.constant 6 : index
      %get3A_457 = memref.load %arg3[%get3A_455, %get3A_456] : memref<10x10xf32, #tpu.memory_space<smem>>
      %add3A_458 = arith.addf %add3A_454, %get3A_457 : f32
      %get3A_459 = arith.constant 2 : index
      %get3A_460 = arith.constant 6 : index
      %get3A_461 = memref.load %arg4[%get3A_459, %get3A_460] : memref<10x10xf32, #tpu.memory_space<smem>>
      %add3A_462 = arith.addf %add3A_458, %get3A_461 : f32
      %get3A_463 = arith.constant 2 : index
      %get3A_464 = arith.constant 7 : index
      %get3A_465 = memref.load %arg3[%get3A_463, %get3A_464] : memref<10x10xf32, #tpu.memory_space<smem>>
      %add3A_466 = arith.addf %add3A_462, %get3A_465 : f32
      %get3A_467 = arith.constant 2 : index
      %get3A_468 = arith.constant 7 : index
      %get3A_469 = memref.load %arg4[%get3A_467, %get3A_468] : memref<10x10xf32, #tpu.memory_space<smem>>
      %add3A_470 = arith.addf %add3A_466, %get3A_469 : f32
      %get3A_471 = arith.constant 2 : index
      %get3A_472 = arith.constant 8 : index
      %get3A_473 = memref.load %arg3[%get3A_471, %get3A_472] : memref<10x10xf32, #tpu.memory_space<smem>>
      %add3A_474 = arith.addf %add3A_470, %get3A_473 : f32
      %get3A_475 = arith.constant 2 : index
      %get3A_476 = arith.constant 8 : index
      %get3A_477 = memref.load %arg4[%get3A_475, %get3A_476] : memref<10x10xf32, #tpu.memory_space<smem>>
      %add3A_478 = arith.addf %add3A_474, %get3A_477 : f32
      %get3A_479 = arith.constant 2 : index
      %get3A_480 = arith.constant 9 : index
      %get3A_481 = memref.load %arg3[%get3A_479, %get3A_480] : memref<10x10xf32, #tpu.memory_space<smem>>
      %add3A_482 = arith.addf %add3A_478, %get3A_481 : f32
      %get3A_483 = arith.constant 2 : index
      %get3A_484 = arith.constant 9 : index
      %get3A_485 = memref.load %arg4[%get3A_483, %get3A_484] : memref<10x10xf32, #tpu.memory_space<smem>>
      %add3A_486 = arith.addf %add3A_482, %get3A_485 : f32
      %swap3A_487 = arith.constant 2 : index
      %swap3A_488 = memref.load %arg6[%swap3A_487] : memref<10xf32, #tpu.memory_space<smem>>
      memref.store %add3A_486, %arg6[%swap3A_487] : memref<10xf32, #tpu.memory_space<smem>>
      %get3A_489 = arith.constant 3 : index
      %get3A_490 = arith.constant 0 : index
      %get3A_491 = memref.load %arg3[%get3A_489, %get3A_490] : memref<10x10xf32, #tpu.memory_space<smem>>
      %get3A_492 = arith.constant 3 : index
      %get3A_493 = arith.constant 0 : index
      %get3A_494 = memref.load %arg4[%get3A_492, %get3A_493] : memref<10x10xf32, #tpu.memory_space<smem>>
      %add3A_495 = arith.addf %get3A_491, %get3A_494 : f32
      %get3A_496 = arith.constant 3 : index
      %get3A_497 = arith.constant 1 : index
      %get3A_498 = memref.load %arg3[%get3A_496, %get3A_497] : memref<10x10xf32, #tpu.memory_space<smem>>
      %add3A_499 = arith.addf %add3A_495, %get3A_498 : f32
      %get3A_500 = arith.constant 3 : index
      %get3A_501 = arith.constant 1 : index
      %get3A_502 = memref.load %arg4[%get3A_500, %get3A_501] : memref<10x10xf32, #tpu.memory_space<smem>>
      %add3A_503 = arith.addf %add3A_499, %get3A_502 : f32
      %get3A_504 = arith.constant 3 : index
      %get3A_505 = arith.constant 2 : index
      %get3A_506 = memref.load %arg3[%get3A_504, %get3A_505] : memref<10x10xf32, #tpu.memory_space<smem>>
      %add3A_507 = arith.addf %add3A_503, %get3A_506 : f32
      %get3A_508 = arith.constant 3 : index
      %get3A_509 = arith.constant 2 : index
      %get3A_510 = memref.load %arg4[%get3A_508, %get3A_509] : memref<10x10xf32, #tpu.memory_space<smem>>
      %add3A_511 = arith.addf %add3A_507, %get3A_510 : f32
      %get3A_512 = arith.constant 3 : index
      %get3A_513 = arith.constant 3 : index
      %get3A_514 = memref.load %arg3[%get3A_512, %get3A_513] : memref<10x10xf32, #tpu.memory_space<smem>>
      %add3A_515 = arith.addf %add3A_511, %get3A_514 : f32
      %get3A_516 = arith.constant 3 : index
      %get3A_517 = arith.constant 3 : index
      %get3A_518 = memref.load %arg4[%get3A_516, %get3A_517] : memref<10x10xf32, #tpu.memory_space<smem>>
      %add3A_519 = arith.addf %add3A_515, %get3A_518 : f32
      %get3A_520 = arith.constant 3 : index
      %get3A_521 = arith.constant 4 : index
      %get3A_522 = memref.load %arg3[%get3A_520, %get3A_521] : memref<10x10xf32, #tpu.memory_space<smem>>
      %add3A_523 = arith.addf %add3A_519, %get3A_522 : f32
      %get3A_524 = arith.constant 3 : index
      %get3A_525 = arith.constant 4 : index
      %get3A_526 = memref.load %arg4[%get3A_524, %get3A_525] : memref<10x10xf32, #tpu.memory_space<smem>>
      %add3A_527 = arith.addf %add3A_523, %get3A_526 : f32
      %get3A_528 = arith.constant 3 : index
      %get3A_529 = arith.constant 5 : index
      %get3A_530 = memref.load %arg3[%get3A_528, %get3A_529] : memref<10x10xf32, #tpu.memory_space<smem>>
      %add3A_531 = arith.addf %add3A_527, %get3A_530 : f32
      %get3A_532 = arith.constant 3 : index
      %get3A_533 = arith.constant 5 : index
      %get3A_534 = memref.load %arg4[%get3A_532, %get3A_533] : memref<10x10xf32, #tpu.memory_space<smem>>
      %add3A_535 = arith.addf %add3A_531, %get3A_534 : f32
      %get3A_536 = arith.constant 3 : index
      %get3A_537 = arith.constant 6 : index
      %get3A_538 = memref.load %arg3[%get3A_536, %get3A_537] : memref<10x10xf32, #tpu.memory_space<smem>>
      %add3A_539 = arith.addf %add3A_535, %get3A_538 : f32
      %get3A_540 = arith.constant 3 : index
      %get3A_541 = arith.constant 6 : index
      %get3A_542 = memref.load %arg4[%get3A_540, %get3A_541] : memref<10x10xf32, #tpu.memory_space<smem>>
      %add3A_543 = arith.addf %add3A_539, %get3A_542 : f32
      %get3A_544 = arith.constant 3 : index
      %get3A_545 = arith.constant 7 : index
      %get3A_546 = memref.load %arg3[%get3A_544, %get3A_545] : memref<10x10xf32, #tpu.memory_space<smem>>
      %add3A_547 = arith.addf %add3A_543, %get3A_546 : f32
      %get3A_548 = arith.constant 3 : index
      %get3A_549 = arith.constant 7 : index
      %get3A_550 = memref.load %arg4[%get3A_548, %get3A_549] : memref<10x10xf32, #tpu.memory_space<smem>>
      %add3A_551 = arith.addf %add3A_547, %get3A_550 : f32
      %get3A_552 = arith.constant 3 : index
      %get3A_553 = arith.constant 8 : index
      %get3A_554 = memref.load %arg3[%get3A_552, %get3A_553] : memref<10x10xf32, #tpu.memory_space<smem>>
      %add3A_555 = arith.addf %add3A_551, %get3A_554 : f32
      %get3A_556 = arith.constant 3 : index
      %get3A_557 = arith.constant 8 : index
      %get3A_558 = memref.load %arg4[%get3A_556, %get3A_557] : memref<10x10xf32, #tpu.memory_space<smem>>
      %add3A_559 = arith.addf %add3A_555, %get3A_558 : f32
      %get3A_560 = arith.constant 3 : index
      %get3A_561 = arith.constant 9 : index
      %get3A_562 = memref.load %arg3[%get3A_560, %get3A_561] : memref<10x10xf32, #tpu.memory_space<smem>>
      %add3A_563 = arith.addf %add3A_559, %get3A_562 : f32
      %get3A_564 = arith.constant 3 : index
      %get3A_565 = arith.constant 9 : index
      %get3A_566 = memref.load %arg4[%get3A_564, %get3A_565] : memref<10x10xf32, #tpu.memory_space<smem>>
      %add3A_567 = arith.addf %add3A_563, %get3A_566 : f32
      %swap3A_568 = arith.constant 3 : index
      %swap3A_569 = memref.load %arg6[%swap3A_568] : memref<10xf32, #tpu.memory_space<smem>>
      memref.store %add3A_567, %arg6[%swap3A_568] : memref<10xf32, #tpu.memory_space<smem>>
      %get3A_570 = arith.constant 4 : index
      %get3A_571 = arith.constant 0 : index
      %get3A_572 = memref.load %arg3[%get3A_570, %get3A_571] : memref<10x10xf32, #tpu.memory_space<smem>>
      %get3A_573 = arith.constant 4 : index
      %get3A_574 = arith.constant 0 : index
      %get3A_575 = memref.load %arg4[%get3A_573, %get3A_574] : memref<10x10xf32, #tpu.memory_space<smem>>
      %add3A_576 = arith.addf %get3A_572, %get3A_575 : f32
      %get3A_577 = arith.constant 4 : index
      %get3A_578 = arith.constant 1 : index
      %get3A_579 = memref.load %arg3[%get3A_577, %get3A_578] : memref<10x10xf32, #tpu.memory_space<smem>>
      %add3A_580 = arith.addf %add3A_576, %get3A_579 : f32
      %get3A_581 = arith.constant 4 : index
      %get3A_582 = arith.constant 1 : index
      %get3A_583 = memref.load %arg4[%get3A_581, %get3A_582] : memref<10x10xf32, #tpu.memory_space<smem>>
      %add3A_584 = arith.addf %add3A_580, %get3A_583 : f32
      %get3A_585 = arith.constant 4 : index
      %get3A_586 = arith.constant 2 : index
      %get3A_587 = memref.load %arg3[%get3A_585, %get3A_586] : memref<10x10xf32, #tpu.memory_space<smem>>
      %add3A_588 = arith.addf %add3A_584, %get3A_587 : f32
      %get3A_589 = arith.constant 4 : index
      %get3A_590 = arith.constant 2 : index
      %get3A_591 = memref.load %arg4[%get3A_589, %get3A_590] : memref<10x10xf32, #tpu.memory_space<smem>>
      %add3A_592 = arith.addf %add3A_588, %get3A_591 : f32
      %get3A_593 = arith.constant 4 : index
      %get3A_594 = arith.constant 3 : index
      %get3A_595 = memref.load %arg3[%get3A_593, %get3A_594] : memref<10x10xf32, #tpu.memory_space<smem>>
      %add3A_596 = arith.addf %add3A_592, %get3A_595 : f32
      %get3A_597 = arith.constant 4 : index
      %get3A_598 = arith.constant 3 : index
      %get3A_599 = memref.load %arg4[%get3A_597, %get3A_598] : memref<10x10xf32, #tpu.memory_space<smem>>
      %add3A_600 = arith.addf %add3A_596, %get3A_599 : f32
      %get3A_601 = arith.constant 4 : index
      %get3A_602 = arith.constant 4 : index
      %get3A_603 = memref.load %arg3[%get3A_601, %get3A_602] : memref<10x10xf32, #tpu.memory_space<smem>>
      %add3A_604 = arith.addf %add3A_600, %get3A_603 : f32
      %get3A_605 = arith.constant 4 : index
      %get3A_606 = arith.constant 4 : index
      %get3A_607 = memref.load %arg4[%get3A_605, %get3A_606] : memref<10x10xf32, #tpu.memory_space<smem>>
      %add3A_608 = arith.addf %add3A_604, %get3A_607 : f32
      %get3A_609 = arith.constant 4 : index
      %get3A_610 = arith.constant 5 : index
      %get3A_611 = memref.load %arg3[%get3A_609, %get3A_610] : memref<10x10xf32, #tpu.memory_space<smem>>
      %add3A_612 = arith.addf %add3A_608, %get3A_611 : f32
      %get3A_613 = arith.constant 4 : index
      %get3A_614 = arith.constant 5 : index
      %get3A_615 = memref.load %arg4[%get3A_613, %get3A_614] : memref<10x10xf32, #tpu.memory_space<smem>>
      %add3A_616 = arith.addf %add3A_612, %get3A_615 : f32
      %get3A_617 = arith.constant 4 : index
      %get3A_618 = arith.constant 6 : index
      %get3A_619 = memref.load %arg3[%get3A_617, %get3A_618] : memref<10x10xf32, #tpu.memory_space<smem>>
      %add3A_620 = arith.addf %add3A_616, %get3A_619 : f32
      %get3A_621 = arith.constant 4 : index
      %get3A_622 = arith.constant 6 : index
      %get3A_623 = memref.load %arg4[%get3A_621, %get3A_622] : memref<10x10xf32, #tpu.memory_space<smem>>
      %add3A_624 = arith.addf %add3A_620, %get3A_623 : f32
      %get3A_625 = arith.constant 4 : index
      %get3A_626 = arith.constant 7 : index
      %get3A_627 = memref.load %arg3[%get3A_625, %get3A_626] : memref<10x10xf32, #tpu.memory_space<smem>>
      %add3A_628 = arith.addf %add3A_624, %get3A_627 : f32
      %get3A_629 = arith.constant 4 : index
      %get3A_630 = arith.constant 7 : index
      %get3A_631 = memref.load %arg4[%get3A_629, %get3A_630] : memref<10x10xf32, #tpu.memory_space<smem>>
      %add3A_632 = arith.addf %add3A_628, %get3A_631 : f32
      %get3A_633 = arith.constant 4 : index
      %get3A_634 = arith.constant 8 : index
      %get3A_635 = memref.load %arg3[%get3A_633, %get3A_634] : memref<10x10xf32, #tpu.memory_space<smem>>
      %add3A_636 = arith.addf %add3A_632, %get3A_635 : f32
      %get3A_637 = arith.constant 4 : index
      %get3A_638 = arith.constant 8 : index
      %get3A_639 = memref.load %arg4[%get3A_637, %get3A_638] : memref<10x10xf32, #tpu.memory_space<smem>>
      %add3A_640 = arith.addf %add3A_636, %get3A_639 : f32
      %get3A_641 = arith.constant 4 : index
      %get3A_642 = arith.constant 9 : index
      %get3A_643 = memref.load %arg3[%get3A_641, %get3A_642] : memref<10x10xf32, #tpu.memory_space<smem>>
      %add3A_644 = arith.addf %add3A_640, %get3A_643 : f32
      %get3A_645 = arith.constant 4 : index
      %get3A_646 = arith.constant 9 : index
      %get3A_647 = memref.load %arg4[%get3A_645, %get3A_646] : memref<10x10xf32, #tpu.memory_space<smem>>
      %add3A_648 = arith.addf %add3A_644, %get3A_647 : f32
      %swap3A_649 = arith.constant 4 : index
      %swap3A_650 = memref.load %arg6[%swap3A_649] : memref<10xf32, #tpu.memory_space<smem>>
      memref.store %add3A_648, %arg6[%swap3A_649] : memref<10xf32, #tpu.memory_space<smem>>
      %get3A_651 = arith.constant 5 : index
      %get3A_652 = arith.constant 0 : index
      %get3A_653 = memref.load %arg3[%get3A_651, %get3A_652] : memref<10x10xf32, #tpu.memory_space<smem>>
      %get3A_654 = arith.constant 5 : index
      %get3A_655 = arith.constant 0 : index
      %get3A_656 = memref.load %arg4[%get3A_654, %get3A_655] : memref<10x10xf32, #tpu.memory_space<smem>>
      %add3A_657 = arith.addf %get3A_653, %get3A_656 : f32
      %get3A_658 = arith.constant 5 : index
      %get3A_659 = arith.constant 1 : index
      %get3A_660 = memref.load %arg3[%get3A_658, %get3A_659] : memref<10x10xf32, #tpu.memory_space<smem>>
      %add3A_661 = arith.addf %add3A_657, %get3A_660 : f32
      %get3A_662 = arith.constant 5 : index
      %get3A_663 = arith.constant 1 : index
      %get3A_664 = memref.load %arg4[%get3A_662, %get3A_663] : memref<10x10xf32, #tpu.memory_space<smem>>
      %add3A_665 = arith.addf %add3A_661, %get3A_664 : f32
      %get3A_666 = arith.constant 5 : index
      %get3A_667 = arith.constant 2 : index
      %get3A_668 = memref.load %arg3[%get3A_666, %get3A_667] : memref<10x10xf32, #tpu.memory_space<smem>>
      %add3A_669 = arith.addf %add3A_665, %get3A_668 : f32
      %get3A_670 = arith.constant 5 : index
      %get3A_671 = arith.constant 2 : index
      %get3A_672 = memref.load %arg4[%get3A_670, %get3A_671] : memref<10x10xf32, #tpu.memory_space<smem>>
      %add3A_673 = arith.addf %add3A_669, %get3A_672 : f32
      %get3A_674 = arith.constant 5 : index
      %get3A_675 = arith.constant 3 : index
      %get3A_676 = memref.load %arg3[%get3A_674, %get3A_675] : memref<10x10xf32, #tpu.memory_space<smem>>
      %add3A_677 = arith.addf %add3A_673, %get3A_676 : f32
      %get3A_678 = arith.constant 5 : index
      %get3A_679 = arith.constant 3 : index
      %get3A_680 = memref.load %arg4[%get3A_678, %get3A_679] : memref<10x10xf32, #tpu.memory_space<smem>>
      %add3A_681 = arith.addf %add3A_677, %get3A_680 : f32
      %get3A_682 = arith.constant 5 : index
      %get3A_683 = arith.constant 4 : index
      %get3A_684 = memref.load %arg3[%get3A_682, %get3A_683] : memref<10x10xf32, #tpu.memory_space<smem>>
      %add3A_685 = arith.addf %add3A_681, %get3A_684 : f32
      %get3A_686 = arith.constant 5 : index
      %get3A_687 = arith.constant 4 : index
      %get3A_688 = memref.load %arg4[%get3A_686, %get3A_687] : memref<10x10xf32, #tpu.memory_space<smem>>
      %add3A_689 = arith.addf %add3A_685, %get3A_688 : f32
      %get3A_690 = arith.constant 5 : index
      %get3A_691 = arith.constant 5 : index
      %get3A_692 = memref.load %arg3[%get3A_690, %get3A_691] : memref<10x10xf32, #tpu.memory_space<smem>>
      %add3A_693 = arith.addf %add3A_689, %get3A_692 : f32
      %get3A_694 = arith.constant 5 : index
      %get3A_695 = arith.constant 5 : index
      %get3A_696 = memref.load %arg4[%get3A_694, %get3A_695] : memref<10x10xf32, #tpu.memory_space<smem>>
      %add3A_697 = arith.addf %add3A_693, %get3A_696 : f32
      %get3A_698 = arith.constant 5 : index
      %get3A_699 = arith.constant 6 : index
      %get3A_700 = memref.load %arg3[%get3A_698, %get3A_699] : memref<10x10xf32, #tpu.memory_space<smem>>
      %add3A_701 = arith.addf %add3A_697, %get3A_700 : f32
      %get3A_702 = arith.constant 5 : index
      %get3A_703 = arith.constant 6 : index
      %get3A_704 = memref.load %arg4[%get3A_702, %get3A_703] : memref<10x10xf32, #tpu.memory_space<smem>>
      %add3A_705 = arith.addf %add3A_701, %get3A_704 : f32
      %get3A_706 = arith.constant 5 : index
      %get3A_707 = arith.constant 7 : index
      %get3A_708 = memref.load %arg3[%get3A_706, %get3A_707] : memref<10x10xf32, #tpu.memory_space<smem>>
      %add3A_709 = arith.addf %add3A_705, %get3A_708 : f32
      %get3A_710 = arith.constant 5 : index
      %get3A_711 = arith.constant 7 : index
      %get3A_712 = memref.load %arg4[%get3A_710, %get3A_711] : memref<10x10xf32, #tpu.memory_space<smem>>
      %add3A_713 = arith.addf %add3A_709, %get3A_712 : f32
      %get3A_714 = arith.constant 5 : index
      %get3A_715 = arith.constant 8 : index
      %get3A_716 = memref.load %arg3[%get3A_714, %get3A_715] : memref<10x10xf32, #tpu.memory_space<smem>>
      %add3A_717 = arith.addf %add3A_713, %get3A_716 : f32
      %get3A_718 = arith.constant 5 : index
      %get3A_719 = arith.constant 8 : index
      %get3A_720 = memref.load %arg4[%get3A_718, %get3A_719] : memref<10x10xf32, #tpu.memory_space<smem>>
      %add3A_721 = arith.addf %add3A_717, %get3A_720 : f32
      %get3A_722 = arith.constant 5 : index
      %get3A_723 = arith.constant 9 : index
      %get3A_724 = memref.load %arg3[%get3A_722, %get3A_723] : memref<10x10xf32, #tpu.memory_space<smem>>
      %add3A_725 = arith.addf %add3A_721, %get3A_724 : f32
      %get3A_726 = arith.constant 5 : index
      %get3A_727 = arith.constant 9 : index
      %get3A_728 = memref.load %arg4[%get3A_726, %get3A_727] : memref<10x10xf32, #tpu.memory_space<smem>>
      %add3A_729 = arith.addf %add3A_725, %get3A_728 : f32
      %swap3A_730 = arith.constant 5 : index
      %swap3A_731 = memref.load %arg6[%swap3A_730] : memref<10xf32, #tpu.memory_space<smem>>
      memref.store %add3A_729, %arg6[%swap3A_730] : memref<10xf32, #tpu.memory_space<smem>>
      %get3A_732 = arith.constant 6 : index
      %get3A_733 = arith.constant 0 : index
      %get3A_734 = memref.load %arg3[%get3A_732, %get3A_733] : memref<10x10xf32, #tpu.memory_space<smem>>
      %get3A_735 = arith.constant 6 : index
      %get3A_736 = arith.constant 0 : index
      %get3A_737 = memref.load %arg4[%get3A_735, %get3A_736] : memref<10x10xf32, #tpu.memory_space<smem>>
      %add3A_738 = arith.addf %get3A_734, %get3A_737 : f32
      %get3A_739 = arith.constant 6 : index
      %get3A_740 = arith.constant 1 : index
      %get3A_741 = memref.load %arg3[%get3A_739, %get3A_740] : memref<10x10xf32, #tpu.memory_space<smem>>
      %add3A_742 = arith.addf %add3A_738, %get3A_741 : f32
      %get3A_743 = arith.constant 6 : index
      %get3A_744 = arith.constant 1 : index
      %get3A_745 = memref.load %arg4[%get3A_743, %get3A_744] : memref<10x10xf32, #tpu.memory_space<smem>>
      %add3A_746 = arith.addf %add3A_742, %get3A_745 : f32
      %get3A_747 = arith.constant 6 : index
      %get3A_748 = arith.constant 2 : index
      %get3A_749 = memref.load %arg3[%get3A_747, %get3A_748] : memref<10x10xf32, #tpu.memory_space<smem>>
      %add3A_750 = arith.addf %add3A_746, %get3A_749 : f32
      %get3A_751 = arith.constant 6 : index
      %get3A_752 = arith.constant 2 : index
      %get3A_753 = memref.load %arg4[%get3A_751, %get3A_752] : memref<10x10xf32, #tpu.memory_space<smem>>
      %add3A_754 = arith.addf %add3A_750, %get3A_753 : f32
      %get3A_755 = arith.constant 6 : index
      %get3A_756 = arith.constant 3 : index
      %get3A_757 = memref.load %arg3[%get3A_755, %get3A_756] : memref<10x10xf32, #tpu.memory_space<smem>>
      %add3A_758 = arith.addf %add3A_754, %get3A_757 : f32
      %get3A_759 = arith.constant 6 : index
      %get3A_760 = arith.constant 3 : index
      %get3A_761 = memref.load %arg4[%get3A_759, %get3A_760] : memref<10x10xf32, #tpu.memory_space<smem>>
      %add3A_762 = arith.addf %add3A_758, %get3A_761 : f32
      %get3A_763 = arith.constant 6 : index
      %get3A_764 = arith.constant 4 : index
      %get3A_765 = memref.load %arg3[%get3A_763, %get3A_764] : memref<10x10xf32, #tpu.memory_space<smem>>
      %add3A_766 = arith.addf %add3A_762, %get3A_765 : f32
      %get3A_767 = arith.constant 6 : index
      %get3A_768 = arith.constant 4 : index
      %get3A_769 = memref.load %arg4[%get3A_767, %get3A_768] : memref<10x10xf32, #tpu.memory_space<smem>>
      %add3A_770 = arith.addf %add3A_766, %get3A_769 : f32
      %get3A_771 = arith.constant 6 : index
      %get3A_772 = arith.constant 5 : index
      %get3A_773 = memref.load %arg3[%get3A_771, %get3A_772] : memref<10x10xf32, #tpu.memory_space<smem>>
      %add3A_774 = arith.addf %add3A_770, %get3A_773 : f32
      %get3A_775 = arith.constant 6 : index
      %get3A_776 = arith.constant 5 : index
      %get3A_777 = memref.load %arg4[%get3A_775, %get3A_776] : memref<10x10xf32, #tpu.memory_space<smem>>
      %add3A_778 = arith.addf %add3A_774, %get3A_777 : f32
      %get3A_779 = arith.constant 6 : index
      %get3A_780 = arith.constant 6 : index
      %get3A_781 = memref.load %arg3[%get3A_779, %get3A_780] : memref<10x10xf32, #tpu.memory_space<smem>>
      %add3A_782 = arith.addf %add3A_778, %get3A_781 : f32
      %get3A_783 = arith.constant 6 : index
      %get3A_784 = arith.constant 6 : index
      %get3A_785 = memref.load %arg4[%get3A_783, %get3A_784] : memref<10x10xf32, #tpu.memory_space<smem>>
      %add3A_786 = arith.addf %add3A_782, %get3A_785 : f32
      %get3A_787 = arith.constant 6 : index
      %get3A_788 = arith.constant 7 : index
      %get3A_789 = memref.load %arg3[%get3A_787, %get3A_788] : memref<10x10xf32, #tpu.memory_space<smem>>
      %add3A_790 = arith.addf %add3A_786, %get3A_789 : f32
      %get3A_791 = arith.constant 6 : index
      %get3A_792 = arith.constant 7 : index
      %get3A_793 = memref.load %arg4[%get3A_791, %get3A_792] : memref<10x10xf32, #tpu.memory_space<smem>>
      %add3A_794 = arith.addf %add3A_790, %get3A_793 : f32
      %get3A_795 = arith.constant 6 : index
      %get3A_796 = arith.constant 8 : index
      %get3A_797 = memref.load %arg3[%get3A_795, %get3A_796] : memref<10x10xf32, #tpu.memory_space<smem>>
      %add3A_798 = arith.addf %add3A_794, %get3A_797 : f32
      %get3A_799 = arith.constant 6 : index
      %get3A_800 = arith.constant 8 : index
      %get3A_801 = memref.load %arg4[%get3A_799, %get3A_800] : memref<10x10xf32, #tpu.memory_space<smem>>
      %add3A_802 = arith.addf %add3A_798, %get3A_801 : f32
      %get3A_803 = arith.constant 6 : index
      %get3A_804 = arith.constant 9 : index
      %get3A_805 = memref.load %arg3[%get3A_803, %get3A_804] : memref<10x10xf32, #tpu.memory_space<smem>>
      %add3A_806 = arith.addf %add3A_802, %get3A_805 : f32
      %get3A_807 = arith.constant 6 : index
      %get3A_808 = arith.constant 9 : index
      %get3A_809 = memref.load %arg4[%get3A_807, %get3A_808] : memref<10x10xf32, #tpu.memory_space<smem>>
      %add3A_810 = arith.addf %add3A_806, %get3A_809 : f32
      %swap3A_811 = arith.constant 6 : index
      %swap3A_812 = memref.load %arg6[%swap3A_811] : memref<10xf32, #tpu.memory_space<smem>>
      memref.store %add3A_810, %arg6[%swap3A_811] : memref<10xf32, #tpu.memory_space<smem>>
      %get3A_813 = arith.constant 7 : index
      %get3A_814 = arith.constant 0 : index
      %get3A_815 = memref.load %arg3[%get3A_813, %get3A_814] : memref<10x10xf32, #tpu.memory_space<smem>>
      %get3A_816 = arith.constant 7 : index
      %get3A_817 = arith.constant 0 : index
      %get3A_818 = memref.load %arg4[%get3A_816, %get3A_817] : memref<10x10xf32, #tpu.memory_space<smem>>
      %add3A_819 = arith.addf %get3A_815, %get3A_818 : f32
      %get3A_820 = arith.constant 7 : index
      %get3A_821 = arith.constant 1 : index
      %get3A_822 = memref.load %arg3[%get3A_820, %get3A_821] : memref<10x10xf32, #tpu.memory_space<smem>>
      %add3A_823 = arith.addf %add3A_819, %get3A_822 : f32
      %get3A_824 = arith.constant 7 : index
      %get3A_825 = arith.constant 1 : index
      %get3A_826 = memref.load %arg4[%get3A_824, %get3A_825] : memref<10x10xf32, #tpu.memory_space<smem>>
      %add3A_827 = arith.addf %add3A_823, %get3A_826 : f32
      %get3A_828 = arith.constant 7 : index
      %get3A_829 = arith.constant 2 : index
      %get3A_830 = memref.load %arg3[%get3A_828, %get3A_829] : memref<10x10xf32, #tpu.memory_space<smem>>
      %add3A_831 = arith.addf %add3A_827, %get3A_830 : f32
      %get3A_832 = arith.constant 7 : index
      %get3A_833 = arith.constant 2 : index
      %get3A_834 = memref.load %arg4[%get3A_832, %get3A_833] : memref<10x10xf32, #tpu.memory_space<smem>>
      %add3A_835 = arith.addf %add3A_831, %get3A_834 : f32
      %get3A_836 = arith.constant 7 : index
      %get3A_837 = arith.constant 3 : index
      %get3A_838 = memref.load %arg3[%get3A_836, %get3A_837] : memref<10x10xf32, #tpu.memory_space<smem>>
      %add3A_839 = arith.addf %add3A_835, %get3A_838 : f32
      %get3A_840 = arith.constant 7 : index
      %get3A_841 = arith.constant 3 : index
      %get3A_842 = memref.load %arg4[%get3A_840, %get3A_841] : memref<10x10xf32, #tpu.memory_space<smem>>
      %add3A_843 = arith.addf %add3A_839, %get3A_842 : f32
      %get3A_844 = arith.constant 7 : index
      %get3A_845 = arith.constant 4 : index
      %get3A_846 = memref.load %arg3[%get3A_844, %get3A_845] : memref<10x10xf32, #tpu.memory_space<smem>>
      %add3A_847 = arith.addf %add3A_843, %get3A_846 : f32
      %get3A_848 = arith.constant 7 : index
      %get3A_849 = arith.constant 4 : index
      %get3A_850 = memref.load %arg4[%get3A_848, %get3A_849] : memref<10x10xf32, #tpu.memory_space<smem>>
      %add3A_851 = arith.addf %add3A_847, %get3A_850 : f32
      %get3A_852 = arith.constant 7 : index
      %get3A_853 = arith.constant 5 : index
      %get3A_854 = memref.load %arg3[%get3A_852, %get3A_853] : memref<10x10xf32, #tpu.memory_space<smem>>
      %add3A_855 = arith.addf %add3A_851, %get3A_854 : f32
      %get3A_856 = arith.constant 7 : index
      %get3A_857 = arith.constant 5 : index
      %get3A_858 = memref.load %arg4[%get3A_856, %get3A_857] : memref<10x10xf32, #tpu.memory_space<smem>>
      %add3A_859 = arith.addf %add3A_855, %get3A_858 : f32
      %get3A_860 = arith.constant 7 : index
      %get3A_861 = arith.constant 6 : index
      %get3A_862 = memref.load %arg3[%get3A_860, %get3A_861] : memref<10x10xf32, #tpu.memory_space<smem>>
      %add3A_863 = arith.addf %add3A_859, %get3A_862 : f32
      %get3A_864 = arith.constant 7 : index
      %get3A_865 = arith.constant 6 : index
      %get3A_866 = memref.load %arg4[%get3A_864, %get3A_865] : memref<10x10xf32, #tpu.memory_space<smem>>
      %add3A_867 = arith.addf %add3A_863, %get3A_866 : f32
      %get3A_868 = arith.constant 7 : index
      %get3A_869 = arith.constant 7 : index
      %get3A_870 = memref.load %arg3[%get3A_868, %get3A_869] : memref<10x10xf32, #tpu.memory_space<smem>>
      %add3A_871 = arith.addf %add3A_867, %get3A_870 : f32
      %get3A_872 = arith.constant 7 : index
      %get3A_873 = arith.constant 7 : index
      %get3A_874 = memref.load %arg4[%get3A_872, %get3A_873] : memref<10x10xf32, #tpu.memory_space<smem>>
      %add3A_875 = arith.addf %add3A_871, %get3A_874 : f32
      %get3A_876 = arith.constant 7 : index
      %get3A_877 = arith.constant 8 : index
      %get3A_878 = memref.load %arg3[%get3A_876, %get3A_877] : memref<10x10xf32, #tpu.memory_space<smem>>
      %add3A_879 = arith.addf %add3A_875, %get3A_878 : f32
      %get3A_880 = arith.constant 7 : index
      %get3A_881 = arith.constant 8 : index
      %get3A_882 = memref.load %arg4[%get3A_880, %get3A_881] : memref<10x10xf32, #tpu.memory_space<smem>>
      %add3A_883 = arith.addf %add3A_879, %get3A_882 : f32
      %get3A_884 = arith.constant 7 : index
      %get3A_885 = arith.constant 9 : index
      %get3A_886 = memref.load %arg3[%get3A_884, %get3A_885] : memref<10x10xf32, #tpu.memory_space<smem>>
      %add3A_887 = arith.addf %add3A_883, %get3A_886 : f32
      %get3A_888 = arith.constant 7 : index
      %get3A_889 = arith.constant 9 : index
      %get3A_890 = memref.load %arg4[%get3A_888, %get3A_889] : memref<10x10xf32, #tpu.memory_space<smem>>
      %add3A_891 = arith.addf %add3A_887, %get3A_890 : f32
      %swap3A_892 = arith.constant 7 : index
      %swap3A_893 = memref.load %arg6[%swap3A_892] : memref<10xf32, #tpu.memory_space<smem>>
      memref.store %add3A_891, %arg6[%swap3A_892] : memref<10xf32, #tpu.memory_space<smem>>
      %get3A_894 = arith.constant 8 : index
      %get3A_895 = arith.constant 0 : index
      %get3A_896 = memref.load %arg3[%get3A_894, %get3A_895] : memref<10x10xf32, #tpu.memory_space<smem>>
      %get3A_897 = arith.constant 8 : index
      %get3A_898 = arith.constant 0 : index
      %get3A_899 = memref.load %arg4[%get3A_897, %get3A_898] : memref<10x10xf32, #tpu.memory_space<smem>>
      %add3A_900 = arith.addf %get3A_896, %get3A_899 : f32
      %get3A_901 = arith.constant 8 : index
      %get3A_902 = arith.constant 1 : index
      %get3A_903 = memref.load %arg3[%get3A_901, %get3A_902] : memref<10x10xf32, #tpu.memory_space<smem>>
      %add3A_904 = arith.addf %add3A_900, %get3A_903 : f32
      %get3A_905 = arith.constant 8 : index
      %get3A_906 = arith.constant 1 : index
      %get3A_907 = memref.load %arg4[%get3A_905, %get3A_906] : memref<10x10xf32, #tpu.memory_space<smem>>
      %add3A_908 = arith.addf %add3A_904, %get3A_907 : f32
      %get3A_909 = arith.constant 8 : index
      %get3A_910 = arith.constant 2 : index
      %get3A_911 = memref.load %arg3[%get3A_909, %get3A_910] : memref<10x10xf32, #tpu.memory_space<smem>>
      %add3A_912 = arith.addf %add3A_908, %get3A_911 : f32
      %get3A_913 = arith.constant 8 : index
      %get3A_914 = arith.constant 2 : index
      %get3A_915 = memref.load %arg4[%get3A_913, %get3A_914] : memref<10x10xf32, #tpu.memory_space<smem>>
      %add3A_916 = arith.addf %add3A_912, %get3A_915 : f32
      %get3A_917 = arith.constant 8 : index
      %get3A_918 = arith.constant 3 : index
      %get3A_919 = memref.load %arg3[%get3A_917, %get3A_918] : memref<10x10xf32, #tpu.memory_space<smem>>
      %add3A_920 = arith.addf %add3A_916, %get3A_919 : f32
      %get3A_921 = arith.constant 8 : index
      %get3A_922 = arith.constant 3 : index
      %get3A_923 = memref.load %arg4[%get3A_921, %get3A_922] : memref<10x10xf32, #tpu.memory_space<smem>>
      %add3A_924 = arith.addf %add3A_920, %get3A_923 : f32
      %get3A_925 = arith.constant 8 : index
      %get3A_926 = arith.constant 4 : index
      %get3A_927 = memref.load %arg3[%get3A_925, %get3A_926] : memref<10x10xf32, #tpu.memory_space<smem>>
      %add3A_928 = arith.addf %add3A_924, %get3A_927 : f32
      %get3A_929 = arith.constant 8 : index
      %get3A_930 = arith.constant 4 : index
      %get3A_931 = memref.load %arg4[%get3A_929, %get3A_930] : memref<10x10xf32, #tpu.memory_space<smem>>
      %add3A_932 = arith.addf %add3A_928, %get3A_931 : f32
      %get3A_933 = arith.constant 8 : index
      %get3A_934 = arith.constant 5 : index
      %get3A_935 = memref.load %arg3[%get3A_933, %get3A_934] : memref<10x10xf32, #tpu.memory_space<smem>>
      %add3A_936 = arith.addf %add3A_932, %get3A_935 : f32
      %get3A_937 = arith.constant 8 : index
      %get3A_938 = arith.constant 5 : index
      %get3A_939 = memref.load %arg4[%get3A_937, %get3A_938] : memref<10x10xf32, #tpu.memory_space<smem>>
      %add3A_940 = arith.addf %add3A_936, %get3A_939 : f32
      %get3A_941 = arith.constant 8 : index
      %get3A_942 = arith.constant 6 : index
      %get3A_943 = memref.load %arg3[%get3A_941, %get3A_942] : memref<10x10xf32, #tpu.memory_space<smem>>
      %add3A_944 = arith.addf %add3A_940, %get3A_943 : f32
      %get3A_945 = arith.constant 8 : index
      %get3A_946 = arith.constant 6 : index
      %get3A_947 = memref.load %arg4[%get3A_945, %get3A_946] : memref<10x10xf32, #tpu.memory_space<smem>>
      %add3A_948 = arith.addf %add3A_944, %get3A_947 : f32
      %get3A_949 = arith.constant 8 : index
      %get3A_950 = arith.constant 7 : index
      %get3A_951 = memref.load %arg3[%get3A_949, %get3A_950] : memref<10x10xf32, #tpu.memory_space<smem>>
      %add3A_952 = arith.addf %add3A_948, %get3A_951 : f32
      %get3A_953 = arith.constant 8 : index
      %get3A_954 = arith.constant 7 : index
      %get3A_955 = memref.load %arg4[%get3A_953, %get3A_954] : memref<10x10xf32, #tpu.memory_space<smem>>
      %add3A_956 = arith.addf %add3A_952, %get3A_955 : f32
      %get3A_957 = arith.constant 8 : index
      %get3A_958 = arith.constant 8 : index
      %get3A_959 = memref.load %arg3[%get3A_957, %get3A_958] : memref<10x10xf32, #tpu.memory_space<smem>>
      %add3A_960 = arith.addf %add3A_956, %get3A_959 : f32
      %get3A_961 = arith.constant 8 : index
      %get3A_962 = arith.constant 8 : index
      %get3A_963 = memref.load %arg4[%get3A_961, %get3A_962] : memref<10x10xf32, #tpu.memory_space<smem>>
      %add3A_964 = arith.addf %add3A_960, %get3A_963 : f32
      %get3A_965 = arith.constant 8 : index
      %get3A_966 = arith.constant 9 : index
      %get3A_967 = memref.load %arg3[%get3A_965, %get3A_966] : memref<10x10xf32, #tpu.memory_space<smem>>
      %add3A_968 = arith.addf %add3A_964, %get3A_967 : f32
      %get3A_969 = arith.constant 8 : index
      %get3A_970 = arith.constant 9 : index
      %get3A_971 = memref.load %arg4[%get3A_969, %get3A_970] : memref<10x10xf32, #tpu.memory_space<smem>>
      %add3A_972 = arith.addf %add3A_968, %get3A_971 : f32
      %swap3A_973 = arith.constant 8 : index
      %swap3A_974 = memref.load %arg6[%swap3A_973] : memref<10xf32, #tpu.memory_space<smem>>
      memref.store %add3A_972, %arg6[%swap3A_973] : memref<10xf32, #tpu.memory_space<smem>>
      %get3A_975 = arith.constant 9 : index
      %get3A_976 = arith.constant 0 : index
      %get3A_977 = memref.load %arg3[%get3A_975, %get3A_976] : memref<10x10xf32, #tpu.memory_space<smem>>
      %get3A_978 = arith.constant 9 : index
      %get3A_979 = arith.constant 0 : index
      %get3A_980 = memref.load %arg4[%get3A_978, %get3A_979] : memref<10x10xf32, #tpu.memory_space<smem>>
      %add3A_981 = arith.addf %get3A_977, %get3A_980 : f32
      %get3A_982 = arith.constant 9 : index
      %get3A_983 = arith.constant 1 : index
      %get3A_984 = memref.load %arg3[%get3A_982, %get3A_983] : memref<10x10xf32, #tpu.memory_space<smem>>
      %add3A_985 = arith.addf %add3A_981, %get3A_984 : f32
      %get3A_986 = arith.constant 9 : index
      %get3A_987 = arith.constant 1 : index
      %get3A_988 = memref.load %arg4[%get3A_986, %get3A_987] : memref<10x10xf32, #tpu.memory_space<smem>>
      %add3A_989 = arith.addf %add3A_985, %get3A_988 : f32
      %get3A_990 = arith.constant 9 : index
      %get3A_991 = arith.constant 2 : index
      %get3A_992 = memref.load %arg3[%get3A_990, %get3A_991] : memref<10x10xf32, #tpu.memory_space<smem>>
      %add3A_993 = arith.addf %add3A_989, %get3A_992 : f32
      %get3A_994 = arith.constant 9 : index
      %get3A_995 = arith.constant 2 : index
      %get3A_996 = memref.load %arg4[%get3A_994, %get3A_995] : memref<10x10xf32, #tpu.memory_space<smem>>
      %add3A_997 = arith.addf %add3A_993, %get3A_996 : f32
      %get3A_998 = arith.constant 9 : index
      %get3A_999 = arith.constant 3 : index
      %get3A_1000 = memref.load %arg3[%get3A_998, %get3A_999] : memref<10x10xf32, #tpu.memory_space<smem>>
      %add3A_1001 = arith.addf %add3A_997, %get3A_1000 : f32
      %get3A_1002 = arith.constant 9 : index
      %get3A_1003 = arith.constant 3 : index
      %get3A_1004 = memref.load %arg4[%get3A_1002, %get3A_1003] : memref<10x10xf32, #tpu.memory_space<smem>>
      %add3A_1005 = arith.addf %add3A_1001, %get3A_1004 : f32
      %get3A_1006 = arith.constant 9 : index
      %get3A_1007 = arith.constant 4 : index
      %get3A_1008 = memref.load %arg3[%get3A_1006, %get3A_1007] : memref<10x10xf32, #tpu.memory_space<smem>>
      %add3A_1009 = arith.addf %add3A_1005, %get3A_1008 : f32
      %get3A_1010 = arith.constant 9 : index
      %get3A_1011 = arith.constant 4 : index
      %get3A_1012 = memref.load %arg4[%get3A_1010, %get3A_1011] : memref<10x10xf32, #tpu.memory_space<smem>>
      %add3A_1013 = arith.addf %add3A_1009, %get3A_1012 : f32
      %get3A_1014 = arith.constant 9 : index
      %get3A_1015 = arith.constant 5 : index
      %get3A_1016 = memref.load %arg3[%get3A_1014, %get3A_1015] : memref<10x10xf32, #tpu.memory_space<smem>>
      %add3A_1017 = arith.addf %add3A_1013, %get3A_1016 : f32
      %get3A_1018 = arith.constant 9 : index
      %get3A_1019 = arith.constant 5 : index
      %get3A_1020 = memref.load %arg4[%get3A_1018, %get3A_1019] : memref<10x10xf32, #tpu.memory_space<smem>>
      %add3A_1021 = arith.addf %add3A_1017, %get3A_1020 : f32
      %get3A_1022 = arith.constant 9 : index
      %get3A_1023 = arith.constant 6 : index
      %get3A_1024 = memref.load %arg3[%get3A_1022, %get3A_1023] : memref<10x10xf32, #tpu.memory_space<smem>>
      %add3A_1025 = arith.addf %add3A_1021, %get3A_1024 : f32
      %get3A_1026 = arith.constant 9 : index
      %get3A_1027 = arith.constant 6 : index
      %get3A_1028 = memref.load %arg4[%get3A_1026, %get3A_1027] : memref<10x10xf32, #tpu.memory_space<smem>>
      %add3A_1029 = arith.addf %add3A_1025, %get3A_1028 : f32
      %get3A_1030 = arith.constant 9 : index
      %get3A_1031 = arith.constant 7 : index
      %get3A_1032 = memref.load %arg3[%get3A_1030, %get3A_1031] : memref<10x10xf32, #tpu.memory_space<smem>>
      %add3A_1033 = arith.addf %add3A_1029, %get3A_1032 : f32
      %get3A_1034 = arith.constant 9 : index
      %get3A_1035 = arith.constant 7 : index
      %get3A_1036 = memref.load %arg4[%get3A_1034, %get3A_1035] : memref<10x10xf32, #tpu.memory_space<smem>>
      %add3A_1037 = arith.addf %add3A_1033, %get3A_1036 : f32
      %get3A_1038 = arith.constant 9 : index
      %get3A_1039 = arith.constant 8 : index
      %get3A_1040 = memref.load %arg3[%get3A_1038, %get3A_1039] : memref<10x10xf32, #tpu.memory_space<smem>>
      %add3A_1041 = arith.addf %add3A_1037, %get3A_1040 : f32
      %get3A_1042 = arith.constant 9 : index
      %get3A_1043 = arith.constant 8 : index
      %get3A_1044 = memref.load %arg4[%get3A_1042, %get3A_1043] : memref<10x10xf32, #tpu.memory_space<smem>>
      %add3A_1045 = arith.addf %add3A_1041, %get3A_1044 : f32
      %get3A_1046 = arith.constant 9 : index
      %get3A_1047 = arith.constant 9 : index
      %get3A_1048 = memref.load %arg3[%get3A_1046, %get3A_1047] : memref<10x10xf32, #tpu.memory_space<smem>>
      %add3A_1049 = arith.addf %add3A_1045, %get3A_1048 : f32
      %get3A_1050 = arith.constant 9 : index
      %get3A_1051 = arith.constant 9 : index
      %get3A_1052 = memref.load %arg4[%get3A_1050, %get3A_1051] : memref<10x10xf32, #tpu.memory_space<smem>>
      %add3A_1053 = arith.addf %add3A_1049, %get3A_1052 : f32
      %swap3A_1054 = arith.constant 9 : index
      %swap3A_1055 = memref.load %arg6[%swap3A_1054] : memref<10xf32, #tpu.memory_space<smem>>
      memref.store %add3A_1053, %arg6[%swap3A_1054] : memref<10xf32, #tpu.memory_space<smem>>
    } else {
    }
    %get3A = arith.constant 0 : index
    %get3A_4 = arith.constant 0 : index
    %get3A_5 = vector.load %arg2[%get3A, %get3A_4] : memref<40x2048xi32, #tpu.memory_space<vmem>>, vector<40x2048xi32>
    %get3A_6 = arith.constant 9 : index
    %get3A_7 = memref.load %arg6[%get3A_6] : memref<10xf32, #tpu.memory_space<smem>>
    %broadcast_in_dim3A = vector.broadcast %get3A_7 : f32 to vector<40x2048xf32>
    %eq3A_8 = arith.constant 8 : i32
    %eq3A_9 = vector.broadcast %eq3A_8 : i32 to vector<40x2048xi32>
    %eq3A_10 = arith.cmpi eq, %get3A_5, %eq3A_9 : vector<40x2048xi32>
    %get3A_11 = arith.constant 8 : index
    %get3A_12 = memref.load %arg6[%get3A_11] : memref<10xf32, #tpu.memory_space<smem>>
    %broadcast_in_dim3A_13 = vector.broadcast %get3A_12 : f32 to vector<40x2048xf32>
    %select_n3A = arith.select %eq3A_10, %broadcast_in_dim3A_13, %broadcast_in_dim3A : vector<40x2048xi1>, vector<40x2048xf32>
    %eq3A_14 = arith.constant 7 : i32
    %eq3A_15 = vector.broadcast %eq3A_14 : i32 to vector<40x2048xi32>
    %eq3A_16 = arith.cmpi eq, %get3A_5, %eq3A_15 : vector<40x2048xi32>
    %get3A_17 = arith.constant 7 : index
    %get3A_18 = memref.load %arg6[%get3A_17] : memref<10xf32, #tpu.memory_space<smem>>
    %broadcast_in_dim3A_19 = vector.broadcast %get3A_18 : f32 to vector<40x2048xf32>
    %select_n3A_20 = arith.select %eq3A_16, %broadcast_in_dim3A_19, %select_n3A : vector<40x2048xi1>, vector<40x2048xf32>
    %eq3A_21 = arith.constant 6 : i32
    %eq3A_22 = vector.broadcast %eq3A_21 : i32 to vector<40x2048xi32>
    %eq3A_23 = arith.cmpi eq, %get3A_5, %eq3A_22 : vector<40x2048xi32>
    %get3A_24 = arith.constant 6 : index
    %get3A_25 = memref.load %arg6[%get3A_24] : memref<10xf32, #tpu.memory_space<smem>>
    %broadcast_in_dim3A_26 = vector.broadcast %get3A_25 : f32 to vector<40x2048xf32>
    %select_n3A_27 = arith.select %eq3A_23, %broadcast_in_dim3A_26, %select_n3A_20 : vector<40x2048xi1>, vector<40x2048xf32>
    %eq3A_28 = arith.constant 5 : i32
    %eq3A_29 = vector.broadcast %eq3A_28 : i32 to vector<40x2048xi32>
    %eq3A_30 = arith.cmpi eq, %get3A_5, %eq3A_29 : vector<40x2048xi32>
    %get3A_31 = arith.constant 5 : index
    %get3A_32 = memref.load %arg6[%get3A_31] : memref<10xf32, #tpu.memory_space<smem>>
    %broadcast_in_dim3A_33 = vector.broadcast %get3A_32 : f32 to vector<40x2048xf32>
    %select_n3A_34 = arith.select %eq3A_30, %broadcast_in_dim3A_33, %select_n3A_27 : vector<40x2048xi1>, vector<40x2048xf32>
    %eq3A_35 = arith.constant 4 : i32
    %eq3A_36 = vector.broadcast %eq3A_35 : i32 to vector<40x2048xi32>
    %eq3A_37 = arith.cmpi eq, %get3A_5, %eq3A_36 : vector<40x2048xi32>
    %get3A_38 = arith.constant 4 : index
    %get3A_39 = memref.load %arg6[%get3A_38] : memref<10xf32, #tpu.memory_space<smem>>
    %broadcast_in_dim3A_40 = vector.broadcast %get3A_39 : f32 to vector<40x2048xf32>
    %select_n3A_41 = arith.select %eq3A_37, %broadcast_in_dim3A_40, %select_n3A_34 : vector<40x2048xi1>, vector<40x2048xf32>
    %eq3A_42 = arith.constant 3 : i32
    %eq3A_43 = vector.broadcast %eq3A_42 : i32 to vector<40x2048xi32>
    %eq3A_44 = arith.cmpi eq, %get3A_5, %eq3A_43 : vector<40x2048xi32>
    %get3A_45 = arith.constant 3 : index
    %get3A_46 = memref.load %arg6[%get3A_45] : memref<10xf32, #tpu.memory_space<smem>>
    %broadcast_in_dim3A_47 = vector.broadcast %get3A_46 : f32 to vector<40x2048xf32>
    %select_n3A_48 = arith.select %eq3A_44, %broadcast_in_dim3A_47, %select_n3A_41 : vector<40x2048xi1>, vector<40x2048xf32>
    %eq3A_49 = arith.constant 2 : i32
    %eq3A_50 = vector.broadcast %eq3A_49 : i32 to vector<40x2048xi32>
    %eq3A_51 = arith.cmpi eq, %get3A_5, %eq3A_50 : vector<40x2048xi32>
    %get3A_52 = arith.constant 2 : index
    %get3A_53 = memref.load %arg6[%get3A_52] : memref<10xf32, #tpu.memory_space<smem>>
    %broadcast_in_dim3A_54 = vector.broadcast %get3A_53 : f32 to vector<40x2048xf32>
    %select_n3A_55 = arith.select %eq3A_51, %broadcast_in_dim3A_54, %select_n3A_48 : vector<40x2048xi1>, vector<40x2048xf32>
    %eq3A_56 = arith.constant 1 : i32
    %eq3A_57 = vector.broadcast %eq3A_56 : i32 to vector<40x2048xi32>
    %eq3A_58 = arith.cmpi eq, %get3A_5, %eq3A_57 : vector<40x2048xi32>
    %get3A_59 = arith.constant 1 : index
    %get3A_60 = memref.load %arg6[%get3A_59] : memref<10xf32, #tpu.memory_space<smem>>
    %broadcast_in_dim3A_61 = vector.broadcast %get3A_60 : f32 to vector<40x2048xf32>
    %select_n3A_62 = arith.select %eq3A_58, %broadcast_in_dim3A_61, %select_n3A_55 : vector<40x2048xi1>, vector<40x2048xf32>
    %eq3A_63 = arith.constant 0 : i32
    %eq3A_64 = vector.broadcast %eq3A_63 : i32 to vector<40x2048xi32>
    %eq3A_65 = arith.cmpi eq, %get3A_5, %eq3A_64 : vector<40x2048xi32>
    %get3A_66 = arith.constant 0 : index
    %get3A_67 = memref.load %arg6[%get3A_66] : memref<10xf32, #tpu.memory_space<smem>>
    %broadcast_in_dim3A_68 = vector.broadcast %get3A_67 : f32 to vector<40x2048xf32>
    %select_n3A_69 = arith.select %eq3A_65, %broadcast_in_dim3A_68, %select_n3A_62 : vector<40x2048xi1>, vector<40x2048xf32>
    %get3A_70 = arith.constant 0 : index
    %get3A_71 = arith.constant 0 : index
    %get3A_72 = vector.load %arg7[%get3A_70, %get3A_71] : memref<8x128xf32, #tpu.memory_space<vmem>>, vector<8x128xf32>
    %slice3A = vector.extract_strided_slice %select_n3A_69 {offsets = [0, 0], sizes = [8, 128], strides = [1, 1]} : vector<40x2048xf32> to vector<8x128xf32>
    %add3A = arith.addf %get3A_72, %slice3A : vector<8x128xf32>
    %slice3A_73 = vector.extract_strided_slice %select_n3A_69 {offsets = [0, 128], sizes = [8, 128], strides = [1, 1]} : vector<40x2048xf32> to vector<8x128xf32>
    %add3A_74 = arith.addf %add3A, %slice3A_73 : vector<8x128xf32>
    %slice3A_75 = vector.extract_strided_slice %select_n3A_69 {offsets = [0, 256], sizes = [8, 128], strides = [1, 1]} : vector<40x2048xf32> to vector<8x128xf32>
    %add3A_76 = arith.addf %add3A_74, %slice3A_75 : vector<8x128xf32>
    %slice3A_77 = vector.extract_strided_slice %select_n3A_69 {offsets = [0, 384], sizes = [8, 128], strides = [1, 1]} : vector<40x2048xf32> to vector<8x128xf32>
    %add3A_78 = arith.addf %add3A_76, %slice3A_77 : vector<8x128xf32>
    %slice3A_79 = vector.extract_strided_slice %select_n3A_69 {offsets = [0, 512], sizes = [8, 128], strides = [1, 1]} : vector<40x2048xf32> to vector<8x128xf32>
    %add3A_80 = arith.addf %add3A_78, %slice3A_79 : vector<8x128xf32>
    %slice3A_81 = vector.extract_strided_slice %select_n3A_69 {offsets = [0, 640], sizes = [8, 128], strides = [1, 1]} : vector<40x2048xf32> to vector<8x128xf32>
    %add3A_82 = arith.addf %add3A_80, %slice3A_81 : vector<8x128xf32>
    %slice3A_83 = vector.extract_strided_slice %select_n3A_69 {offsets = [0, 768], sizes = [8, 128], strides = [1, 1]} : vector<40x2048xf32> to vector<8x128xf32>
    %add3A_84 = arith.addf %add3A_82, %slice3A_83 : vector<8x128xf32>
    %slice3A_85 = vector.extract_strided_slice %select_n3A_69 {offsets = [0, 896], sizes = [8, 128], strides = [1, 1]} : vector<40x2048xf32> to vector<8x128xf32>
    %add3A_86 = arith.addf %add3A_84, %slice3A_85 : vector<8x128xf32>
    %slice3A_87 = vector.extract_strided_slice %select_n3A_69 {offsets = [0, 1024], sizes = [8, 128], strides = [1, 1]} : vector<40x2048xf32> to vector<8x128xf32>
    %add3A_88 = arith.addf %add3A_86, %slice3A_87 : vector<8x128xf32>
    %slice3A_89 = vector.extract_strided_slice %select_n3A_69 {offsets = [0, 1152], sizes = [8, 128], strides = [1, 1]} : vector<40x2048xf32> to vector<8x128xf32>
    %add3A_90 = arith.addf %add3A_88, %slice3A_89 : vector<8x128xf32>
    %slice3A_91 = vector.extract_strided_slice %select_n3A_69 {offsets = [0, 1280], sizes = [8, 128], strides = [1, 1]} : vector<40x2048xf32> to vector<8x128xf32>
    %add3A_92 = arith.addf %add3A_90, %slice3A_91 : vector<8x128xf32>
    %slice3A_93 = vector.extract_strided_slice %select_n3A_69 {offsets = [0, 1408], sizes = [8, 128], strides = [1, 1]} : vector<40x2048xf32> to vector<8x128xf32>
    %add3A_94 = arith.addf %add3A_92, %slice3A_93 : vector<8x128xf32>
    %slice3A_95 = vector.extract_strided_slice %select_n3A_69 {offsets = [0, 1536], sizes = [8, 128], strides = [1, 1]} : vector<40x2048xf32> to vector<8x128xf32>
    %add3A_96 = arith.addf %add3A_94, %slice3A_95 : vector<8x128xf32>
    %slice3A_97 = vector.extract_strided_slice %select_n3A_69 {offsets = [0, 1664], sizes = [8, 128], strides = [1, 1]} : vector<40x2048xf32> to vector<8x128xf32>
    %add3A_98 = arith.addf %add3A_96, %slice3A_97 : vector<8x128xf32>
    %slice3A_99 = vector.extract_strided_slice %select_n3A_69 {offsets = [0, 1792], sizes = [8, 128], strides = [1, 1]} : vector<40x2048xf32> to vector<8x128xf32>
    %add3A_100 = arith.addf %add3A_98, %slice3A_99 : vector<8x128xf32>
    %slice3A_101 = vector.extract_strided_slice %select_n3A_69 {offsets = [0, 1920], sizes = [8, 128], strides = [1, 1]} : vector<40x2048xf32> to vector<8x128xf32>
    %add3A_102 = arith.addf %add3A_100, %slice3A_101 : vector<8x128xf32>
    %slice3A_103 = vector.extract_strided_slice %select_n3A_69 {offsets = [8, 0], sizes = [8, 128], strides = [1, 1]} : vector<40x2048xf32> to vector<8x128xf32>
    %add3A_104 = arith.addf %add3A_102, %slice3A_103 : vector<8x128xf32>
    %slice3A_105 = vector.extract_strided_slice %select_n3A_69 {offsets = [8, 128], sizes = [8, 128], strides = [1, 1]} : vector<40x2048xf32> to vector<8x128xf32>
    %add3A_106 = arith.addf %add3A_104, %slice3A_105 : vector<8x128xf32>
    %slice3A_107 = vector.extract_strided_slice %select_n3A_69 {offsets = [8, 256], sizes = [8, 128], strides = [1, 1]} : vector<40x2048xf32> to vector<8x128xf32>
    %add3A_108 = arith.addf %add3A_106, %slice3A_107 : vector<8x128xf32>
    %slice3A_109 = vector.extract_strided_slice %select_n3A_69 {offsets = [8, 384], sizes = [8, 128], strides = [1, 1]} : vector<40x2048xf32> to vector<8x128xf32>
    %add3A_110 = arith.addf %add3A_108, %slice3A_109 : vector<8x128xf32>
    %slice3A_111 = vector.extract_strided_slice %select_n3A_69 {offsets = [8, 512], sizes = [8, 128], strides = [1, 1]} : vector<40x2048xf32> to vector<8x128xf32>
    %add3A_112 = arith.addf %add3A_110, %slice3A_111 : vector<8x128xf32>
    %slice3A_113 = vector.extract_strided_slice %select_n3A_69 {offsets = [8, 640], sizes = [8, 128], strides = [1, 1]} : vector<40x2048xf32> to vector<8x128xf32>
    %add3A_114 = arith.addf %add3A_112, %slice3A_113 : vector<8x128xf32>
    %slice3A_115 = vector.extract_strided_slice %select_n3A_69 {offsets = [8, 768], sizes = [8, 128], strides = [1, 1]} : vector<40x2048xf32> to vector<8x128xf32>
    %add3A_116 = arith.addf %add3A_114, %slice3A_115 : vector<8x128xf32>
    %slice3A_117 = vector.extract_strided_slice %select_n3A_69 {offsets = [8, 896], sizes = [8, 128], strides = [1, 1]} : vector<40x2048xf32> to vector<8x128xf32>
    %add3A_118 = arith.addf %add3A_116, %slice3A_117 : vector<8x128xf32>
    %slice3A_119 = vector.extract_strided_slice %select_n3A_69 {offsets = [8, 1024], sizes = [8, 128], strides = [1, 1]} : vector<40x2048xf32> to vector<8x128xf32>
    %add3A_120 = arith.addf %add3A_118, %slice3A_119 : vector<8x128xf32>
    %slice3A_121 = vector.extract_strided_slice %select_n3A_69 {offsets = [8, 1152], sizes = [8, 128], strides = [1, 1]} : vector<40x2048xf32> to vector<8x128xf32>
    %add3A_122 = arith.addf %add3A_120, %slice3A_121 : vector<8x128xf32>
    %slice3A_123 = vector.extract_strided_slice %select_n3A_69 {offsets = [8, 1280], sizes = [8, 128], strides = [1, 1]} : vector<40x2048xf32> to vector<8x128xf32>
    %add3A_124 = arith.addf %add3A_122, %slice3A_123 : vector<8x128xf32>
    %slice3A_125 = vector.extract_strided_slice %select_n3A_69 {offsets = [8, 1408], sizes = [8, 128], strides = [1, 1]} : vector<40x2048xf32> to vector<8x128xf32>
    %add3A_126 = arith.addf %add3A_124, %slice3A_125 : vector<8x128xf32>
    %slice3A_127 = vector.extract_strided_slice %select_n3A_69 {offsets = [8, 1536], sizes = [8, 128], strides = [1, 1]} : vector<40x2048xf32> to vector<8x128xf32>
    %add3A_128 = arith.addf %add3A_126, %slice3A_127 : vector<8x128xf32>
    %slice3A_129 = vector.extract_strided_slice %select_n3A_69 {offsets = [8, 1664], sizes = [8, 128], strides = [1, 1]} : vector<40x2048xf32> to vector<8x128xf32>
    %add3A_130 = arith.addf %add3A_128, %slice3A_129 : vector<8x128xf32>
    %slice3A_131 = vector.extract_strided_slice %select_n3A_69 {offsets = [8, 1792], sizes = [8, 128], strides = [1, 1]} : vector<40x2048xf32> to vector<8x128xf32>
    %add3A_132 = arith.addf %add3A_130, %slice3A_131 : vector<8x128xf32>
    %slice3A_133 = vector.extract_strided_slice %select_n3A_69 {offsets = [8, 1920], sizes = [8, 128], strides = [1, 1]} : vector<40x2048xf32> to vector<8x128xf32>
    %add3A_134 = arith.addf %add3A_132, %slice3A_133 : vector<8x128xf32>
    %slice3A_135 = vector.extract_strided_slice %select_n3A_69 {offsets = [16, 0], sizes = [8, 128], strides = [1, 1]} : vector<40x2048xf32> to vector<8x128xf32>
    %add3A_136 = arith.addf %add3A_134, %slice3A_135 : vector<8x128xf32>
    %slice3A_137 = vector.extract_strided_slice %select_n3A_69 {offsets = [16, 128], sizes = [8, 128], strides = [1, 1]} : vector<40x2048xf32> to vector<8x128xf32>
    %add3A_138 = arith.addf %add3A_136, %slice3A_137 : vector<8x128xf32>
    %slice3A_139 = vector.extract_strided_slice %select_n3A_69 {offsets = [16, 256], sizes = [8, 128], strides = [1, 1]} : vector<40x2048xf32> to vector<8x128xf32>
    %add3A_140 = arith.addf %add3A_138, %slice3A_139 : vector<8x128xf32>
    %slice3A_141 = vector.extract_strided_slice %select_n3A_69 {offsets = [16, 384], sizes = [8, 128], strides = [1, 1]} : vector<40x2048xf32> to vector<8x128xf32>
    %add3A_142 = arith.addf %add3A_140, %slice3A_141 : vector<8x128xf32>
    %slice3A_143 = vector.extract_strided_slice %select_n3A_69 {offsets = [16, 512], sizes = [8, 128], strides = [1, 1]} : vector<40x2048xf32> to vector<8x128xf32>
    %add3A_144 = arith.addf %add3A_142, %slice3A_143 : vector<8x128xf32>
    %slice3A_145 = vector.extract_strided_slice %select_n3A_69 {offsets = [16, 640], sizes = [8, 128], strides = [1, 1]} : vector<40x2048xf32> to vector<8x128xf32>
    %add3A_146 = arith.addf %add3A_144, %slice3A_145 : vector<8x128xf32>
    %slice3A_147 = vector.extract_strided_slice %select_n3A_69 {offsets = [16, 768], sizes = [8, 128], strides = [1, 1]} : vector<40x2048xf32> to vector<8x128xf32>
    %add3A_148 = arith.addf %add3A_146, %slice3A_147 : vector<8x128xf32>
    %slice3A_149 = vector.extract_strided_slice %select_n3A_69 {offsets = [16, 896], sizes = [8, 128], strides = [1, 1]} : vector<40x2048xf32> to vector<8x128xf32>
    %add3A_150 = arith.addf %add3A_148, %slice3A_149 : vector<8x128xf32>
    %slice3A_151 = vector.extract_strided_slice %select_n3A_69 {offsets = [16, 1024], sizes = [8, 128], strides = [1, 1]} : vector<40x2048xf32> to vector<8x128xf32>
    %add3A_152 = arith.addf %add3A_150, %slice3A_151 : vector<8x128xf32>
    %slice3A_153 = vector.extract_strided_slice %select_n3A_69 {offsets = [16, 1152], sizes = [8, 128], strides = [1, 1]} : vector<40x2048xf32> to vector<8x128xf32>
    %add3A_154 = arith.addf %add3A_152, %slice3A_153 : vector<8x128xf32>
    %slice3A_155 = vector.extract_strided_slice %select_n3A_69 {offsets = [16, 1280], sizes = [8, 128], strides = [1, 1]} : vector<40x2048xf32> to vector<8x128xf32>
    %add3A_156 = arith.addf %add3A_154, %slice3A_155 : vector<8x128xf32>
    %slice3A_157 = vector.extract_strided_slice %select_n3A_69 {offsets = [16, 1408], sizes = [8, 128], strides = [1, 1]} : vector<40x2048xf32> to vector<8x128xf32>
    %add3A_158 = arith.addf %add3A_156, %slice3A_157 : vector<8x128xf32>
    %slice3A_159 = vector.extract_strided_slice %select_n3A_69 {offsets = [16, 1536], sizes = [8, 128], strides = [1, 1]} : vector<40x2048xf32> to vector<8x128xf32>
    %add3A_160 = arith.addf %add3A_158, %slice3A_159 : vector<8x128xf32>
    %slice3A_161 = vector.extract_strided_slice %select_n3A_69 {offsets = [16, 1664], sizes = [8, 128], strides = [1, 1]} : vector<40x2048xf32> to vector<8x128xf32>
    %add3A_162 = arith.addf %add3A_160, %slice3A_161 : vector<8x128xf32>
    %slice3A_163 = vector.extract_strided_slice %select_n3A_69 {offsets = [16, 1792], sizes = [8, 128], strides = [1, 1]} : vector<40x2048xf32> to vector<8x128xf32>
    %add3A_164 = arith.addf %add3A_162, %slice3A_163 : vector<8x128xf32>
    %slice3A_165 = vector.extract_strided_slice %select_n3A_69 {offsets = [16, 1920], sizes = [8, 128], strides = [1, 1]} : vector<40x2048xf32> to vector<8x128xf32>
    %add3A_166 = arith.addf %add3A_164, %slice3A_165 : vector<8x128xf32>
    %slice3A_167 = vector.extract_strided_slice %select_n3A_69 {offsets = [24, 0], sizes = [8, 128], strides = [1, 1]} : vector<40x2048xf32> to vector<8x128xf32>
    %add3A_168 = arith.addf %add3A_166, %slice3A_167 : vector<8x128xf32>
    %slice3A_169 = vector.extract_strided_slice %select_n3A_69 {offsets = [24, 128], sizes = [8, 128], strides = [1, 1]} : vector<40x2048xf32> to vector<8x128xf32>
    %add3A_170 = arith.addf %add3A_168, %slice3A_169 : vector<8x128xf32>
    %slice3A_171 = vector.extract_strided_slice %select_n3A_69 {offsets = [24, 256], sizes = [8, 128], strides = [1, 1]} : vector<40x2048xf32> to vector<8x128xf32>
    %add3A_172 = arith.addf %add3A_170, %slice3A_171 : vector<8x128xf32>
    %slice3A_173 = vector.extract_strided_slice %select_n3A_69 {offsets = [24, 384], sizes = [8, 128], strides = [1, 1]} : vector<40x2048xf32> to vector<8x128xf32>
    %add3A_174 = arith.addf %add3A_172, %slice3A_173 : vector<8x128xf32>
    %slice3A_175 = vector.extract_strided_slice %select_n3A_69 {offsets = [24, 512], sizes = [8, 128], strides = [1, 1]} : vector<40x2048xf32> to vector<8x128xf32>
    %add3A_176 = arith.addf %add3A_174, %slice3A_175 : vector<8x128xf32>
    %slice3A_177 = vector.extract_strided_slice %select_n3A_69 {offsets = [24, 640], sizes = [8, 128], strides = [1, 1]} : vector<40x2048xf32> to vector<8x128xf32>
    %add3A_178 = arith.addf %add3A_176, %slice3A_177 : vector<8x128xf32>
    %slice3A_179 = vector.extract_strided_slice %select_n3A_69 {offsets = [24, 768], sizes = [8, 128], strides = [1, 1]} : vector<40x2048xf32> to vector<8x128xf32>
    %add3A_180 = arith.addf %add3A_178, %slice3A_179 : vector<8x128xf32>
    %slice3A_181 = vector.extract_strided_slice %select_n3A_69 {offsets = [24, 896], sizes = [8, 128], strides = [1, 1]} : vector<40x2048xf32> to vector<8x128xf32>
    %add3A_182 = arith.addf %add3A_180, %slice3A_181 : vector<8x128xf32>
    %slice3A_183 = vector.extract_strided_slice %select_n3A_69 {offsets = [24, 1024], sizes = [8, 128], strides = [1, 1]} : vector<40x2048xf32> to vector<8x128xf32>
    %add3A_184 = arith.addf %add3A_182, %slice3A_183 : vector<8x128xf32>
    %slice3A_185 = vector.extract_strided_slice %select_n3A_69 {offsets = [24, 1152], sizes = [8, 128], strides = [1, 1]} : vector<40x2048xf32> to vector<8x128xf32>
    %add3A_186 = arith.addf %add3A_184, %slice3A_185 : vector<8x128xf32>
    %slice3A_187 = vector.extract_strided_slice %select_n3A_69 {offsets = [24, 1280], sizes = [8, 128], strides = [1, 1]} : vector<40x2048xf32> to vector<8x128xf32>
    %add3A_188 = arith.addf %add3A_186, %slice3A_187 : vector<8x128xf32>
    %slice3A_189 = vector.extract_strided_slice %select_n3A_69 {offsets = [24, 1408], sizes = [8, 128], strides = [1, 1]} : vector<40x2048xf32> to vector<8x128xf32>
    %add3A_190 = arith.addf %add3A_188, %slice3A_189 : vector<8x128xf32>
    %slice3A_191 = vector.extract_strided_slice %select_n3A_69 {offsets = [24, 1536], sizes = [8, 128], strides = [1, 1]} : vector<40x2048xf32> to vector<8x128xf32>
    %add3A_192 = arith.addf %add3A_190, %slice3A_191 : vector<8x128xf32>
    %slice3A_193 = vector.extract_strided_slice %select_n3A_69 {offsets = [24, 1664], sizes = [8, 128], strides = [1, 1]} : vector<40x2048xf32> to vector<8x128xf32>
    %add3A_194 = arith.addf %add3A_192, %slice3A_193 : vector<8x128xf32>
    %slice3A_195 = vector.extract_strided_slice %select_n3A_69 {offsets = [24, 1792], sizes = [8, 128], strides = [1, 1]} : vector<40x2048xf32> to vector<8x128xf32>
    %add3A_196 = arith.addf %add3A_194, %slice3A_195 : vector<8x128xf32>
    %slice3A_197 = vector.extract_strided_slice %select_n3A_69 {offsets = [24, 1920], sizes = [8, 128], strides = [1, 1]} : vector<40x2048xf32> to vector<8x128xf32>
    %add3A_198 = arith.addf %add3A_196, %slice3A_197 : vector<8x128xf32>
    %slice3A_199 = vector.extract_strided_slice %select_n3A_69 {offsets = [32, 0], sizes = [8, 128], strides = [1, 1]} : vector<40x2048xf32> to vector<8x128xf32>
    %add3A_200 = arith.addf %add3A_198, %slice3A_199 : vector<8x128xf32>
    %slice3A_201 = vector.extract_strided_slice %select_n3A_69 {offsets = [32, 128], sizes = [8, 128], strides = [1, 1]} : vector<40x2048xf32> to vector<8x128xf32>
    %add3A_202 = arith.addf %add3A_200, %slice3A_201 : vector<8x128xf32>
    %slice3A_203 = vector.extract_strided_slice %select_n3A_69 {offsets = [32, 256], sizes = [8, 128], strides = [1, 1]} : vector<40x2048xf32> to vector<8x128xf32>
    %add3A_204 = arith.addf %add3A_202, %slice3A_203 : vector<8x128xf32>
    %slice3A_205 = vector.extract_strided_slice %select_n3A_69 {offsets = [32, 384], sizes = [8, 128], strides = [1, 1]} : vector<40x2048xf32> to vector<8x128xf32>
    %add3A_206 = arith.addf %add3A_204, %slice3A_205 : vector<8x128xf32>
    %slice3A_207 = vector.extract_strided_slice %select_n3A_69 {offsets = [32, 512], sizes = [8, 128], strides = [1, 1]} : vector<40x2048xf32> to vector<8x128xf32>
    %add3A_208 = arith.addf %add3A_206, %slice3A_207 : vector<8x128xf32>
    %slice3A_209 = vector.extract_strided_slice %select_n3A_69 {offsets = [32, 640], sizes = [8, 128], strides = [1, 1]} : vector<40x2048xf32> to vector<8x128xf32>
    %add3A_210 = arith.addf %add3A_208, %slice3A_209 : vector<8x128xf32>
    %slice3A_211 = vector.extract_strided_slice %select_n3A_69 {offsets = [32, 768], sizes = [8, 128], strides = [1, 1]} : vector<40x2048xf32> to vector<8x128xf32>
    %add3A_212 = arith.addf %add3A_210, %slice3A_211 : vector<8x128xf32>
    %slice3A_213 = vector.extract_strided_slice %select_n3A_69 {offsets = [32, 896], sizes = [8, 128], strides = [1, 1]} : vector<40x2048xf32> to vector<8x128xf32>
    %add3A_214 = arith.addf %add3A_212, %slice3A_213 : vector<8x128xf32>
    %slice3A_215 = vector.extract_strided_slice %select_n3A_69 {offsets = [32, 1024], sizes = [8, 128], strides = [1, 1]} : vector<40x2048xf32> to vector<8x128xf32>
    %add3A_216 = arith.addf %add3A_214, %slice3A_215 : vector<8x128xf32>
    %slice3A_217 = vector.extract_strided_slice %select_n3A_69 {offsets = [32, 1152], sizes = [8, 128], strides = [1, 1]} : vector<40x2048xf32> to vector<8x128xf32>
    %add3A_218 = arith.addf %add3A_216, %slice3A_217 : vector<8x128xf32>
    %slice3A_219 = vector.extract_strided_slice %select_n3A_69 {offsets = [32, 1280], sizes = [8, 128], strides = [1, 1]} : vector<40x2048xf32> to vector<8x128xf32>
    %add3A_220 = arith.addf %add3A_218, %slice3A_219 : vector<8x128xf32>
    %slice3A_221 = vector.extract_strided_slice %select_n3A_69 {offsets = [32, 1408], sizes = [8, 128], strides = [1, 1]} : vector<40x2048xf32> to vector<8x128xf32>
    %add3A_222 = arith.addf %add3A_220, %slice3A_221 : vector<8x128xf32>
    %slice3A_223 = vector.extract_strided_slice %select_n3A_69 {offsets = [32, 1536], sizes = [8, 128], strides = [1, 1]} : vector<40x2048xf32> to vector<8x128xf32>
    %add3A_224 = arith.addf %add3A_222, %slice3A_223 : vector<8x128xf32>
    %slice3A_225 = vector.extract_strided_slice %select_n3A_69 {offsets = [32, 1664], sizes = [8, 128], strides = [1, 1]} : vector<40x2048xf32> to vector<8x128xf32>
    %add3A_226 = arith.addf %add3A_224, %slice3A_225 : vector<8x128xf32>
    %slice3A_227 = vector.extract_strided_slice %select_n3A_69 {offsets = [32, 1792], sizes = [8, 128], strides = [1, 1]} : vector<40x2048xf32> to vector<8x128xf32>
    %add3A_228 = arith.addf %add3A_226, %slice3A_227 : vector<8x128xf32>
    %slice3A_229 = vector.extract_strided_slice %select_n3A_69 {offsets = [32, 1920], sizes = [8, 128], strides = [1, 1]} : vector<40x2048xf32> to vector<8x128xf32>
    %add3A_230 = arith.addf %add3A_228, %slice3A_229 : vector<8x128xf32>
    %swap3A = arith.constant 0 : index
    %swap3A_231 = arith.constant 0 : index
    %swap3A_232 = vector.load %arg7[%swap3A, %swap3A_231] : memref<8x128xf32, #tpu.memory_space<vmem>>, vector<8x128xf32>
    tpu.vector_store %arg7[%swap3A, %swap3A_231], %add3A_230 {strides = array<i32>} : memref<8x128xf32, #tpu.memory_space<vmem>>, vector<8x128xf32>,
    %eq3A_233 = arith.constant 1 : i32
    %eq3A_234 = arith.cmpi eq, %arg0, %eq3A_233 : i32
    %eq3A_235 = arith.constant 7 : i32
    %eq3A_236 = arith.cmpi eq, %arg1, %eq3A_235 : i32
    %and3A_237 = arith.andi %eq3A_234, %eq3A_236 : i1
    %convert_element_type3A_238 = arith.extui %and3A_237 : i1 to i32
    %cond3A_239 = arith.constant 0 : i32
    %cond3A_240 = arith.cmpi ne, %convert_element_type3A_238, %cond3A_239 : i32
    scf.if %cond3A_240 {
      %get3A_241 = arith.constant 0 : index
      %get3A_242 = arith.constant 0 : index
      %get3A_243 = vector.load %arg7[%get3A_241, %get3A_242] : memref<8x128xf32, #tpu.memory_space<vmem>>, vector<8x128xf32>
      %reduce_sum3A = vector.shape_cast %get3A_243 : vector<8x128xf32> to vector<1x8x128xf32>
      %reduce_sum3A_244 = arith.constant dense<0.000000e+00> : vector<1xf32>
      %reduce_sum3A_245 = vector.multi_reduction <add>, %reduce_sum3A, %reduce_sum3A_244 [1, 2] : vector<1x8x128xf32> to vector<1xf32>
      %reduce_sum3A_246 = vector.shape_cast %reduce_sum3A_245 : vector<1xf32> to vector<1x1x1xf32>
      %reduce_sum3A_247 = vector.extract %reduce_sum3A_246[0, 0, 0] : f32 from vector<1x1x1xf32>
      %swap3A_248 = arith.constant 0 : index
      %swap3A_249 = arith.constant 0 : index
      %swap3A_250 = memref.load %arg5[%swap3A_248, %swap3A_249] : memref<1x1xf32, #tpu.memory_space<smem>>
      memref.store %reduce_sum3A_247, %arg5[%swap3A_248, %swap3A_249] : memref<1x1xf32, #tpu.memory_space<smem>>
    } else {
    }
    return
  }
  func.func @transform_0(%arg0: i32, %arg1: i32) -> (i32, i32) {
    %add3A = arith.constant 3 : i32
    %add3A_0 = arith.addi %add3A, %arg0 : i32
    %c0_i32 = arith.constant 0 : i32
    return %add3A_0, %arg1 : i32, i32
  }
  func.func @transform_1(%arg0: i32, %arg1: i32) -> (i32, i32) {
    %c0_i32 = arith.constant 0 : i32
    %c0_i32_0 = arith.constant 0 : i32
    %c0_i32_1 = arith.constant 0 : i32
    return %c0_i32, %c0_i32_0 : i32, i32
  }
  func.func @transform_2(%arg0: i32, %arg1: i32) -> (i32, i32) {
    %c0_i32 = arith.constant 0 : i32
    %c0_i32_0 = arith.constant 0 : i32
    %c0_i32_1 = arith.constant 0 : i32
    return %c0_i32, %c0_i32_0 : i32, i32
  }
  func.func @transform_3(%arg0: i32, %arg1: i32) -> (i32, i32) {
    %c0_i32 = arith.constant 0 : i32
    %c0_i32_0 = arith.constant 0 : i32
    %c0_i32_1 = arith.constant 0 : i32
    return %c0_i32, %c0_i32_0 : i32, i32
  }
}

</mosaic_0001>

<sc_bundles>
// kernel: kernel.4.cloned.1.call-start
scs
__scs_entry_jumppad:
0x0: {  	(pc) =	sbr.rel $0x88, $3  }
0x1: {  	(tag) =	ssettag $0x0;
	lr =	simm.s32 $0x1  }
0x2: {  	[smem:$0x3F9E] =	sst lr;
	_ =	strace $0xD0000000  }
0x3: {  	_ = 	snop  }
0x4: {  	_ = 	snop  }
0x5: {  	_ = 	snop  }
0x6: {  	_ = 	snop  }
0x7: {  	_ = 	snop  }
__scs_overlays_trampoline_lowered:
0x8: {  	[smem:$0x3FAD] =	sst s0  }
0x9: {  	[smem:$0x3FAE] =	sst s1  }
0xa: {  	[smem:$0x3FAF] =	sst s2  }
0xb: {  	[smem:$0x3FB0] =	sst s3  }
0xc: {  	[smem:$0x3FB1] =	sst s4  }
0xd: {  	[smem:$0x3FB2] =	sst s5  }
0xe: {  	[smem:$0x3FB3] =	sst s6  }
0xf: {  	[smem:$0x3FB4] =	sst s7  }
0x10: {  	[smem:$0x3FB5] =	sst s8  }
0x11: {  	[smem:$0x3FB6] =	sst s9;
	s0 =	simm.s32 @!p0 $0x0  }
0x12: {  	s1 =	sld [smem:$0x3F9C];
	s0 =	simm.s32 @p0 $0x1  }
0x13: {  	[smem:$0x3FB7] =	sst s0;
	s0 =	simm.s32 @!p1 $0x0  }
0x14: {  	s2 =	sld [smem:$0x3F9B];
	s0 =	simm.s32 @p1 $0x1  }
0x15: {  	[smem:$0x3FB8] =	sst s0;
	s0 =	simm.s32 @!p2 $0x0  }
0x16: {  	s3 =	sld [smem:$0x3FDB];
	s0 =	simm.s32 @p2 $0x1  }
0x17: {  	s4 =	simm.s32 $0x1BF5;
	[smem:$0x3FBA] =	sst s0  }
0x18: {  	s0 =	sld [smem:$0x3F9D];
	_ =	swait.ge [sflag:s4], $0x0  }
0x19: {  	s7 =	sld [smem:$0x3F9E]  }
0x1a: {  	s8 =	sadd.s32 $0xFFFFE003, lr  }
0x1b: {  	s9 =	sadd.s32 $0xFFFFFEF7, lr;
	s5 =	simm.s32 $0xFFFFFFFF;
	p2 =	slt.u32 s8, $0xFFFFF086  }
0x1c: {  	p1 =	slt.u32 s9, $0xF7A;
	s5 =	simm.s32 @!p2 $0x0  }
0x1d: {  	s5 =	simm.s32 @p1 $0x1;
	p0 =	seq.s32 s7, s2  }
0x1e: {  	s7 =	smul.u32 @!p0 $0xF7A, s2;
	p2 =	seq.s32 @!p0 s5, $0x0  }
0x1f: {  	s9 =	smul.u32 $0xF7A, s1;
	s8 =	simm.s32 @!p0 $0x1BF5;
	p2 =	por !p2, p0  }
0x20: {  	[sflag:s8] =	ssyncset.s32 @!p0 $0xFFFFF086;
	s6 =	sadd.s32 @!p0 s3, s7;
	s7 =	simm.s32 @!p0 $0x108  }
0x21: {  	s3 =	sadd.s32 s3, s9;
	s6 =	sadd.s32 @!p0 $0x88, s6;
	s7 =	simm.s32 @p2 $0x1082  }
0x22: {  	[simem:s7], [sflag:s8] =	dma.local @!p0 [hbm:s6], $0xF7A  }
0x23: {  	s9 =	sor.u32 $0xD0000000, s2;
	s6 =	simm.s32 $0x108;
	_ =	swait.ge @!p0 [sflag:s8], $0x0  }
0x24: {  	s3 =	sadd.s32 $0x88, s3;
	s6 =	simm.s32 @!p1 $0x1082;
	[sflag:s4] =	ssyncset.s32 $0xFFFFF086  }
0x25: {  	[simem:s6], [sflag:s4] =	dma.local [hbm:s3], $0xF7A  }
0x26: {  	[smem:$0x3F9E] =	sst s1;
	(tag) =	ssettag s2;
	_ =	strace s9  }
0x27: {  	s1 =	sld [smem:$0x3FAE]  }
0x28: {  	s2 =	sld [smem:$0x3FAF]  }
0x29: {  	s4 =	sld [smem:$0x3FB1]  }
0x2a: {  	p0 =	seq.s32 s5, $0x0;
	s5 =	sld [smem:$0x3FB2]  }
0x2b: {  	s6 =	sld [smem:$0x3FB3]  }
0x2c: {  	s7 =	sld [smem:$0x3FB4]  }
0x2d: {  	s3 =	simm.s32 $0x108;
	s8 =	sld [smem:$0x3FB5]  }
0x2e: {  	s3 =	simm.s32 @!p0 $0x1082;
	s9 =	sld [smem:$0x3FB6]  }
0x2f: {  	lr =	sadd.s32 s0, s3;
	s0 =	sld [smem:$0x3FAD]  }
0x30: {  	s3 =	sld [smem:$0x3FB0]  }
0x31: {  	[smem:$0x3FB9] =	sst s10  }
0x32: {  	s10 =	sld [smem:$0x3FB7];
	_ =	sdelay $0x3  }
0x33: {  	p0 =	seq.s32 s10, $0x1;
	s10 =	sld [smem:$0x3FB9];
	_ =	sdelay $0x3  }
0x34: {  	[smem:$0x3FB9] =	sst s10  }
0x35: {  	s10 =	sld [smem:$0x3FB8];
	_ =	sdelay $0x3  }
0x36: {  	p1 =	seq.s32 s10, $0x1;
	s10 =	sld [smem:$0x3FB9];
	_ =	sdelay $0x3  }
0x37: {  	[smem:$0x3FB9] =	sst s10  }
0x38: {  	s10 =	sld [smem:$0x3FBA]  }
0x39: {  	_ = 	snop;
	(pc) =	sbr.ind lr, $3  }
0x3a: {  	_ = 	snop  }
0x3b: {  	_ = 	snop  }
0x3c: {  	p2 =	seq.s32 s10, $0x1;
	s10 =	sld [smem:$0x3FB9]  }
0x3d: {  	_ =	shalt  }
0x3e: {  	_ =	shalt  }
0x3f: {  	_ =	shalt  }
0x40: {  	_ =	shalt  }
0x41: {  	_ =	shalt  }
0x42: {  	_ =	shalt  }
0x43: {  	_ =	shalt  }
0x44: {  	_ =	shalt  }
0x45: {  	_ =	shalt  }
0x46: {  	_ =	shalt  }
0x47: {  	_ =	shalt  }
0x48: {  	_ =	shalt  }
0x49: {  	_ =	shalt  }
0x4a: {  	_ =	shalt  }
0x4b: {  	_ =	shalt  }
0x4c: {  	_ =	shalt  }
0x4d: {  	_ =	shalt  }
0x4e: {  	_ =	shalt  }
0x4f: {  	_ =	shalt  }
0x50: {  	_ =	shalt  }
0x51: {  	_ =	shalt  }
0x52: {  	_ =	shalt  }
0x53: {  	_ =	shalt  }
0x54: {  	_ =	shalt  }
0x55: {  	_ =	shalt  }
0x56: {  	_ =	shalt  }
0x57: {  	_ =	shalt  }
0x58: {  	_ =	shalt  }
0x59: {  	_ =	shalt  }
0x5a: {  	_ =	shalt  }
0x5b: {  	_ =	shalt  }
0x5c: {  	_ =	shalt  }
0x5d: {  	_ =	shalt  }
0x5e: {  	_ =	shalt  }
0x5f: {  	_ =	shalt  }
0x60: {  	_ =	shalt  }
0x61: {  	_ =	shalt  }
0x62: {  	_ =	shalt  }
0x63: {  	_ =	shalt  }
0x64: {  	_ =	shalt  }
0x65: {  	_ =	shalt  }
0x66: {  	_ =	shalt  }
0x67: {  	_ =	shalt  }
0x68: {  	_ =	shalt  }
0x69: {  	_ =	shalt  }
0x6a: {  	_ =	shalt  }
0x6b: {  	_ =	shalt  }
0x6c: {  	_ =	shalt  }
0x6d: {  	_ =	shalt  }
0x6e: {  	_ =	shalt  }
0x6f: {  	_ =	shalt  }
0x70: {  	_ =	shalt  }
0x71: {  	_ =	shalt  }
0x72: {  	_ =	shalt  }
0x73: {  	_ =	shalt  }
0x74: {  	_ =	shalt  }
0x75: {  	_ =	shalt  }
0x76: {  	_ =	shalt  }
0x77: {  	_ =	shalt  }
0x78: {  	_ =	shalt  }
0x79: {  	_ =	shalt  }
0x7a: {  	_ =	shalt  }
0x7b: {  	_ =	shalt  }
0x7c: {  	_ =	shalt  }
0x7d: {  	_ =	shalt  }
0x7e: {  	_ =	shalt  }
0x7f: {  	_ =	shalt  }
0x80: {  	_ =	shalt  }
0x81: {  	_ =	shalt  }
0x82: {  	_ =	shalt  }
0x83: {  	_ =	shalt  }
0x84: {  	_ =	shalt  }
0x85: {  	_ =	shalt  }
0x86: {  	_ =	shalt  }
0x87: {  	_ =	shalt  }
.Lfunc_end0:
.L_simem_size_0:
called_computation_lowered:
.L_overlay_start_0:
0x88: {  	s2 =	sld [smem:$0x3FD9]  }
0x89: {  	s3 =	sld [smem:$0x3FFE];
	_ =	sdelay $0x1  }
0x8a: {  	s1 =	srdreg.scid  }
0x8b: {  	s0 =	sand.u32 $0x1, s1  }
0x8c: {  	s17 =	sshll.u32 s0, $0xA;
	s2 =	sadd.s32 s3, s2  }
0x8d: {  	s2 =	sadd.s32 s2, s17  }
0x8e: {  	[smem:$0x3FC5] =	sst s2  }
0x8f: {  	_ = 	snop  }
0x90: {  	s2 =	sld [smem:$0x3FC9]  }
0x91: {  	s18 =	sld [smem:$0x3FC8]  }
0x92: {  	s4 =	sld [smem:$0x3FC7];
	(tm) =	ssettm $0x1  }
0x93: {  	s5 =	sld [smem:$0x3FFB];
	_ =	sdelay $0x3  }
0x94: {  	_ =	strace s5  }
0x95: {  	s5 =	sld [smem:$0x3FFC];
	_ =	sdelay $0x3  }
0x96: {  	_ =	strace s5  }
0x97: {  	s5 =	sld [smem:$0x3FFD];
	_ =	sdelay $0x3  }
0x98: {  	_ =	strace s5  }
0x99: {  	_ =	strace $0x8FFFFFFF  }
0x9a: {  	s19 =	sld [smem:$0x3FDB];
	_ =	sdelay $0x1  }
0x9b: {  	s6 =	simm.s32 $_scs_section_size  }
0x9c: {  	s7 =	simm.s32 $_size__tile_overlayer_lowered;
	s8 =	simm.s32 $_tile_overlayer_lowered  }
0x9d: {  	s22 =	simm.s32 $0x1BFF;
	s21 =	sshll.u32 s8, $0x1;
	s5 =	sadd.s32 s6, s19  }
0x9e: {  	s9 =	simm.s32 $0x0;
	s20 =	sshll.u32 s7, $0x1;
	s7 =	sadd.s32 s21, s5  }
0x9f: {  	[timem:s9], [sflag:s22] =	dma.local [hbm:s7], s20  }
0xa0: {  	_ =	swait.ge [sflag:s22], s20  }
0xa1: {  	s6 =	ssub.s32 $0x0, s20;
	[sflag:s22] =	ssyncset.done $0x0  }
0xa2: {  	[sflag:s22] =	ssyncadd.s32 s6;
	_ =	sdelay $0x1  }
0xa3: {  	s23 =	simm.s32 $0x1B8B  }
0xa4: {  	_ =	swait.ge [sflag:s23], $0x1  }
0xa5: {  	[sflag:s23] =	ssyncset.done $0x0  }
0xa6: {  	s25 =	simm.s32 $0x1B8E;
	s24 =	sld [smem:$0x3FFE];
	[sflag:s23] =	ssyncadd.s32 $0xFFFFFFFF  }
0xa7: {  	s26 =	simm.s32 $execute0_lowered;
	[smem:$0x3FD2] =	sst s25  }
0xa8: {  	s7 =	sshll.u32 s26, $0x1;
	_ =	strace $0x80000046;
	[dreg:$0x1] =	wrdreg $0xFFFFFFFF  }
0xa9: {  	s28 =	simm.s32 $_size_execute0_lowered;
	s5 =	sadd.s32 s5, s7;
	[dreg:$0x0] =	wrdreg $0x0  }
0xaa: {  	s7 =	sshll.u32 s28, $0x1;
	[dreg:$0x2] =	wrdreg s5  }
0xab: {  	[dreg:$0x3] =	wrdreg s7  }
0xac: {  	[dreg:$0x4] =	wrdreg $0xC0  }
0xad: {  	_ =	task [dreg:s9], $0x5FFFF  }
0xae: {  	[dreg:$0x1] =	wrdreg $0xFFFFFFFF  }
0xaf: {  	[dreg:$0x0] =	wrdreg $0x60  }
0xb0: {  	[dreg:$0x2] =	wrdreg s2  }
0xb1: {  	[dreg:$0x3] =	wrdreg s18  }
0xb2: {  	[dreg:$0x4] =	wrdreg s4  }
0xb3: {  	[dreg:$0x5] =	wrdreg s24  }
0xb4: {  	[dreg:$0x6] =	wrdreg $0x9  }
0xb5: {  	_ =	task.clear_ibuf [dreg:s9], $0x7FFFF;
	_ =	strace $0x90000046  }
0xb6: {  	s29 =	simm.s32 $0x9;
	_ =	strace $0x80000048  }
0xb7: {  	_ =	swait.ge [sflag:s29], $0x1  }
0xb8: {  	[sflag:s29] =	ssyncadd.s32 $0xFFFFFFFF  }
0xb9: {  	_ =	strace $0x90000048  }
0xba: {  	_ =	sfence  }
0xbb: {  	s30 =	sld [smem:$0x0];
	_ =	sdelay $0x2  }
0xbc: {  	s31 =	sshll.u32 s1, $0xD;
	s1 =	sshrl.u32 s1, $0x2  }
0xbd: {  	s3 =	sand.u32 $0x4000, s31;
	s1 =	sadd.s32 s1, s30  }
0xbe: {  	s0 =	sor.u32 s3, s0;
	s1 =	sshll.u32 s1, $0x11  }
0xbf: {  	s0 =	sor.u32 s1, s0  }
0xc0: {  	s0 =	sadd.s32 $0x8F2B, s0  }
0xc1: {  	[sflag:s0] =	ssyncadd.remote.s32 $0x1  }
0xc2: {  	_ =	sfence.sel $0xFFFF  }
0xc3: {  	[dreg:$0x0] =	wrdreg $0xFFFFFFFF;
	(pc) =	sbr.abs _section_cstart, $3  }
0xc4: {  	[dreg:$0x1] =	wrdreg $0xFFFFFFFF  }
0xc5: {  	_ =	task.clear_ibuf [dreg:s9], $0x2FFFF;
	_ =	strace $0x9FFFFFFF  }
0xc6: {  	(tm) =	ssettm $0x7FFFFFFF  }
0xc7: {  	_ =	shalt  }
tec
execute0_lowered:
.L_overlay_start_1:
0x0: {  	(tag) =	ssettag $0x1  }
0x1: {  	s5 =	rddreg [dreg:$0x0]  }
0x2: {  	s1 =	rddreg [dreg:$0x1]  }
0x3: {  	s2 =	rddreg [dreg:$0x2]  }
0x4: {  	s6 =	rddreg [dreg:$0x3]  }
0x5: {  	s0 =	rddreg [dreg:$0x4];
	s4 =	simm.s32 $0x0;
	s7 =	srdreg.scid  }
0x6: {  	s3 =	stileid.u32;
	s12 =	simm.s32 $0x6000;
	s13 =	simm.s32 $0x3  }
0x7: {  	s14 =	simm.s32 $0x6800;
	s15 =	simm.s32 $0x1000;
	s16 =	simm.s32 $0x20000  }
0x8: {  	s17 =	simm.s32 $0x3000;
	s18 =	simm.s32 $0x1;
	s19 =	simm.s32 $0x7000  }
0x9: {  	s20 =	simm.s32 $0x2;
	s21 =	simm.s32 $0x7100;
	s22 =	simm.s32 $0x0  }
0xa: {  	v0 =	vlaneseq.u32;
	[smem:$0x7FF] =	sst s4;
	s7 =	sand.u32 $0x1, s7;
	s8 =	sshll.u32 s3, $0x1  }
0xb: {  	v0 =	vmul.u32 $0x80, v0;
	_ =	strace $0x80000047;
	s8 =	sor.u32 s7, s8;
	s7 =	ssub.s32 $0x2, s7  }
0xc: {  	vm0 =	vmmov $0x3ff;
	s9 =	sshll.u32 s8, $0x4;
	s8 =	sshll.u32 s8, $0x9;
	s31 =	sshrl.u32 s7, $0x1  }
0xd: {  	v1 =	vor.u32 $0x1, v0;
	v2 =	vor.u32 $0x2, v0;
	v3 =	vor.u32 $0x3, v0;
	s10 =	sadd.s32 s9, s6;
	s5 =	sadd.s32 s5, s8;
	s11 =	ssub.s32 s7, s31  }
0xe: {  	v4 =	vor.u32 $0x4, v0;
	v5 =	vor.u32 $0x5, v0;
	v6 =	vor.u32 $0x6, v0;
	s6 =	sadd.s32 $0xC000, s5;
	s7 =	sadd.s32 $0x18000, s5;
	s8 =	sadd.s32 $0x24000, s5  }
0xf: {  	v7 =	vor.u32 $0x7, v0;
	v8 =	vor.u32 $0x8, v0;
	v9 =	vor.u32 $0x9, v0;
	s9 =	sadd.s32 $0x30000, s5;
	s10 =	sadd.s32 $0x600, s10;
	s11 =	smax.u32 s11, $0x1  }
.LBB2_1:
0x10: {  	[tilespmem:s12], [sflag:$0x3] =	stream.linear.gather [hbm4b:s1+s4], $0x500, $0x38;
	[tilespmem:$0x7180] =	vst v63  }
0x11: {  	_ =	swait.ge [sflag:s13], $0x500  }
0x12: {  	[sflag:s13] =	ssyncset.done $0x0  }
0x13: {  	[sflag:s13] =	ssyncadd.s32 $0xFFFFFB00  }
0x14: {  	[tilespmem:s14], [sflag:$0x3] =	stream.linear.gather [hbm4b:s2+s4], $0x500, $0x38;
	[tilespmem:$0x7180] =	vst v63  }
0x15: {  	_ =	swait.ge [sflag:s13], $0x500  }
0x16: {  	[sflag:s13] =	ssyncset.done $0x0  }
0x17: {  	[sflag:s13] =	ssyncadd.s32 $0xFFFFFB00  }
0x18: {  	v10 =	vld.idx.msk [tilespmem:v0+s12+$0x0], $0x3ff;
	_ =	sdelay $0x1  }
0x19: {  	v11 =	vld.idx.msk [tilespmem:v0+s14+$0x0], $0x3ff;
	_ =	sdelay $0x1  }
0x1a: {  	v12 =	vld.idx.msk [tilespmem:v1+s12+$0x0], $0x3ff  }
0x1b: {  	v10 =	vadd.f32 $0.0e+00, v10  }
0x1c: {  	v13 =	vld.idx.msk [tilespmem:v1+s14+$0x0], $0x3ff  }
0x1d: {  	v10 =	vadd.f32 v11, v10  }
0x1e: {  	v11 =	vld.idx.msk [tilespmem:v2+s12+$0x0], $0x3ff  }
0x1f: {  	v10 =	vadd.f32 v12, v10  }
0x20: {  	v12 =	vld.idx.msk [tilespmem:v2+s14+$0x0], $0x3ff  }
0x21: {  	v10 =	vadd.f32 v13, v10  }
0x22: {  	v13 =	vld.idx.msk [tilespmem:v3+s12+$0x0], $0x3ff  }
0x23: {  	v10 =	vadd.f32 v11, v10  }
0x24: {  	v11 =	vld.idx.msk [tilespmem:v3+s14+$0x0], $0x3ff  }
0x25: {  	v10 =	vadd.f32 v12, v10  }
0x26: {  	v12 =	vld.idx.msk [tilespmem:v4+s12+$0x0], $0x3ff  }
0x27: {  	v10 =	vadd.f32 v13, v10  }
0x28: {  	v13 =	vld.idx.msk [tilespmem:v4+s14+$0x0], $0x3ff  }
0x29: {  	v10 =	vadd.f32 v11, v10  }
0x2a: {  	v11 =	vld.idx.msk [tilespmem:v5+s12+$0x0], $0x3ff  }
0x2b: {  	v10 =	vadd.f32 v12, v10  }
0x2c: {  	v12 =	vld.idx.msk [tilespmem:v5+s14+$0x0], $0x3ff  }
0x2d: {  	v10 =	vadd.f32 v13, v10  }
0x2e: {  	v13 =	vld.idx.msk [tilespmem:v6+s12+$0x0], $0x3ff  }
0x2f: {  	v10 =	vadd.f32 v11, v10  }
0x30: {  	v11 =	vld.idx.msk [tilespmem:v6+s14+$0x0], $0x3ff  }
0x31: {  	v10 =	vadd.f32 v12, v10  }
0x32: {  	v12 =	vld.idx.msk [tilespmem:v7+s12+$0x0], $0x3ff  }
0x33: {  	v10 =	vadd.f32 v13, v10  }
0x34: {  	v13 =	vld.idx.msk [tilespmem:v7+s14+$0x0], $0x3ff  }
0x35: {  	v10 =	vadd.f32 v11, v10  }
0x36: {  	v11 =	vld.idx.msk [tilespmem:v8+s12+$0x0], $0x3ff  }
0x37: {  	v10 =	vadd.f32 v12, v10  }
0x38: {  	v12 =	vld.idx.msk [tilespmem:v8+s14+$0x0], $0x3ff  }
0x39: {  	v10 =	vadd.f32 v13, v10  }
0x3a: {  	v13 =	vld.idx.msk [tilespmem:v9+s12+$0x0], $0x3ff  }
0x3b: {  	v10 =	vadd.f32 v11, v10  }
0x3c: {  	v11 =	vld.idx.msk [tilespmem:v9+s14+$0x0], $0x3ff  }
0x3d: {  	v10 =	vadd.f32 v12, v10;
	_ =	sdelay $0x1  }
0x3e: {  	v10 =	vadd.f32 v13, v10;
	_ =	sdelay $0x1  }
0x3f: {  	v10 =	vadd.f32 v11, v10;
	_ =	sdelay $0x1  }
0x40: {  	v11 =	vbroadcast v10, $0x0  }
0x41: {  	v12 =	vnsel vm0, $0x0, v10;
	v13 =	vbroadcast v10, $0x1  }
0x42: {  	v14 =	vbroadcast v10, $0x2;
	v11 =	vadd.f32 v12, v11  }
0x43: {  	v15 =	vbroadcast v10, $0x3;
	v13 =	vadd.f32 v12, v13  }
0x44: {  	[tilespmem:$0x7000] =	vst v11;
	v11 =	vadd.f32 v12, v14;
	v14 =	vbroadcast v10, $0x4  }
0x45: {  	[tilespmem:$0x7010] =	vst v13;
	v13 =	vadd.f32 v12, v15;
	v15 =	vbroadcast v10, $0x5  }
0x46: {  	[tilespmem:$0x7020] =	vst v11;
	v11 =	vadd.f32 v12, v14;
	v14 =	vbroadcast v10, $0x6  }
0x47: {  	[tilespmem:$0x7030] =	vst v13;
	v13 =	vadd.f32 v12, v15;
	v15 =	vbroadcast v10, $0x7  }
0x48: {  	[tilespmem:$0x7040] =	vst v11;
	v11 =	vadd.f32 v12, v14;
	v14 =	vbroadcast v10, $0x8  }
0x49: {  	[tilespmem:$0x7050] =	vst v13;
	v13 =	vadd.f32 v12, v15;
	v10 =	vbroadcast v10, $0x9  }
0x4a: {  	[tilespmem:$0x7060] =	vst v11;
	v11 =	vadd.f32 v12, v14  }
0x4b: {  	[tilespmem:$0x7070] =	vst v13;
	v10 =	vadd.f32 v12, v10  }
0x4c: {  	[tilespmem:$0x7080] =	vst v11  }
0x4d: {  	[tilespmem:$0x7090] =	vst v10  }
0x4e: {  	[tilespmem:s4], [sflag:$0x1] =	stream.strided.gather [hbm4b:s5+s15], $0x3000, s16, s15, $0x38;
	[tilespmem:$0x7180] =	vst v63  }
0x4f: {  	_ = 	snop  }
0x50: {  	[tilespmem:s17], [sflag:$0x2] =	stream.strided.gather [hbm4b:s6+s15], $0x3000, s16, s15, $0x38;
	[tilespmem:$0x7180] =	vst v63  }
0x51: {  	_ =	swait.ge [sflag:s18], $0x3000  }
0x52: {  	s23 =	sand.u32 $0x3000, s4;
	s24 =	sand.u32 $0x380, s4;
	[sflag:s18] =	ssyncset.done $0x0  }
0x53: {  	s23 =	sor.u32 s24, s23;
	[sflag:s18] =	ssyncadd.s32 $0xFFFFD000  }
0x54: {  	v13 =	vld [tilespmem:s23+$0xC70]  }
0x55: {  	v12 =	vld [tilespmem:s23+$0xC50]  }
0x56: {  	v11 =	vld [tilespmem:s23+$0xC30]  }
0x57: {  	v10 =	vld [tilespmem:s23+$0xC10]  }
0x58: {  	v14 =	vld [tilespmem:s23+$0x870]  }
0x59: {  	v15 =	vld [tilespmem:s23+$0x850]  }
0x5a: {  	v16 =	vld [tilespmem:s23+$0x830]  }
0x5b: {  	v17 =	vld [tilespmem:s23+$0x810]  }
0x5c: {  	v18 =	vld [tilespmem:s23+$0x470]  }
0x5d: {  	v19 =	vld [tilespmem:s23+$0x450]  }
0x5e: {  	v20 =	vld [tilespmem:s23+$0x430]  }
0x5f: {  	v21 =	vld [tilespmem:s23+$0x0]  }
0x60: {  	v22 =	vld [tilespmem:s23+$0x10]  }
0x61: {  	v23 =	vld [tilespmem:s23+$0x20]  }
0x62: {  	v24 =	vld [tilespmem:s23+$0x30]  }
0x63: {  	v25 =	vld [tilespmem:s23+$0x40]  }
0x64: {  	v26 =	vld [tilespmem:s23+$0x50]  }
0x65: {  	v27 =	vld [tilespmem:s23+$0x70];
	v21 =	vshll.u32 v21, $0x4  }
0x66: {  	v21 =	vadd.s32 v22, v21;
	v22 =	vld [tilespmem:s23+$0x60]  }
0x67: {  	v55 =	vld [tilespmem:s23+$0x400];
	v23 =	vshll.u32 v23, $0x4  }
0x68: {  	v28 =	vld [tilespmem:s23+$0x410];
	v23 =	vadd.s32 v24, v23  }
0x69: {  	v56 =	vld [tilespmem:s23+$0x420];
	v25 =	vshll.u32 v25, $0x4  }
0x6a: {  	v57 =	vld [tilespmem:s23+$0x440];
	v25 =	vadd.s32 v26, v25  }
0x6b: {  	v21 =	vld.idx.msk [tilespmem:v21+s19+$0x0], $0xffff;
	v22 =	vshll.u32 v22, $0x4  }
0x6c: {  	v60 =	vld [tilespmem:s23+$0x820];
	v22 =	vadd.s32 v27, v22  }
0x6d: {  	v24 =	vshll.u32 v55, $0x4;
	v23 =	vld.idx.msk [tilespmem:v23+s19+$0x0], $0xffff  }
0x6e: {  	v58 =	vld [tilespmem:s23+$0x460];
	v24 =	vadd.s32 v28, v24  }
0x6f: {  	v29 =	vimm.f32 $0.0e+00;
	v26 =	vshll.u32 v56, $0x4;
	v25 =	vld.idx.msk [tilespmem:v25+s19+$0x0], $0xffff  }
0x70: {  	v59 =	vld [tilespmem:s23+$0x800];
	v20 =	vadd.s32 v20, v26;
	v27 =	vshll.u32 v57, $0x4;
	v21 =	vadd.f32 v21, v29  }
0x71: {  	v19 =	vadd.s32 v19, v27;
	v22 =	vld.idx.msk [tilespmem:v22+s19+$0x0], $0xffff  }
0x72: {  	v61 =	vld [tilespmem:s23+$0x860];
	v62 =	vshll.u32 v60, $0x4;
	v21 =	vadd.f32 v23, v21  }
0x73: {  	v16 =	vadd.s32 v16, v62;
	v28 =	vshll.u32 v58, $0x4;
	v24 =	vld.idx.msk [tilespmem:v24+s19+$0x0], $0xffff  }
0x74: {  	v18 =	vadd.s32 v18, v28;
	v23 =	vld [tilespmem:s23+$0x840];
	v21 =	vadd.f32 v25, v21  }
0x75: {  	v26 =	vshll.u32 v59, $0x4;
	v20 =	vld.idx.msk [tilespmem:v20+s19+$0x0], $0xffff  }
0x76: {  	v17 =	vadd.s32 v17, v26;
	v19 =	vld.idx.msk [tilespmem:v19+s19+$0x0], $0xffff;
	v21 =	vadd.f32 v22, v21  }
0x77: {  	v22 =	vld [tilespmem:s23+$0xC00]  }
0x78: {  	v63 =	vshll.u32 v61, $0x4;
	v16 =	vld.idx.msk [tilespmem:v16+s19+$0x0], $0xffff;
	v21 =	vadd.f32 v24, v21  }
0x79: {  	v14 =	vadd.s32 v14, v63;
	v18 =	vld.idx.msk [tilespmem:v18+s19+$0x0], $0xffff;
	v23 =	vshll.u32 v23, $0x4  }
0x7a: {  	v15 =	vadd.s32 v15, v23;
	v23 =	vld [tilespmem:s23+$0xC20];
	v20 =	vadd.f32 v20, v21  }
0x7b: {  	v17 =	vld.idx.msk [tilespmem:v17+s19+$0x0], $0xffff  }
0x7c: {  	v21 =	vld [tilespmem:s23+$0xC40];
	v22 =	vshll.u32 v22, $0x4;
	v19 =	vadd.f32 v19, v20  }
0x7d: {  	s25 =	simm.s32 $0x200;
	s24 =	simm.s32 $0x80;
	v20 =	vadd.s32 v10, v22;
	v22 =	vld [tilespmem:s23+$0xC60]  }
0x7e: {  	s25 =	sand.u32 $0x3000, s25;
	s26 =	sand.u32 $0x380, s24;
	v14 =	vld.idx.msk [tilespmem:v14+s19+$0x0], $0xffff;
	v18 =	vadd.f32 v18, v19  }
0x7f: {  	s23 =	sor.u32 s26, s25;
	v15 =	vld.idx.msk [tilespmem:v15+s19+$0x0], $0xffff;
	v23 =	vshll.u32 v23, $0x4  }
0x80: {  	v10 =	vld [tilespmem:s23+$0xC70];
	v19 =	vadd.s32 v11, v23;
	v17 =	vadd.f32 v17, v18  }
0x81: {  	v11 =	vld [tilespmem:s23+$0xC50];
	v21 =	vshll.u32 v21, $0x4  }
0x82: {  	v18 =	vadd.s32 v12, v21;
	v12 =	vld [tilespmem:s23+$0xC30];
	v21 =	vshll.u32 v22, $0x4;
	v16 =	vadd.f32 v16, v17  }
0x83: {  	v20 =	vld.idx.msk [tilespmem:v20+s19+$0x0], $0xffff;
	v17 =	vadd.s32 v13, v21  }
0x84: {  	v13 =	vld [tilespmem:s23+$0xC10];
	v15 =	vadd.f32 v15, v16  }
0x85: {  	v21 =	vld.idx.msk [tilespmem:v19+s19+$0x0], $0xffff  }
0x86: {  	v16 =	vld [tilespmem:s23+$0x830];
	v15 =	vadd.f32 v14, v15  }
0x87: {  	v22 =	vld.idx.msk [tilespmem:v18+s19+$0x0], $0xffff  }
0x88: {  	v19 =	vld.idx.msk [tilespmem:v17+s19+$0x0], $0xffff;
	v17 =	vadd.f32 v20, v15  }
0x89: {  	v18 =	vld [tilespmem:s23+$0x470]  }
0x8a: {  	v14 =	vld [tilespmem:s23+$0x870];
	v20 =	vadd.f32 v21, v17  }
0x8b: {  	v15 =	vld [tilespmem:s23+$0x850]  }
0x8c: {  	v17 =	vld [tilespmem:s23+$0x810];
	v21 =	vadd.f32 v22, v20  }
0x8d: {  	s25 =	simm.s32 $0x400;
	v20 =	vld [tilespmem:s23+$0x450]  }
.LBB2_2:
0x8e: {  	p0 =	sne.s32 s25, $0x2E00;
	v22 =	vld [tilespmem:s23+$0x430];
	v19 =	vadd.f32 v19, v21  }
0x8f: {  	v21 =	vld [tilespmem:s23+$0x0]  }
0x90: {  	v23 =	vld [tilespmem:s23+$0x10]  }
0x91: {  	v24 =	vld [tilespmem:s23+$0x20]  }
0x92: {  	v25 =	vld [tilespmem:s23+$0x30]  }
0x93: {  	v26 =	vld [tilespmem:s23+$0x40]  }
0x94: {  	v21 =	vshll.u32 v21, $0x4;
	v27 =	vld [tilespmem:s23+$0x50]  }
0x95: {  	v21 =	vadd.s32 v23, v21;
	v23 =	vld [tilespmem:s23+$0x60]  }
0x96: {  	v24 =	vshll.u32 v24, $0x4;
	v28 =	vld [tilespmem:s23+$0x70]  }
0x97: {  	v24 =	vadd.s32 v25, v24;
	v25 =	vld [tilespmem:s23+$0x400]  }
0x98: {  	v26 =	vshll.u32 v26, $0x4;
	v29 =	vld [tilespmem:s23+$0x410]  }
0x99: {  	v26 =	vadd.s32 v27, v26;
	v27 =	vld [tilespmem:s23+$0x420]  }
0x9a: {  	v21 =	vld.idx.msk [tilespmem:v21+s19+$0x0], $0xffff;
	v23 =	vshll.u32 v23, $0x4  }
0x9b: {  	v23 =	vadd.s32 v28, v23;
	v28 =	vld [tilespmem:s23+$0x440]  }
0x9c: {  	v24 =	vld.idx.msk [tilespmem:v24+s19+$0x0], $0xffff;
	v25 =	vshll.u32 v25, $0x4  }
0x9d: {  	v25 =	vadd.s32 v29, v25;
	v29 =	vld [tilespmem:s23+$0x460]  }
0x9e: {  	v26 =	vld.idx.msk [tilespmem:v26+s19+$0x0], $0xffff;
	v27 =	vshll.u32 v27, $0x4  }
0x9f: {  	v22 =	vadd.s32 v22, v27;
	v27 =	vld [tilespmem:s23+$0x800]  }
0xa0: {  	v19 =	vadd.f32 v21, v19;
	v21 =	vld.idx.msk [tilespmem:v23+s19+$0x0], $0xffff;
	v23 =	vshll.u32 v28, $0x4  }
0xa1: {  	v20 =	vadd.s32 v20, v23;
	v23 =	vld [tilespmem:s23+$0x820]  }
0xa2: {  	v19 =	vadd.f32 v24, v19;
	v24 =	vld.idx.msk [tilespmem:v25+s19+$0x0], $0xffff;
	v25 =	vshll.u32 v29, $0x4  }
0xa3: {  	v18 =	vadd.s32 v18, v25;
	v25 =	vld [tilespmem:s23+$0x840]  }
0xa4: {  	v19 =	vadd.f32 v26, v19;
	v22 =	vld.idx.msk [tilespmem:v22+s19+$0x0], $0xffff;
	v26 =	vshll.u32 v27, $0x4  }
0xa5: {  	v17 =	vadd.s32 v17, v26;
	v26 =	vld [tilespmem:s23+$0x860]  }
0xa6: {  	v19 =	vadd.f32 v21, v19;
	v20 =	vld.idx.msk [tilespmem:v20+s19+$0x0], $0xffff;
	v21 =	vshll.u32 v23, $0x4  }
0xa7: {  	v16 =	vadd.s32 v16, v21;
	v21 =	vld [tilespmem:s23+$0xC00]  }
0xa8: {  	v19 =	vadd.f32 v24, v19;
	v18 =	vld.idx.msk [tilespmem:v18+s19+$0x0], $0xffff;
	v23 =	vshll.u32 v25, $0x4  }
0xa9: {  	v15 =	vadd.s32 v15, v23;
	v23 =	vld [tilespmem:s23+$0xC20]  }
0xaa: {  	v19 =	vadd.f32 v22, v19;
	v17 =	vld.idx.msk [tilespmem:v17+s19+$0x0], $0xffff;
	v22 =	vshll.u32 v26, $0x4  }
0xab: {  	v14 =	vadd.s32 v14, v22;
	v22 =	vld [tilespmem:s23+$0xC40]  }
0xac: {  	s24 =	sadd.s32 $0x80, s24;
	v19 =	vadd.f32 v20, v19;
	v16 =	vld.idx.msk [tilespmem:v16+s19+$0x0], $0xffff;
	v20 =	vshll.u32 v21, $0x4  }
0xad: {  	s26 =	sand.u32 $0x3000, s25;
	s28 =	sand.u32 $0x380, s24;
	v13 =	vadd.s32 v13, v20;
	v20 =	vld [tilespmem:s23+$0xC60]  }
0xae: {  	s23 =	sor.u32 s28, s26;
	v18 =	vadd.f32 v18, v19;
	v15 =	vld.idx.msk [tilespmem:v15+s19+$0x0], $0xffff;
	v19 =	vshll.u32 v23, $0x4  }
0xaf: {  	v21 =	vld [tilespmem:s23+$0xC70];
	v19 =	vadd.s32 v12, v19  }
0xb0: {  	v12 =	vadd.f32 v17, v18;
	v14 =	vld.idx.msk [tilespmem:v14+s19+$0x0], $0xffff;
	v17 =	vshll.u32 v22, $0x4  }
0xb1: {  	v17 =	vadd.s32 v11, v17;
	v11 =	vld [tilespmem:s23+$0xC50]  }
0xb2: {  	v16 =	vadd.f32 v16, v12;
	v18 =	vld.idx.msk [tilespmem:v13+s19+$0x0], $0xffff;
	v13 =	vshll.u32 v20, $0x4  }
0xb3: {  	v12 =	vld [tilespmem:s23+$0xC30];
	v20 =	vadd.s32 v10, v13  }
0xb4: {  	v15 =	vadd.f32 v15, v16;
	v22 =	vld.idx.msk [tilespmem:v19+s19+$0x0], $0xffff;
	v10 =	vmov v21  }
0xb5: {  	v13 =	vld [tilespmem:s23+$0xC10]  }
0xb6: {  	v15 =	vadd.f32 v14, v15;
	v21 =	vld.idx.msk [tilespmem:v17+s19+$0x0], $0xffff  }
0xb7: {  	v14 =	vld [tilespmem:s23+$0x870]  }
0xb8: {  	v17 =	vadd.f32 v18, v15;
	v19 =	vld.idx.msk [tilespmem:v20+s19+$0x0], $0xffff  }
.Ltmp0:
0xb9: {  	v15 =	vld [tilespmem:s23+$0x850];
	(pc) =	sbr.rel @p0 .LBB2_2-.Ltmp0, $4  }
0xba: {  	v20 =	vadd.f32 v22, v17;
	v16 =	vld [tilespmem:s23+$0x830]  }
0xbb: {  	v17 =	vld [tilespmem:s23+$0x810]  }
0xbc: {  	v21 =	vadd.f32 v21, v20;
	v18 =	vld [tilespmem:s23+$0x470]  }
0xbd: {  	s25 =	sadd.s32 $0x200, s25;
	v20 =	vld [tilespmem:s23+$0x450]  }
0xbe: {  	v22 =	vld [tilespmem:s23+$0x430]  }
0xbf: {  	v23 =	vld [tilespmem:s23+$0x0]  }
0xc0: {  	v24 =	vld [tilespmem:s23+$0x10]  }
0xc1: {  	v25 =	vld [tilespmem:s23+$0x20]  }
0xc2: {  	v26 =	vld [tilespmem:s23+$0x30]  }
0xc3: {  	v27 =	vld [tilespmem:s23+$0x40]  }
0xc4: {  	v28 =	vld [tilespmem:s23+$0x50]  }
0xc5: {  	v60 =	vld [tilespmem:s23+$0x60]  }
0xc6: {  	v29 =	vld [tilespmem:s23+$0x70]  }
0xc7: {  	v61 =	vld [tilespmem:s23+$0x400]  }
0xc8: {  	v30 =	vld [tilespmem:s23+$0x410]  }
0xc9: {  	v62 =	vld [tilespmem:s23+$0x420]  }
0xca: {  	v63 =	vld [tilespmem:s23+$0x440]  }
0xcb: {  	v36 =	vld [tilespmem:s23+$0x460]  }
0xcc: {  	v31 =	vld [tilespmem:s23+$0x800]  }
0xcd: {  	v32 =	vld [tilespmem:s23+$0x820]  }
0xce: {  	v33 =	vld [tilespmem:s23+$0x840];
	v23 =	vshll.u32 v23, $0x4  }
0xcf: {  	v38 =	vld [tilespmem:s23+$0x860];
	v25 =	vshll.u32 v25, $0x4;
	v23 =	vadd.s32 v24, v23  }
0xd0: {  	v40 =	vld [tilespmem:s23+$0xC00];
	v27 =	vshll.u32 v27, $0x4;
	v25 =	vadd.s32 v26, v25  }
0xd1: {  	v42 =	vld [tilespmem:s23+$0xC20];
	v37 =	vshll.u32 v63, $0x4;
	v27 =	vadd.s32 v28, v27  }
0xd2: {  	v44 =	vld [tilespmem:s23+$0xC40];
	v39 =	vshll.u32 v36, $0x4;
	v20 =	vadd.s32 v20, v37  }
0xd3: {  	v46 =	vld [tilespmem:s23+$0xC60];
	v41 =	vshll.u32 v31, $0x4;
	v18 =	vadd.s32 v18, v39  }
0xd4: {  	v43 =	vshll.u32 v32, $0x4;
	v17 =	vadd.s32 v17, v41;
	v23 =	vld.idx.msk [tilespmem:v23+s19+$0x0], $0xffff  }
0xd5: {  	v45 =	vshll.u32 v33, $0x4;
	v16 =	vadd.s32 v16, v43;
	v25 =	vld.idx.msk [tilespmem:v25+s19+$0x0], $0xffff  }
0xd6: {  	v47 =	vshll.u32 v38, $0x4;
	v15 =	vadd.s32 v15, v45;
	v27 =	vld.idx.msk [tilespmem:v27+s19+$0x0], $0xffff  }
0xd7: {  	v48 =	vshll.u32 v40, $0x4;
	v14 =	vadd.s32 v14, v47;
	v20 =	vld.idx.msk [tilespmem:v20+s19+$0x0], $0xffff  }
0xd8: {  	v49 =	vshll.u32 v42, $0x4;
	v13 =	vadd.s32 v13, v48;
	v18 =	vld.idx.msk [tilespmem:v18+s19+$0x0], $0xffff  }
0xd9: {  	v50 =	vshll.u32 v44, $0x4;
	v12 =	vadd.s32 v12, v49;
	v17 =	vld.idx.msk [tilespmem:v17+s19+$0x0], $0xffff  }
0xda: {  	v51 =	vshll.u32 v46, $0x4;
	v11 =	vadd.s32 v11, v50;
	v16 =	vld.idx.msk [tilespmem:v16+s19+$0x0], $0xffff  }
0xdb: {  	v24 =	vshll.u32 v60, $0x4;
	v10 =	vadd.s32 v10, v51;
	v15 =	vld.idx.msk [tilespmem:v15+s19+$0x0], $0xffff  }
0xdc: {  	v26 =	vshll.u32 v61, $0x4;
	v24 =	vadd.s32 v29, v24;
	v14 =	vld.idx.msk [tilespmem:v14+s19+$0x0], $0xffff  }
0xdd: {  	v28 =	vshll.u32 v62, $0x4;
	v26 =	vadd.s32 v30, v26;
	v13 =	vld.idx.msk [tilespmem:v13+s19+$0x0], $0xffff  }
0xde: {  	v22 =	vadd.s32 v22, v28;
	v12 =	vld.idx.msk [tilespmem:v12+s19+$0x0], $0xffff  }
0xdf: {  	v11 =	vld.idx.msk [tilespmem:v11+s19+$0x0], $0xffff  }
0xe0: {  	v10 =	vld.idx.msk [tilespmem:v10+s19+$0x0], $0xffff  }
0xe1: {  	v19 =	vadd.f32 v19, v21;
	v24 =	vld.idx.msk [tilespmem:v24+s19+$0x0], $0xffff  }
0xe2: {  	s31 =	simm.s32 $0x0;
	v26 =	vld.idx.msk [tilespmem:v26+s19+$0x0], $0xffff  }
0xe3: {  	v22 =	vld.idx.msk [tilespmem:v22+s19+$0x0], $0xffff;
	[tilespmem:s31], [sflag:$0x1] =	stream.strided.gather [hbm4b:s7+s15], $0x3000, s16, s15, $0x38;
	v19 =	vadd.f32 v23, v19  }
0xe4: {  	_ =	swait.ge [sflag:s20], $0x3000  }
0xe5: {  	s24 =	sand.u32 $0x3000, s31;
	s23 =	sand.u32 $0x380, s31;
	[sflag:s20] =	ssyncset.done $0x0;
	v19 =	vadd.f32 v25, v19  }
0xe6: {  	s23 =	sor.u32 s23, s24;
	[sflag:s20] =	ssyncadd.s32 $0xFFFFD000  }
0xe7: {  	v21 =	vld [tilespmem:s23+$0x3C70];
	v19 =	vadd.f32 v27, v19  }
0xe8: {  	v23 =	vld [tilespmem:s23+$0x3C50]  }
0xe9: {  	v52 =	vld [tilespmem:s23+$0x3C30];
	v19 =	vadd.f32 v24, v19  }
0xea: {  	v53 =	vld [tilespmem:s23+$0x3C10]  }
0xeb: {  	v54 =	vld [tilespmem:s23+$0x3870];
	v19 =	vadd.f32 v26, v19  }
0xec: {  	v55 =	vld [tilespmem:s23+$0x3850]  }
0xed: {  	v56 =	vld [tilespmem:s23+$0x3830];
	v19 =	vadd.f32 v22, v19  }
0xee: {  	v57 =	vld [tilespmem:s23+$0x3470]  }
0xef: {  	v58 =	vld [tilespmem:s23+$0x3430];
	v19 =	vadd.f32 v20, v19  }
0xf0: {  	v59 =	vld [tilespmem:s23+$0x3010]  }
0xf1: {  	v60 =	vld [tilespmem:s23+$0x3030];
	v18 =	vadd.f32 v18, v19  }
0xf2: {  	v19 =	vld [tilespmem:s23+$0x3000]  }
0xf3: {  	v61 =	vld [tilespmem:s23+$0x3050];
	v17 =	vadd.f32 v17, v18  }
0xf4: {  	v18 =	vld [tilespmem:s23+$0x3020]  }
0xf5: {  	v62 =	vld [tilespmem:s23+$0x3070];
	v16 =	vadd.f32 v16, v17  }
0xf6: {  	v17 =	vld [tilespmem:s23+$0x3040]  }
0xf7: {  	v63 =	vld [tilespmem:s23+$0x3410];
	v19 =	vshll.u32 v19, $0x4;
	v15 =	vadd.f32 v15, v16  }
0xf8: {  	v16 =	vadd.s32 v59, v19;
	v19 =	vld [tilespmem:s23+$0x3060]  }
0xf9: {  	v22 =	vld [tilespmem:s23+$0x3810];
	v18 =	vshll.u32 v18, $0x4;
	v14 =	vadd.f32 v14, v15  }
0xfa: {  	v15 =	vadd.s32 v60, v18;
	v18 =	vld [tilespmem:s23+$0x3400]  }
0xfb: {  	v20 =	vld [tilespmem:s23+$0x3450];
	v17 =	vshll.u32 v17, $0x4;
	v13 =	vadd.f32 v13, v14  }
0xfc: {  	v14 =	vadd.s32 v61, v17;
	v17 =	vld [tilespmem:s23+$0x3420]  }
0xfd: {  	v16 =	vld.idx.msk [tilespmem:v16+s19+$0x0], $0xffff;
	v19 =	vshll.u32 v19, $0x4;
	v12 =	vadd.f32 v12, v13  }
0xfe: {  	v13 =	vadd.s32 v62, v19;
	v19 =	vld [tilespmem:s23+$0x3440]  }
0xff: {  	v15 =	vld.idx.msk [tilespmem:v15+s19+$0x0], $0xffff;
	v18 =	vshll.u32 v18, $0x4;
	v11 =	vadd.f32 v11, v12  }
0x100: {  	v12 =	vadd.s32 v63, v18;
	v18 =	vld [tilespmem:s23+$0x3460]  }
0x101: {  	v14 =	vld.idx.msk [tilespmem:v14+s19+$0x0], $0xffff;
	v17 =	vshll.u32 v17, $0x4;
	v10 =	vadd.f32 v10, v11  }
0x102: {  	v11 =	vadd.s32 v58, v17;
	v17 =	vld [tilespmem:s23+$0x3800]  }
0x103: {  	v13 =	vld.idx.msk [tilespmem:v13+s19+$0x0], $0xffff;
	v19 =	vshll.u32 v19, $0x4;
	v10 =	vadd.f32 v16, v10  }
0x104: {  	v16 =	vadd.s32 v20, v19;
	v19 =	vld [tilespmem:s23+$0x3820]  }
0x105: {  	v12 =	vld.idx.msk [tilespmem:v12+s19+$0x0], $0xffff;
	v18 =	vshll.u32 v18, $0x4;
	v10 =	vadd.f32 v15, v10  }
0x106: {  	v15 =	vadd.s32 v57, v18;
	v18 =	vld [tilespmem:s23+$0x3840]  }
0x107: {  	v11 =	vld.idx.msk [tilespmem:v11+s19+$0x0], $0xffff;
	v17 =	vshll.u32 v17, $0x4;
	v10 =	vadd.f32 v14, v10  }
0x108: {  	v14 =	vadd.s32 v22, v17;
	v17 =	vld [tilespmem:s23+$0x3860]  }
0x109: {  	v16 =	vld.idx.msk [tilespmem:v16+s19+$0x0], $0xffff;
	v19 =	vshll.u32 v19, $0x4;
	v10 =	vadd.f32 v13, v10  }
0x10a: {  	v13 =	vadd.s32 v56, v19;
	v19 =	vld [tilespmem:s23+$0x3C00]  }
0x10b: {  	v15 =	vld.idx.msk [tilespmem:v15+s19+$0x0], $0xffff;
	v18 =	vshll.u32 v18, $0x4;
	v10 =	vadd.f32 v12, v10  }
0x10c: {  	v12 =	vadd.s32 v55, v18;
	v18 =	vld [tilespmem:s23+$0x3C20]  }
0x10d: {  	v14 =	vld.idx.msk [tilespmem:v14+s19+$0x0], $0xffff;
	v17 =	vshll.u32 v17, $0x4;
	v10 =	vadd.f32 v11, v10  }
0x10e: {  	v11 =	vadd.s32 v54, v17;
	v17 =	vld [tilespmem:s23+$0x3C40]  }
0x10f: {  	s25 =	simm.s32 $0x200;
	s24 =	simm.s32 $0x80;
	v13 =	vld.idx.msk [tilespmem:v13+s19+$0x0], $0xffff;
	v19 =	vshll.u32 v19, $0x4;
	v10 =	vadd.f32 v16, v10  }
0x110: {  	s25 =	sand.u32 $0x3000, s25;
	s26 =	sand.u32 $0x380, s24;
	v16 =	vadd.s32 v53, v19;
	v19 =	vld [tilespmem:s23+$0x3C60]  }
0x111: {  	s23 =	sor.u32 s26, s25;
	v20 =	vld.idx.msk [tilespmem:v12+s19+$0x0], $0xffff;
	v12 =	vshll.u32 v18, $0x4;
	v15 =	vadd.f32 v15, v10  }
0x112: {  	v10 =	vld [tilespmem:s23+$0x3C70];
	v18 =	vadd.s32 v52, v12  }
0x113: {  	v22 =	vld.idx.msk [tilespmem:v11+s19+$0x0], $0xffff;
	v12 =	vshll.u32 v17, $0x4;
	v14 =	vadd.f32 v14, v15  }
0x114: {  	v11 =	vld [tilespmem:s23+$0x3C50];
	v15 =	vadd.s32 v23, v12  }
0x115: {  	v12 =	vld [tilespmem:s23+$0x3C30];
	v17 =	vshll.u32 v19, $0x4;
	v13 =	vadd.f32 v13, v14  }
0x116: {  	v16 =	vld.idx.msk [tilespmem:v16+s19+$0x0], $0xffff;
	v17 =	vadd.s32 v21, v17  }
0x117: {  	v18 =	vld.idx.msk [tilespmem:v18+s19+$0x0], $0xffff;
	v14 =	vadd.f32 v20, v13  }
0x118: {  	v13 =	vld [tilespmem:s23+$0x3C10]  }
0x119: {  	v20 =	vld.idx.msk [tilespmem:v15+s19+$0x0], $0xffff;
	v15 =	vadd.f32 v22, v14  }
0x11a: {  	v14 =	vld [tilespmem:s23+$0x3870]  }
0x11b: {  	v19 =	vld.idx.msk [tilespmem:v17+s19+$0x0], $0xffff;
	v17 =	vadd.f32 v16, v15  }
0x11c: {  	v15 =	vld [tilespmem:s23+$0x3850]  }
0x11d: {  	v16 =	vld [tilespmem:s23+$0x3830];
	v21 =	vadd.f32 v18, v17  }
0x11e: {  	v17 =	vld [tilespmem:s23+$0x3810]  }
0x11f: {  	v18 =	vld [tilespmem:s23+$0x3470];
	v21 =	vadd.f32 v20, v21  }
0x120: {  	s25 =	simm.s32 $0x400;
	v20 =	vld [tilespmem:s23+$0x3450]  }
.LBB2_4:
0x121: {  	p0 =	sne.s32 s25, $0x2E00;
	v22 =	vld [tilespmem:s23+$0x3430];
	v19 =	vadd.f32 v19, v21  }
0x122: {  	v21 =	vld [tilespmem:s23+$0x3000]  }
0x123: {  	v23 =	vld [tilespmem:s23+$0x3010]  }
0x124: {  	v24 =	vld [tilespmem:s23+$0x3020]  }
0x125: {  	v25 =	vld [tilespmem:s23+$0x3030]  }
0x126: {  	v26 =	vld [tilespmem:s23+$0x3040]  }
0x127: {  	v21 =	vshll.u32 v21, $0x4;
	v27 =	vld [tilespmem:s23+$0x3050]  }
0x128: {  	v21 =	vadd.s32 v23, v21;
	v23 =	vld [tilespmem:s23+$0x3060]  }
0x129: {  	v24 =	vshll.u32 v24, $0x4;
	v28 =	vld [tilespmem:s23+$0x3070]  }
0x12a: {  	v24 =	vadd.s32 v25, v24;
	v25 =	vld [tilespmem:s23+$0x3400]  }
0x12b: {  	v26 =	vshll.u32 v26, $0x4;
	v29 =	vld [tilespmem:s23+$0x3410]  }
0x12c: {  	v26 =	vadd.s32 v27, v26;
	v27 =	vld [tilespmem:s23+$0x3420]  }
0x12d: {  	v21 =	vld.idx.msk [tilespmem:v21+s19+$0x0], $0xffff;
	v23 =	vshll.u32 v23, $0x4  }
0x12e: {  	v23 =	vadd.s32 v28, v23;
	v28 =	vld [tilespmem:s23+$0x3440]  }
0x12f: {  	v24 =	vld.idx.msk [tilespmem:v24+s19+$0x0], $0xffff;
	v25 =	vshll.u32 v25, $0x4  }
0x130: {  	v25 =	vadd.s32 v29, v25;
	v29 =	vld [tilespmem:s23+$0x3460]  }
0x131: {  	v26 =	vld.idx.msk [tilespmem:v26+s19+$0x0], $0xffff;
	v27 =	vshll.u32 v27, $0x4  }
0x132: {  	v22 =	vadd.s32 v22, v27;
	v27 =	vld [tilespmem:s23+$0x3800]  }
0x133: {  	v19 =	vadd.f32 v21, v19;
	v21 =	vld.idx.msk [tilespmem:v23+s19+$0x0], $0xffff;
	v23 =	vshll.u32 v28, $0x4  }
0x134: {  	v20 =	vadd.s32 v20, v23;
	v23 =	vld [tilespmem:s23+$0x3820]  }
0x135: {  	v19 =	vadd.f32 v24, v19;
	v24 =	vld.idx.msk [tilespmem:v25+s19+$0x0], $0xffff;
	v25 =	vshll.u32 v29, $0x4  }
0x136: {  	v18 =	vadd.s32 v18, v25;
	v25 =	vld [tilespmem:s23+$0x3840]  }
0x137: {  	v19 =	vadd.f32 v26, v19;
	v22 =	vld.idx.msk [tilespmem:v22+s19+$0x0], $0xffff;
	v26 =	vshll.u32 v27, $0x4  }
0x138: {  	v17 =	vadd.s32 v17, v26;
	v26 =	vld [tilespmem:s23+$0x3860]  }
0x139: {  	v19 =	vadd.f32 v21, v19;
	v20 =	vld.idx.msk [tilespmem:v20+s19+$0x0], $0xffff;
	v21 =	vshll.u32 v23, $0x4  }
0x13a: {  	v16 =	vadd.s32 v16, v21;
	v21 =	vld [tilespmem:s23+$0x3C00]  }
0x13b: {  	v19 =	vadd.f32 v24, v19;
	v18 =	vld.idx.msk [tilespmem:v18+s19+$0x0], $0xffff;
	v23 =	vshll.u32 v25, $0x4  }
0x13c: {  	v15 =	vadd.s32 v15, v23;
	v23 =	vld [tilespmem:s23+$0x3C20]  }
0x13d: {  	v19 =	vadd.f32 v22, v19;
	v17 =	vld.idx.msk [tilespmem:v17+s19+$0x0], $0xffff;
	v22 =	vshll.u32 v26, $0x4  }
0x13e: {  	v14 =	vadd.s32 v14, v22;
	v22 =	vld [tilespmem:s23+$0x3C40]  }
0x13f: {  	s24 =	sadd.s32 $0x80, s24;
	v19 =	vadd.f32 v20, v19;
	v16 =	vld.idx.msk [tilespmem:v16+s19+$0x0], $0xffff;
	v20 =	vshll.u32 v21, $0x4  }
0x140: {  	s26 =	sand.u32 $0x3000, s25;
	s28 =	sand.u32 $0x380, s24;
	v13 =	vadd.s32 v13, v20;
	v20 =	vld [tilespmem:s23+$0x3C60]  }
0x141: {  	s23 =	sor.u32 s28, s26;
	v18 =	vadd.f32 v18, v19;
	v15 =	vld.idx.msk [tilespmem:v15+s19+$0x0], $0xffff;
	v19 =	vshll.u32 v23, $0x4  }
0x142: {  	v21 =	vld [tilespmem:s23+$0x3C70];
	v19 =	vadd.s32 v12, v19  }
0x143: {  	v12 =	vadd.f32 v17, v18;
	v14 =	vld.idx.msk [tilespmem:v14+s19+$0x0], $0xffff;
	v17 =	vshll.u32 v22, $0x4  }
0x144: {  	v17 =	vadd.s32 v11, v17;
	v11 =	vld [tilespmem:s23+$0x3C50]  }
0x145: {  	v16 =	vadd.f32 v16, v12;
	v18 =	vld.idx.msk [tilespmem:v13+s19+$0x0], $0xffff;
	v13 =	vshll.u32 v20, $0x4  }
0x146: {  	v12 =	vld [tilespmem:s23+$0x3C30];
	v20 =	vadd.s32 v10, v13  }
0x147: {  	v15 =	vadd.f32 v15, v16;
	v22 =	vld.idx.msk [tilespmem:v19+s19+$0x0], $0xffff;
	v10 =	vmov v21  }
0x148: {  	v13 =	vld [tilespmem:s23+$0x3C10]  }
0x149: {  	v15 =	vadd.f32 v14, v15;
	v21 =	vld.idx.msk [tilespmem:v17+s19+$0x0], $0xffff  }
0x14a: {  	v14 =	vld [tilespmem:s23+$0x3870]  }
0x14b: {  	v17 =	vadd.f32 v18, v15;
	v19 =	vld.idx.msk [tilespmem:v20+s19+$0x0], $0xffff  }
.Ltmp1:
0x14c: {  	v15 =	vld [tilespmem:s23+$0x3850];
	(pc) =	sbr.rel @p0 .LBB2_4-.Ltmp1, $4  }
0x14d: {  	v20 =	vadd.f32 v22, v17;
	v16 =	vld [tilespmem:s23+$0x3830]  }
0x14e: {  	v17 =	vld [tilespmem:s23+$0x3810]  }
0x14f: {  	v21 =	vadd.f32 v21, v20;
	v18 =	vld [tilespmem:s23+$0x3470]  }
0x150: {  	s25 =	sadd.s32 $0x200, s25;
	v20 =	vld [tilespmem:s23+$0x3450]  }
0x151: {  	v22 =	vld [tilespmem:s23+$0x3430]  }
0x152: {  	v23 =	vld [tilespmem:s23+$0x3000]  }
0x153: {  	v24 =	vld [tilespmem:s23+$0x3010]  }
0x154: {  	v25 =	vld [tilespmem:s23+$0x3020]  }
0x155: {  	v26 =	vld [tilespmem:s23+$0x3030]  }
0x156: {  	v27 =	vld [tilespmem:s23+$0x3040]  }
0x157: {  	v28 =	vld [tilespmem:s23+$0x3050]  }
0x158: {  	v60 =	vld [tilespmem:s23+$0x3060]  }
0x159: {  	v29 =	vld [tilespmem:s23+$0x3070]  }
0x15a: {  	v61 =	vld [tilespmem:s23+$0x3400]  }
0x15b: {  	v30 =	vld [tilespmem:s23+$0x3410]  }
0x15c: {  	v62 =	vld [tilespmem:s23+$0x3420]  }
0x15d: {  	v63 =	vld [tilespmem:s23+$0x3440]  }
0x15e: {  	v36 =	vld [tilespmem:s23+$0x3460]  }
0x15f: {  	v31 =	vld [tilespmem:s23+$0x3800]  }
0x160: {  	v32 =	vld [tilespmem:s23+$0x3820]  }
0x161: {  	v33 =	vld [tilespmem:s23+$0x3840];
	v23 =	vshll.u32 v23, $0x4  }
0x162: {  	v38 =	vld [tilespmem:s23+$0x3860];
	v25 =	vshll.u32 v25, $0x4;
	v23 =	vadd.s32 v24, v23  }
0x163: {  	v40 =	vld [tilespmem:s23+$0x3C00];
	v27 =	vshll.u32 v27, $0x4;
	v25 =	vadd.s32 v26, v25  }
0x164: {  	v42 =	vld [tilespmem:s23+$0x3C20];
	v37 =	vshll.u32 v63, $0x4;
	v27 =	vadd.s32 v28, v27  }
0x165: {  	v44 =	vld [tilespmem:s23+$0x3C40];
	v39 =	vshll.u32 v36, $0x4;
	v20 =	vadd.s32 v20, v37  }
0x166: {  	v46 =	vld [tilespmem:s23+$0x3C60];
	v41 =	vshll.u32 v31, $0x4;
	v18 =	vadd.s32 v18, v39  }
0x167: {  	v43 =	vshll.u32 v32, $0x4;
	v17 =	vadd.s32 v17, v41;
	v23 =	vld.idx.msk [tilespmem:v23+s19+$0x0], $0xffff  }
0x168: {  	v45 =	vshll.u32 v33, $0x4;
	v16 =	vadd.s32 v16, v43;
	v25 =	vld.idx.msk [tilespmem:v25+s19+$0x0], $0xffff  }
0x169: {  	v47 =	vshll.u32 v38, $0x4;
	v15 =	vadd.s32 v15, v45;
	v27 =	vld.idx.msk [tilespmem:v27+s19+$0x0], $0xffff  }
0x16a: {  	v48 =	vshll.u32 v40, $0x4;
	v14 =	vadd.s32 v14, v47;
	v20 =	vld.idx.msk [tilespmem:v20+s19+$0x0], $0xffff  }
0x16b: {  	v49 =	vshll.u32 v42, $0x4;
	v13 =	vadd.s32 v13, v48;
	v18 =	vld.idx.msk [tilespmem:v18+s19+$0x0], $0xffff  }
0x16c: {  	v50 =	vshll.u32 v44, $0x4;
	v12 =	vadd.s32 v12, v49;
	v17 =	vld.idx.msk [tilespmem:v17+s19+$0x0], $0xffff  }
0x16d: {  	v51 =	vshll.u32 v46, $0x4;
	v11 =	vadd.s32 v11, v50;
	v16 =	vld.idx.msk [tilespmem:v16+s19+$0x0], $0xffff  }
0x16e: {  	v24 =	vshll.u32 v60, $0x4;
	v10 =	vadd.s32 v10, v51;
	v15 =	vld.idx.msk [tilespmem:v15+s19+$0x0], $0xffff  }
0x16f: {  	v26 =	vshll.u32 v61, $0x4;
	v24 =	vadd.s32 v29, v24;
	v14 =	vld.idx.msk [tilespmem:v14+s19+$0x0], $0xffff  }
0x170: {  	v28 =	vshll.u32 v62, $0x4;
	v26 =	vadd.s32 v30, v26;
	v13 =	vld.idx.msk [tilespmem:v13+s19+$0x0], $0xffff  }
0x171: {  	v22 =	vadd.s32 v22, v28;
	v12 =	vld.idx.msk [tilespmem:v12+s19+$0x0], $0xffff  }
0x172: {  	v11 =	vld.idx.msk [tilespmem:v11+s19+$0x0], $0xffff  }
0x173: {  	v10 =	vld.idx.msk [tilespmem:v10+s19+$0x0], $0xffff  }
0x174: {  	v19 =	vadd.f32 v19, v21;
	v24 =	vld.idx.msk [tilespmem:v24+s19+$0x0], $0xffff  }
0x175: {  	v26 =	vld.idx.msk [tilespmem:v26+s19+$0x0], $0xffff  }
0x176: {  	v22 =	vld.idx.msk [tilespmem:v22+s19+$0x0], $0xffff;
	[tilespmem:s17], [sflag:$0x2] =	stream.strided.gather [hbm4b:s8+s15], $0x3000, s16, s15, $0x38;
	v19 =	vadd.f32 v23, v19  }
0x177: {  	s31 =	simm.s32 $0x0;
	_ =	swait.ge [sflag:s18], $0x3000  }
0x178: {  	s24 =	sand.u32 $0x3000, s31;
	s23 =	sand.u32 $0x380, s31;
	[sflag:s18] =	ssyncset.done $0x0;
	v19 =	vadd.f32 v25, v19  }
0x179: {  	s23 =	sor.u32 s23, s24;
	[sflag:s18] =	ssyncadd.s32 $0xFFFFD000  }
0x17a: {  	v21 =	vld [tilespmem:s23+$0xC70];
	v19 =	vadd.f32 v27, v19  }
0x17b: {  	v23 =	vld [tilespmem:s23+$0xC50]  }
0x17c: {  	v52 =	vld [tilespmem:s23+$0xC30];
	v19 =	vadd.f32 v24, v19  }
0x17d: {  	v53 =	vld [tilespmem:s23+$0xC10]  }
0x17e: {  	v54 =	vld [tilespmem:s23+$0x870];
	v19 =	vadd.f32 v26, v19  }
0x17f: {  	v55 =	vld [tilespmem:s23+$0x850]  }
0x180: {  	v56 =	vld [tilespmem:s23+$0x830];
	v19 =	vadd.f32 v22, v19  }
0x181: {  	v57 =	vld [tilespmem:s23+$0x470]  }
0x182: {  	v58 =	vld [tilespmem:s23+$0x430];
	v19 =	vadd.f32 v20, v19  }
0x183: {  	v59 =	vld [tilespmem:s23+$0x10]  }
0x184: {  	v60 =	vld [tilespmem:s23+$0x30];
	v18 =	vadd.f32 v18, v19  }
0x185: {  	v19 =	vld [tilespmem:s23+$0x0]  }
0x186: {  	v61 =	vld [tilespmem:s23+$0x50];
	v17 =	vadd.f32 v17, v18  }
0x187: {  	v18 =	vld [tilespmem:s23+$0x20]  }
0x188: {  	v62 =	vld [tilespmem:s23+$0x70];
	v16 =	vadd.f32 v16, v17  }
0x189: {  	v17 =	vld [tilespmem:s23+$0x40]  }
0x18a: {  	v63 =	vld [tilespmem:s23+$0x410];
	v19 =	vshll.u32 v19, $0x4;
	v15 =	vadd.f32 v15, v16  }
0x18b: {  	v16 =	vadd.s32 v59, v19;
	v19 =	vld [tilespmem:s23+$0x60]  }
0x18c: {  	v22 =	vld [tilespmem:s23+$0x810];
	v18 =	vshll.u32 v18, $0x4;
	v14 =	vadd.f32 v14, v15  }
0x18d: {  	v15 =	vadd.s32 v60, v18;
	v18 =	vld [tilespmem:s23+$0x400]  }
0x18e: {  	v20 =	vld [tilespmem:s23+$0x450];
	v17 =	vshll.u32 v17, $0x4;
	v13 =	vadd.f32 v13, v14  }
0x18f: {  	v14 =	vadd.s32 v61, v17;
	v17 =	vld [tilespmem:s23+$0x420]  }
0x190: {  	v16 =	vld.idx.msk [tilespmem:v16+s19+$0x0], $0xffff;
	v19 =	vshll.u32 v19, $0x4;
	v12 =	vadd.f32 v12, v13  }
0x191: {  	v13 =	vadd.s32 v62, v19;
	v19 =	vld [tilespmem:s23+$0x440]  }
0x192: {  	v15 =	vld.idx.msk [tilespmem:v15+s19+$0x0], $0xffff;
	v18 =	vshll.u32 v18, $0x4;
	v11 =	vadd.f32 v11, v12  }
0x193: {  	v12 =	vadd.s32 v63, v18;
	v18 =	vld [tilespmem:s23+$0x460]  }
0x194: {  	v14 =	vld.idx.msk [tilespmem:v14+s19+$0x0], $0xffff;
	v17 =	vshll.u32 v17, $0x4;
	v10 =	vadd.f32 v10, v11  }
0x195: {  	v11 =	vadd.s32 v58, v17;
	v17 =	vld [tilespmem:s23+$0x800]  }
0x196: {  	v13 =	vld.idx.msk [tilespmem:v13+s19+$0x0], $0xffff;
	v19 =	vshll.u32 v19, $0x4;
	v10 =	vadd.f32 v16, v10  }
0x197: {  	v16 =	vadd.s32 v20, v19;
	v19 =	vld [tilespmem:s23+$0x820]  }
0x198: {  	v12 =	vld.idx.msk [tilespmem:v12+s19+$0x0], $0xffff;
	v18 =	vshll.u32 v18, $0x4;
	v10 =	vadd.f32 v15, v10  }
0x199: {  	v15 =	vadd.s32 v57, v18;
	v18 =	vld [tilespmem:s23+$0x840]  }
0x19a: {  	v11 =	vld.idx.msk [tilespmem:v11+s19+$0x0], $0xffff;
	v17 =	vshll.u32 v17, $0x4;
	v10 =	vadd.f32 v14, v10  }
0x19b: {  	v14 =	vadd.s32 v22, v17;
	v17 =	vld [tilespmem:s23+$0x860]  }
0x19c: {  	v16 =	vld.idx.msk [tilespmem:v16+s19+$0x0], $0xffff;
	v19 =	vshll.u32 v19, $0x4;
	v10 =	vadd.f32 v13, v10  }
0x19d: {  	v13 =	vadd.s32 v56, v19;
	v19 =	vld [tilespmem:s23+$0xC00]  }
0x19e: {  	v15 =	vld.idx.msk [tilespmem:v15+s19+$0x0], $0xffff;
	v18 =	vshll.u32 v18, $0x4;
	v10 =	vadd.f32 v12, v10  }
0x19f: {  	v12 =	vadd.s32 v55, v18;
	v18 =	vld [tilespmem:s23+$0xC20]  }
0x1a0: {  	v14 =	vld.idx.msk [tilespmem:v14+s19+$0x0], $0xffff;
	v17 =	vshll.u32 v17, $0x4;
	v10 =	vadd.f32 v11, v10  }
0x1a1: {  	v11 =	vadd.s32 v54, v17;
	v17 =	vld [tilespmem:s23+$0xC40]  }
0x1a2: {  	s25 =	simm.s32 $0x200;
	s24 =	simm.s32 $0x80;
	v13 =	vld.idx.msk [tilespmem:v13+s19+$0x0], $0xffff;
	v19 =	vshll.u32 v19, $0x4;
	v10 =	vadd.f32 v16, v10  }
0x1a3: {  	s25 =	sand.u32 $0x3000, s25;
	s26 =	sand.u32 $0x380, s24;
	v16 =	vadd.s32 v53, v19;
	v19 =	vld [tilespmem:s23+$0xC60]  }
0x1a4: {  	s23 =	sor.u32 s26, s25;
	v20 =	vld.idx.msk [tilespmem:v12+s19+$0x0], $0xffff;
	v12 =	vshll.u32 v18, $0x4;
	v15 =	vadd.f32 v15, v10  }
0x1a5: {  	v10 =	vld [tilespmem:s23+$0xC70];
	v18 =	vadd.s32 v52, v12  }
0x1a6: {  	v22 =	vld.idx.msk [tilespmem:v11+s19+$0x0], $0xffff;
	v12 =	vshll.u32 v17, $0x4;
	v14 =	vadd.f32 v14, v15  }
0x1a7: {  	v11 =	vld [tilespmem:s23+$0xC50];
	v15 =	vadd.s32 v23, v12  }
0x1a8: {  	v12 =	vld [tilespmem:s23+$0xC30];
	v17 =	vshll.u32 v19, $0x4;
	v13 =	vadd.f32 v13, v14  }
0x1a9: {  	v16 =	vld.idx.msk [tilespmem:v16+s19+$0x0], $0xffff;
	v17 =	vadd.s32 v21, v17  }
0x1aa: {  	v18 =	vld.idx.msk [tilespmem:v18+s19+$0x0], $0xffff;
	v14 =	vadd.f32 v20, v13  }
0x1ab: {  	v13 =	vld [tilespmem:s23+$0xC10]  }
0x1ac: {  	v20 =	vld.idx.msk [tilespmem:v15+s19+$0x0], $0xffff;
	v15 =	vadd.f32 v22, v14  }
0x1ad: {  	v14 =	vld [tilespmem:s23+$0x870]  }
0x1ae: {  	v19 =	vld.idx.msk [tilespmem:v17+s19+$0x0], $0xffff;
	v17 =	vadd.f32 v16, v15  }
0x1af: {  	v15 =	vld [tilespmem:s23+$0x850]  }
0x1b0: {  	v16 =	vld [tilespmem:s23+$0x830];
	v21 =	vadd.f32 v18, v17  }
0x1b1: {  	v17 =	vld [tilespmem:s23+$0x810]  }
0x1b2: {  	v18 =	vld [tilespmem:s23+$0x470];
	v21 =	vadd.f32 v20, v21  }
0x1b3: {  	s25 =	simm.s32 $0x400;
	v20 =	vld [tilespmem:s23+$0x450]  }
.LBB2_6:
0x1b4: {  	p0 =	sne.s32 s25, $0x2E00;
	v22 =	vld [tilespmem:s23+$0x430];
	v19 =	vadd.f32 v19, v21  }
0x1b5: {  	v21 =	vld [tilespmem:s23+$0x0]  }
0x1b6: {  	v23 =	vld [tilespmem:s23+$0x10]  }
0x1b7: {  	v24 =	vld [tilespmem:s23+$0x20]  }
0x1b8: {  	v25 =	vld [tilespmem:s23+$0x30]  }
0x1b9: {  	v26 =	vld [tilespmem:s23+$0x40]  }
0x1ba: {  	v21 =	vshll.u32 v21, $0x4;
	v27 =	vld [tilespmem:s23+$0x50]  }
0x1bb: {  	v21 =	vadd.s32 v23, v21;
	v23 =	vld [tilespmem:s23+$0x60]  }
0x1bc: {  	v24 =	vshll.u32 v24, $0x4;
	v28 =	vld [tilespmem:s23+$0x70]  }
0x1bd: {  	v24 =	vadd.s32 v25, v24;
	v25 =	vld [tilespmem:s23+$0x400]  }
0x1be: {  	v26 =	vshll.u32 v26, $0x4;
	v29 =	vld [tilespmem:s23+$0x410]  }
0x1bf: {  	v26 =	vadd.s32 v27, v26;
	v27 =	vld [tilespmem:s23+$0x420]  }
0x1c0: {  	v21 =	vld.idx.msk [tilespmem:v21+s19+$0x0], $0xffff;
	v23 =	vshll.u32 v23, $0x4  }
0x1c1: {  	v23 =	vadd.s32 v28, v23;
	v28 =	vld [tilespmem:s23+$0x440]  }
0x1c2: {  	v24 =	vld.idx.msk [tilespmem:v24+s19+$0x0], $0xffff;
	v25 =	vshll.u32 v25, $0x4  }
0x1c3: {  	v25 =	vadd.s32 v29, v25;
	v29 =	vld [tilespmem:s23+$0x460]  }
0x1c4: {  	v26 =	vld.idx.msk [tilespmem:v26+s19+$0x0], $0xffff;
	v27 =	vshll.u32 v27, $0x4  }
0x1c5: {  	v22 =	vadd.s32 v22, v27;
	v27 =	vld [tilespmem:s23+$0x800]  }
0x1c6: {  	v19 =	vadd.f32 v21, v19;
	v21 =	vld.idx.msk [tilespmem:v23+s19+$0x0], $0xffff;
	v23 =	vshll.u32 v28, $0x4  }
0x1c7: {  	v20 =	vadd.s32 v20, v23;
	v23 =	vld [tilespmem:s23+$0x820]  }
0x1c8: {  	v19 =	vadd.f32 v24, v19;
	v24 =	vld.idx.msk [tilespmem:v25+s19+$0x0], $0xffff;
	v25 =	vshll.u32 v29, $0x4  }
0x1c9: {  	v18 =	vadd.s32 v18, v25;
	v25 =	vld [tilespmem:s23+$0x840]  }
0x1ca: {  	v19 =	vadd.f32 v26, v19;
	v22 =	vld.idx.msk [tilespmem:v22+s19+$0x0], $0xffff;
	v26 =	vshll.u32 v27, $0x4  }
0x1cb: {  	v17 =	vadd.s32 v17, v26;
	v26 =	vld [tilespmem:s23+$0x860]  }
0x1cc: {  	v19 =	vadd.f32 v21, v19;
	v20 =	vld.idx.msk [tilespmem:v20+s19+$0x0], $0xffff;
	v21 =	vshll.u32 v23, $0x4  }
0x1cd: {  	v16 =	vadd.s32 v16, v21;
	v21 =	vld [tilespmem:s23+$0xC00]  }
0x1ce: {  	v19 =	vadd.f32 v24, v19;
	v18 =	vld.idx.msk [tilespmem:v18+s19+$0x0], $0xffff;
	v23 =	vshll.u32 v25, $0x4  }
0x1cf: {  	v15 =	vadd.s32 v15, v23;
	v23 =	vld [tilespmem:s23+$0xC20]  }
0x1d0: {  	v19 =	vadd.f32 v22, v19;
	v17 =	vld.idx.msk [tilespmem:v17+s19+$0x0], $0xffff;
	v22 =	vshll.u32 v26, $0x4  }
0x1d1: {  	v14 =	vadd.s32 v14, v22;
	v22 =	vld [tilespmem:s23+$0xC40]  }
0x1d2: {  	s24 =	sadd.s32 $0x80, s24;
	v19 =	vadd.f32 v20, v19;
	v16 =	vld.idx.msk [tilespmem:v16+s19+$0x0], $0xffff;
	v20 =	vshll.u32 v21, $0x4  }
0x1d3: {  	s26 =	sand.u32 $0x3000, s25;
	s28 =	sand.u32 $0x380, s24;
	v13 =	vadd.s32 v13, v20;
	v20 =	vld [tilespmem:s23+$0xC60]  }
0x1d4: {  	s23 =	sor.u32 s28, s26;
	v18 =	vadd.f32 v18, v19;
	v15 =	vld.idx.msk [tilespmem:v15+s19+$0x0], $0xffff;
	v19 =	vshll.u32 v23, $0x4  }
0x1d5: {  	v21 =	vld [tilespmem:s23+$0xC70];
	v19 =	vadd.s32 v12, v19  }
0x1d6: {  	v12 =	vadd.f32 v17, v18;
	v14 =	vld.idx.msk [tilespmem:v14+s19+$0x0], $0xffff;
	v17 =	vshll.u32 v22, $0x4  }
0x1d7: {  	v17 =	vadd.s32 v11, v17;
	v11 =	vld [tilespmem:s23+$0xC50]  }
0x1d8: {  	v16 =	vadd.f32 v16, v12;
	v18 =	vld.idx.msk [tilespmem:v13+s19+$0x0], $0xffff;
	v13 =	vshll.u32 v20, $0x4  }
0x1d9: {  	v12 =	vld [tilespmem:s23+$0xC30];
	v20 =	vadd.s32 v10, v13  }
0x1da: {  	v15 =	vadd.f32 v15, v16;
	v22 =	vld.idx.msk [tilespmem:v19+s19+$0x0], $0xffff;
	v10 =	vmov v21  }
0x1db: {  	v13 =	vld [tilespmem:s23+$0xC10]  }
0x1dc: {  	v15 =	vadd.f32 v14, v15;
	v21 =	vld.idx.msk [tilespmem:v17+s19+$0x0], $0xffff  }
0x1dd: {  	v14 =	vld [tilespmem:s23+$0x870]  }
0x1de: {  	v17 =	vadd.f32 v18, v15;
	v19 =	vld.idx.msk [tilespmem:v20+s19+$0x0], $0xffff  }
.Ltmp2:
0x1df: {  	v15 =	vld [tilespmem:s23+$0x850];
	(pc) =	sbr.rel @p0 .LBB2_6-.Ltmp2, $4  }
0x1e0: {  	v20 =	vadd.f32 v22, v17;
	v16 =	vld [tilespmem:s23+$0x830]  }
0x1e1: {  	v17 =	vld [tilespmem:s23+$0x810]  }
0x1e2: {  	v21 =	vadd.f32 v21, v20;
	v18 =	vld [tilespmem:s23+$0x470]  }
0x1e3: {  	s25 =	sadd.s32 $0x200, s25;
	v20 =	vld [tilespmem:s23+$0x450]  }
0x1e4: {  	v22 =	vld [tilespmem:s23+$0x430]  }
0x1e5: {  	v23 =	vld [tilespmem:s23+$0x0]  }
0x1e6: {  	v24 =	vld [tilespmem:s23+$0x10]  }
0x1e7: {  	v25 =	vld [tilespmem:s23+$0x20]  }
0x1e8: {  	v26 =	vld [tilespmem:s23+$0x30]  }
0x1e9: {  	v27 =	vld [tilespmem:s23+$0x40]  }
0x1ea: {  	v28 =	vld [tilespmem:s23+$0x50]  }
0x1eb: {  	v60 =	vld [tilespmem:s23+$0x60]  }
0x1ec: {  	v29 =	vld [tilespmem:s23+$0x70]  }
0x1ed: {  	v61 =	vld [tilespmem:s23+$0x400]  }
0x1ee: {  	v30 =	vld [tilespmem:s23+$0x410]  }
0x1ef: {  	v62 =	vld [tilespmem:s23+$0x420]  }
0x1f0: {  	v63 =	vld [tilespmem:s23+$0x440]  }
0x1f1: {  	v36 =	vld [tilespmem:s23+$0x460]  }
0x1f2: {  	v31 =	vld [tilespmem:s23+$0x800]  }
0x1f3: {  	v32 =	vld [tilespmem:s23+$0x820]  }
0x1f4: {  	v33 =	vld [tilespmem:s23+$0x840];
	v23 =	vshll.u32 v23, $0x4  }
0x1f5: {  	v38 =	vld [tilespmem:s23+$0x860];
	v25 =	vshll.u32 v25, $0x4;
	v23 =	vadd.s32 v24, v23  }
0x1f6: {  	v40 =	vld [tilespmem:s23+$0xC00];
	v27 =	vshll.u32 v27, $0x4;
	v25 =	vadd.s32 v26, v25  }
0x1f7: {  	v42 =	vld [tilespmem:s23+$0xC20];
	v37 =	vshll.u32 v63, $0x4;
	v27 =	vadd.s32 v28, v27  }
0x1f8: {  	v44 =	vld [tilespmem:s23+$0xC40];
	v39 =	vshll.u32 v36, $0x4;
	v20 =	vadd.s32 v20, v37  }
0x1f9: {  	v46 =	vld [tilespmem:s23+$0xC60];
	v41 =	vshll.u32 v31, $0x4;
	v18 =	vadd.s32 v18, v39  }
0x1fa: {  	v43 =	vshll.u32 v32, $0x4;
	v17 =	vadd.s32 v17, v41;
	v23 =	vld.idx.msk [tilespmem:v23+s19+$0x0], $0xffff  }
0x1fb: {  	v45 =	vshll.u32 v33, $0x4;
	v16 =	vadd.s32 v16, v43;
	v25 =	vld.idx.msk [tilespmem:v25+s19+$0x0], $0xffff  }
0x1fc: {  	v47 =	vshll.u32 v38, $0x4;
	v15 =	vadd.s32 v15, v45;
	v27 =	vld.idx.msk [tilespmem:v27+s19+$0x0], $0xffff  }
0x1fd: {  	v48 =	vshll.u32 v40, $0x4;
	v14 =	vadd.s32 v14, v47;
	v20 =	vld.idx.msk [tilespmem:v20+s19+$0x0], $0xffff  }
0x1fe: {  	v49 =	vshll.u32 v42, $0x4;
	v13 =	vadd.s32 v13, v48;
	v18 =	vld.idx.msk [tilespmem:v18+s19+$0x0], $0xffff  }
0x1ff: {  	v50 =	vshll.u32 v44, $0x4;
	v12 =	vadd.s32 v12, v49;
	v17 =	vld.idx.msk [tilespmem:v17+s19+$0x0], $0xffff  }
0x200: {  	v51 =	vshll.u32 v46, $0x4;
	v11 =	vadd.s32 v11, v50;
	v16 =	vld.idx.msk [tilespmem:v16+s19+$0x0], $0xffff  }
0x201: {  	v24 =	vshll.u32 v60, $0x4;
	v10 =	vadd.s32 v10, v51;
	v15 =	vld.idx.msk [tilespmem:v15+s19+$0x0], $0xffff  }
0x202: {  	v26 =	vshll.u32 v61, $0x4;
	v24 =	vadd.s32 v29, v24;
	v14 =	vld.idx.msk [tilespmem:v14+s19+$0x0], $0xffff  }
0x203: {  	v28 =	vshll.u32 v62, $0x4;
	v26 =	vadd.s32 v30, v26;
	v13 =	vld.idx.msk [tilespmem:v13+s19+$0x0], $0xffff  }
0x204: {  	v22 =	vadd.s32 v22, v28;
	v12 =	vld.idx.msk [tilespmem:v12+s19+$0x0], $0xffff  }
0x205: {  	v11 =	vld.idx.msk [tilespmem:v11+s19+$0x0], $0xffff  }
0x206: {  	v10 =	vld.idx.msk [tilespmem:v10+s19+$0x0], $0xffff  }
0x207: {  	v19 =	vadd.f32 v19, v21;
	v24 =	vld.idx.msk [tilespmem:v24+s19+$0x0], $0xffff  }
0x208: {  	s31 =	simm.s32 $0x0;
	v26 =	vld.idx.msk [tilespmem:v26+s19+$0x0], $0xffff  }
0x209: {  	v22 =	vld.idx.msk [tilespmem:v22+s19+$0x0], $0xffff;
	[tilespmem:s31], [sflag:$0x1] =	stream.strided.gather [hbm4b:s9+s15], $0x3000, s16, s15, $0x38;
	v19 =	vadd.f32 v23, v19  }
0x20a: {  	_ =	swait.ge [sflag:s20], $0x3000  }
0x20b: {  	s24 =	sand.u32 $0x3000, s31;
	s23 =	sand.u32 $0x380, s31;
	[sflag:s20] =	ssyncset.done $0x0;
	v19 =	vadd.f32 v25, v19  }
0x20c: {  	s23 =	sor.u32 s23, s24;
	[sflag:s20] =	ssyncadd.s32 $0xFFFFD000  }
0x20d: {  	v21 =	vld [tilespmem:s23+$0x3C70];
	v19 =	vadd.f32 v27, v19  }
0x20e: {  	v23 =	vld [tilespmem:s23+$0x3C50]  }
0x20f: {  	v52 =	vld [tilespmem:s23+$0x3C30];
	v19 =	vadd.f32 v24, v19  }
0x210: {  	v53 =	vld [tilespmem:s23+$0x3C10]  }
0x211: {  	v54 =	vld [tilespmem:s23+$0x3870];
	v19 =	vadd.f32 v26, v19  }
0x212: {  	v55 =	vld [tilespmem:s23+$0x3850]  }
0x213: {  	v56 =	vld [tilespmem:s23+$0x3830];
	v19 =	vadd.f32 v22, v19  }
0x214: {  	v57 =	vld [tilespmem:s23+$0x3470]  }
0x215: {  	v58 =	vld [tilespmem:s23+$0x3430];
	v19 =	vadd.f32 v20, v19  }
0x216: {  	v59 =	vld [tilespmem:s23+$0x3010]  }
0x217: {  	v60 =	vld [tilespmem:s23+$0x3030];
	v18 =	vadd.f32 v18, v19  }
0x218: {  	v19 =	vld [tilespmem:s23+$0x3000]  }
0x219: {  	v61 =	vld [tilespmem:s23+$0x3050];
	v17 =	vadd.f32 v17, v18  }
0x21a: {  	v18 =	vld [tilespmem:s23+$0x3020]  }
0x21b: {  	v62 =	vld [tilespmem:s23+$0x3070];
	v16 =	vadd.f32 v16, v17  }
0x21c: {  	v17 =	vld [tilespmem:s23+$0x3040]  }
0x21d: {  	v63 =	vld [tilespmem:s23+$0x3410];
	v19 =	vshll.u32 v19, $0x4;
	v15 =	vadd.f32 v15, v16  }
0x21e: {  	v16 =	vadd.s32 v59, v19;
	v19 =	vld [tilespmem:s23+$0x3060]  }
0x21f: {  	v22 =	vld [tilespmem:s23+$0x3810];
	v18 =	vshll.u32 v18, $0x4;
	v14 =	vadd.f32 v14, v15  }
0x220: {  	v15 =	vadd.s32 v60, v18;
	v18 =	vld [tilespmem:s23+$0x3400]  }
0x221: {  	v20 =	vld [tilespmem:s23+$0x3450];
	v17 =	vshll.u32 v17, $0x4;
	v13 =	vadd.f32 v13, v14  }
0x222: {  	v14 =	vadd.s32 v61, v17;
	v17 =	vld [tilespmem:s23+$0x3420]  }
0x223: {  	v16 =	vld.idx.msk [tilespmem:v16+s19+$0x0], $0xffff;
	v19 =	vshll.u32 v19, $0x4;
	v12 =	vadd.f32 v12, v13  }
0x224: {  	v13 =	vadd.s32 v62, v19;
	v19 =	vld [tilespmem:s23+$0x3440]  }
0x225: {  	v15 =	vld.idx.msk [tilespmem:v15+s19+$0x0], $0xffff;
	v18 =	vshll.u32 v18, $0x4;
	v11 =	vadd.f32 v11, v12  }
0x226: {  	v12 =	vadd.s32 v63, v18;
	v18 =	vld [tilespmem:s23+$0x3460]  }
0x227: {  	v14 =	vld.idx.msk [tilespmem:v14+s19+$0x0], $0xffff;
	v17 =	vshll.u32 v17, $0x4;
	v10 =	vadd.f32 v10, v11  }
0x228: {  	v11 =	vadd.s32 v58, v17;
	v17 =	vld [tilespmem:s23+$0x3800]  }
0x229: {  	v13 =	vld.idx.msk [tilespmem:v13+s19+$0x0], $0xffff;
	v19 =	vshll.u32 v19, $0x4;
	v10 =	vadd.f32 v16, v10  }
0x22a: {  	v16 =	vadd.s32 v20, v19;
	v19 =	vld [tilespmem:s23+$0x3820]  }
0x22b: {  	v12 =	vld.idx.msk [tilespmem:v12+s19+$0x0], $0xffff;
	v18 =	vshll.u32 v18, $0x4;
	v10 =	vadd.f32 v15, v10  }
0x22c: {  	v15 =	vadd.s32 v57, v18;
	v18 =	vld [tilespmem:s23+$0x3840]  }
0x22d: {  	v11 =	vld.idx.msk [tilespmem:v11+s19+$0x0], $0xffff;
	v17 =	vshll.u32 v17, $0x4;
	v10 =	vadd.f32 v14, v10  }
0x22e: {  	v14 =	vadd.s32 v22, v17;
	v17 =	vld [tilespmem:s23+$0x3860]  }
0x22f: {  	v16 =	vld.idx.msk [tilespmem:v16+s19+$0x0], $0xffff;
	v19 =	vshll.u32 v19, $0x4;
	v10 =	vadd.f32 v13, v10  }
0x230: {  	v13 =	vadd.s32 v56, v19;
	v19 =	vld [tilespmem:s23+$0x3C00]  }
0x231: {  	v15 =	vld.idx.msk [tilespmem:v15+s19+$0x0], $0xffff;
	v18 =	vshll.u32 v18, $0x4;
	v10 =	vadd.f32 v12, v10  }
0x232: {  	v12 =	vadd.s32 v55, v18;
	v18 =	vld [tilespmem:s23+$0x3C20]  }
0x233: {  	v14 =	vld.idx.msk [tilespmem:v14+s19+$0x0], $0xffff;
	v17 =	vshll.u32 v17, $0x4;
	v10 =	vadd.f32 v11, v10  }
0x234: {  	v11 =	vadd.s32 v54, v17;
	v17 =	vld [tilespmem:s23+$0x3C40]  }
0x235: {  	s25 =	simm.s32 $0x200;
	s24 =	simm.s32 $0x80;
	v13 =	vld.idx.msk [tilespmem:v13+s19+$0x0], $0xffff;
	v19 =	vshll.u32 v19, $0x4;
	v10 =	vadd.f32 v16, v10  }
0x236: {  	s25 =	sand.u32 $0x3000, s25;
	s26 =	sand.u32 $0x380, s24;
	v16 =	vadd.s32 v53, v19;
	v19 =	vld [tilespmem:s23+$0x3C60]  }
0x237: {  	s23 =	sor.u32 s26, s25;
	v20 =	vld.idx.msk [tilespmem:v12+s19+$0x0], $0xffff;
	v12 =	vshll.u32 v18, $0x4;
	v15 =	vadd.f32 v15, v10  }
0x238: {  	v10 =	vld [tilespmem:s23+$0x3C70];
	v18 =	vadd.s32 v52, v12  }
0x239: {  	v22 =	vld.idx.msk [tilespmem:v11+s19+$0x0], $0xffff;
	v12 =	vshll.u32 v17, $0x4;
	v14 =	vadd.f32 v14, v15  }
0x23a: {  	v11 =	vld [tilespmem:s23+$0x3C50];
	v15 =	vadd.s32 v23, v12  }
0x23b: {  	v12 =	vld [tilespmem:s23+$0x3C30];
	v17 =	vshll.u32 v19, $0x4;
	v13 =	vadd.f32 v13, v14  }
0x23c: {  	v16 =	vld.idx.msk [tilespmem:v16+s19+$0x0], $0xffff;
	v17 =	vadd.s32 v21, v17  }
0x23d: {  	v18 =	vld.idx.msk [tilespmem:v18+s19+$0x0], $0xffff;
	v14 =	vadd.f32 v20, v13  }
0x23e: {  	v13 =	vld [tilespmem:s23+$0x3C10]  }
0x23f: {  	v20 =	vld.idx.msk [tilespmem:v15+s19+$0x0], $0xffff;
	v15 =	vadd.f32 v22, v14  }
0x240: {  	v14 =	vld [tilespmem:s23+$0x3870]  }
0x241: {  	v19 =	vld.idx.msk [tilespmem:v17+s19+$0x0], $0xffff;
	v17 =	vadd.f32 v16, v15  }
0x242: {  	v15 =	vld [tilespmem:s23+$0x3850]  }
0x243: {  	v16 =	vld [tilespmem:s23+$0x3830];
	v21 =	vadd.f32 v18, v17  }
0x244: {  	v17 =	vld [tilespmem:s23+$0x3810]  }
0x245: {  	v18 =	vld [tilespmem:s23+$0x3470];
	v21 =	vadd.f32 v20, v21  }
0x246: {  	s25 =	simm.s32 $0x400;
	v20 =	vld [tilespmem:s23+$0x3450]  }
.LBB2_8:
0x247: {  	p0 =	sne.s32 s25, $0x2E00;
	v22 =	vld [tilespmem:s23+$0x3430];
	v19 =	vadd.f32 v19, v21  }
0x248: {  	v21 =	vld [tilespmem:s23+$0x3000]  }
0x249: {  	v23 =	vld [tilespmem:s23+$0x3010]  }
0x24a: {  	v24 =	vld [tilespmem:s23+$0x3020]  }
0x24b: {  	v25 =	vld [tilespmem:s23+$0x3030]  }
0x24c: {  	v26 =	vld [tilespmem:s23+$0x3040]  }
0x24d: {  	v21 =	vshll.u32 v21, $0x4;
	v27 =	vld [tilespmem:s23+$0x3050]  }
0x24e: {  	v21 =	vadd.s32 v23, v21;
	v23 =	vld [tilespmem:s23+$0x3060]  }
0x24f: {  	v24 =	vshll.u32 v24, $0x4;
	v28 =	vld [tilespmem:s23+$0x3070]  }
0x250: {  	v24 =	vadd.s32 v25, v24;
	v25 =	vld [tilespmem:s23+$0x3400]  }
0x251: {  	v26 =	vshll.u32 v26, $0x4;
	v29 =	vld [tilespmem:s23+$0x3410]  }
0x252: {  	v26 =	vadd.s32 v27, v26;
	v27 =	vld [tilespmem:s23+$0x3420]  }
0x253: {  	v21 =	vld.idx.msk [tilespmem:v21+s19+$0x0], $0xffff;
	v23 =	vshll.u32 v23, $0x4  }
0x254: {  	v23 =	vadd.s32 v28, v23;
	v28 =	vld [tilespmem:s23+$0x3440]  }
0x255: {  	v24 =	vld.idx.msk [tilespmem:v24+s19+$0x0], $0xffff;
	v25 =	vshll.u32 v25, $0x4  }
0x256: {  	v25 =	vadd.s32 v29, v25;
	v29 =	vld [tilespmem:s23+$0x3460]  }
0x257: {  	v26 =	vld.idx.msk [tilespmem:v26+s19+$0x0], $0xffff;
	v27 =	vshll.u32 v27, $0x4  }
0x258: {  	v22 =	vadd.s32 v22, v27;
	v27 =	vld [tilespmem:s23+$0x3800]  }
0x259: {  	v19 =	vadd.f32 v21, v19;
	v21 =	vld.idx.msk [tilespmem:v23+s19+$0x0], $0xffff;
	v23 =	vshll.u32 v28, $0x4  }
0x25a: {  	v20 =	vadd.s32 v20, v23;
	v23 =	vld [tilespmem:s23+$0x3820]  }
0x25b: {  	v19 =	vadd.f32 v24, v19;
	v24 =	vld.idx.msk [tilespmem:v25+s19+$0x0], $0xffff;
	v25 =	vshll.u32 v29, $0x4  }
0x25c: {  	v18 =	vadd.s32 v18, v25;
	v25 =	vld [tilespmem:s23+$0x3840]  }
0x25d: {  	v19 =	vadd.f32 v26, v19;
	v22 =	vld.idx.msk [tilespmem:v22+s19+$0x0], $0xffff;
	v26 =	vshll.u32 v27, $0x4  }
0x25e: {  	v17 =	vadd.s32 v17, v26;
	v26 =	vld [tilespmem:s23+$0x3860]  }
0x25f: {  	v19 =	vadd.f32 v21, v19;
	v20 =	vld.idx.msk [tilespmem:v20+s19+$0x0], $0xffff;
	v21 =	vshll.u32 v23, $0x4  }
0x260: {  	v16 =	vadd.s32 v16, v21;
	v21 =	vld [tilespmem:s23+$0x3C00]  }
0x261: {  	v19 =	vadd.f32 v24, v19;
	v18 =	vld.idx.msk [tilespmem:v18+s19+$0x0], $0xffff;
	v23 =	vshll.u32 v25, $0x4  }
0x262: {  	v15 =	vadd.s32 v15, v23;
	v23 =	vld [tilespmem:s23+$0x3C20]  }
0x263: {  	v19 =	vadd.f32 v22, v19;
	v17 =	vld.idx.msk [tilespmem:v17+s19+$0x0], $0xffff;
	v22 =	vshll.u32 v26, $0x4  }
0x264: {  	v14 =	vadd.s32 v14, v22;
	v22 =	vld [tilespmem:s23+$0x3C40]  }
0x265: {  	s24 =	sadd.s32 $0x80, s24;
	v19 =	vadd.f32 v20, v19;
	v16 =	vld.idx.msk [tilespmem:v16+s19+$0x0], $0xffff;
	v20 =	vshll.u32 v21, $0x4  }
0x266: {  	s26 =	sand.u32 $0x3000, s25;
	s28 =	sand.u32 $0x380, s24;
	v13 =	vadd.s32 v13, v20;
	v20 =	vld [tilespmem:s23+$0x3C60]  }
0x267: {  	s23 =	sor.u32 s28, s26;
	v18 =	vadd.f32 v18, v19;
	v15 =	vld.idx.msk [tilespmem:v15+s19+$0x0], $0xffff;
	v19 =	vshll.u32 v23, $0x4  }
0x268: {  	v21 =	vld [tilespmem:s23+$0x3C70];
	v19 =	vadd.s32 v12, v19  }
0x269: {  	v12 =	vadd.f32 v17, v18;
	v14 =	vld.idx.msk [tilespmem:v14+s19+$0x0], $0xffff;
	v17 =	vshll.u32 v22, $0x4  }
0x26a: {  	v17 =	vadd.s32 v11, v17;
	v11 =	vld [tilespmem:s23+$0x3C50]  }
0x26b: {  	v16 =	vadd.f32 v16, v12;
	v18 =	vld.idx.msk [tilespmem:v13+s19+$0x0], $0xffff;
	v13 =	vshll.u32 v20, $0x4  }
0x26c: {  	v12 =	vld [tilespmem:s23+$0x3C30];
	v20 =	vadd.s32 v10, v13  }
0x26d: {  	v15 =	vadd.f32 v15, v16;
	v22 =	vld.idx.msk [tilespmem:v19+s19+$0x0], $0xffff;
	v10 =	vmov v21  }
0x26e: {  	v13 =	vld [tilespmem:s23+$0x3C10]  }
0x26f: {  	v15 =	vadd.f32 v14, v15;
	v21 =	vld.idx.msk [tilespmem:v17+s19+$0x0], $0xffff  }
0x270: {  	v14 =	vld [tilespmem:s23+$0x3870]  }
0x271: {  	v17 =	vadd.f32 v18, v15;
	v19 =	vld.idx.msk [tilespmem:v20+s19+$0x0], $0xffff  }
.Ltmp3:
0x272: {  	v15 =	vld [tilespmem:s23+$0x3850];
	(pc) =	sbr.rel @p0 .LBB2_8-.Ltmp3, $4  }
0x273: {  	v20 =	vadd.f32 v22, v17;
	v16 =	vld [tilespmem:s23+$0x3830]  }
0x274: {  	v17 =	vld [tilespmem:s23+$0x3810]  }
0x275: {  	v21 =	vadd.f32 v21, v20;
	v18 =	vld [tilespmem:s23+$0x3470]  }
0x276: {  	s25 =	sadd.s32 $0x200, s25;
	v20 =	vld [tilespmem:s23+$0x3450]  }
0x277: {  	v22 =	vld [tilespmem:s23+$0x3430]  }
0x278: {  	v23 =	vld [tilespmem:s23+$0x3000]  }
0x279: {  	v24 =	vld [tilespmem:s23+$0x3010]  }
0x27a: {  	v25 =	vld [tilespmem:s23+$0x3020]  }
0x27b: {  	v26 =	vld [tilespmem:s23+$0x3030]  }
0x27c: {  	v27 =	vld [tilespmem:s23+$0x3040]  }
0x27d: {  	v28 =	vld [tilespmem:s23+$0x3050]  }
0x27e: {  	v60 =	vld [tilespmem:s23+$0x3060]  }
0x27f: {  	v29 =	vld [tilespmem:s23+$0x3070]  }
0x280: {  	v61 =	vld [tilespmem:s23+$0x3400]  }
0x281: {  	v30 =	vld [tilespmem:s23+$0x3410]  }
0x282: {  	v62 =	vld [tilespmem:s23+$0x3420]  }
0x283: {  	v63 =	vld [tilespmem:s23+$0x3440]  }
0x284: {  	v36 =	vld [tilespmem:s23+$0x3460]  }
0x285: {  	v31 =	vld [tilespmem:s23+$0x3800]  }
0x286: {  	v32 =	vld [tilespmem:s23+$0x3820]  }
0x287: {  	v33 =	vld [tilespmem:s23+$0x3840];
	v23 =	vshll.u32 v23, $0x4  }
0x288: {  	v38 =	vld [tilespmem:s23+$0x3860];
	v25 =	vshll.u32 v25, $0x4;
	v23 =	vadd.s32 v24, v23  }
0x289: {  	v40 =	vld [tilespmem:s23+$0x3C00];
	v27 =	vshll.u32 v27, $0x4;
	v25 =	vadd.s32 v26, v25  }
0x28a: {  	v42 =	vld [tilespmem:s23+$0x3C20];
	v37 =	vshll.u32 v63, $0x4;
	v27 =	vadd.s32 v28, v27  }
0x28b: {  	v44 =	vld [tilespmem:s23+$0x3C40];
	v39 =	vshll.u32 v36, $0x4;
	v20 =	vadd.s32 v20, v37  }
0x28c: {  	v46 =	vld [tilespmem:s23+$0x3C60];
	v41 =	vshll.u32 v31, $0x4;
	v18 =	vadd.s32 v18, v39  }
0x28d: {  	v43 =	vshll.u32 v32, $0x4;
	v17 =	vadd.s32 v17, v41;
	v23 =	vld.idx.msk [tilespmem:v23+s19+$0x0], $0xffff  }
0x28e: {  	v45 =	vshll.u32 v33, $0x4;
	v16 =	vadd.s32 v16, v43;
	v25 =	vld.idx.msk [tilespmem:v25+s19+$0x0], $0xffff  }
0x28f: {  	v47 =	vshll.u32 v38, $0x4;
	v15 =	vadd.s32 v15, v45;
	v27 =	vld.idx.msk [tilespmem:v27+s19+$0x0], $0xffff  }
0x290: {  	v48 =	vshll.u32 v40, $0x4;
	v14 =	vadd.s32 v14, v47;
	v20 =	vld.idx.msk [tilespmem:v20+s19+$0x0], $0xffff  }
0x291: {  	v49 =	vshll.u32 v42, $0x4;
	v13 =	vadd.s32 v13, v48;
	v18 =	vld.idx.msk [tilespmem:v18+s19+$0x0], $0xffff  }
0x292: {  	v50 =	vshll.u32 v44, $0x4;
	v12 =	vadd.s32 v12, v49;
	v17 =	vld.idx.msk [tilespmem:v17+s19+$0x0], $0xffff  }
0x293: {  	v51 =	vshll.u32 v46, $0x4;
	v11 =	vadd.s32 v11, v50;
	v16 =	vld.idx.msk [tilespmem:v16+s19+$0x0], $0xffff  }
0x294: {  	v24 =	vshll.u32 v60, $0x4;
	v10 =	vadd.s32 v10, v51;
	v15 =	vld.idx.msk [tilespmem:v15+s19+$0x0], $0xffff  }
0x295: {  	v26 =	vshll.u32 v61, $0x4;
	v24 =	vadd.s32 v29, v24;
	v14 =	vld.idx.msk [tilespmem:v14+s19+$0x0], $0xffff  }
0x296: {  	v28 =	vshll.u32 v62, $0x4;
	v26 =	vadd.s32 v30, v26;
	v13 =	vld.idx.msk [tilespmem:v13+s19+$0x0], $0xffff  }
0x297: {  	v22 =	vadd.s32 v22, v28;
	v12 =	vld.idx.msk [tilespmem:v12+s19+$0x0], $0xffff  }
0x298: {  	v11 =	vld.idx.msk [tilespmem:v11+s19+$0x0], $0xffff  }
0x299: {  	v19 =	vadd.f32 v19, v21;
	v10 =	vld.idx.msk [tilespmem:v10+s19+$0x0], $0xffff  }
0x29a: {  	v24 =	vld.idx.msk [tilespmem:v24+s19+$0x0], $0xffff  }
0x29b: {  	v26 =	vld.idx.msk [tilespmem:v26+s19+$0x0], $0xffff;
	v19 =	vadd.f32 v23, v19  }
0x29c: {  	s31 =	simm.s32 $0x0;
	v22 =	vld.idx.msk [tilespmem:v22+s19+$0x0], $0xffff;
	_ =	swait.ge [sflag:s18], $0x3000  }
0x29d: {  	s24 =	sand.u32 $0x3000, s31;
	s23 =	sand.u32 $0x380, s31;
	[sflag:s18] =	ssyncset.done $0x0;
	v19 =	vadd.f32 v25, v19  }
0x29e: {  	s23 =	sor.u32 s23, s24;
	[sflag:s18] =	ssyncadd.s32 $0xFFFFD000  }
0x29f: {  	v21 =	vld [tilespmem:s23+$0xC70];
	v19 =	vadd.f32 v27, v19  }
0x2a0: {  	v52 =	vld [tilespmem:s23+$0xC30]  }
0x2a1: {  	v53 =	vld [tilespmem:s23+$0xC10];
	v19 =	vadd.f32 v24, v19  }
0x2a2: {  	v54 =	vld [tilespmem:s23+$0x870]  }
0x2a3: {  	v55 =	vld [tilespmem:s23+$0x850];
	v19 =	vadd.f32 v26, v19  }
0x2a4: {  	v56 =	vld [tilespmem:s23+$0x830]  }
0x2a5: {  	v57 =	vld [tilespmem:s23+$0x470];
	v19 =	vadd.f32 v22, v19  }
0x2a6: {  	v58 =	vld [tilespmem:s23+$0x430]  }
0x2a7: {  	v59 =	vld [tilespmem:s23+$0x10];
	v19 =	vadd.f32 v20, v19  }
0x2a8: {  	v60 =	vld [tilespmem:s23+$0x30]  }
0x2a9: {  	v61 =	vld [tilespmem:s23+$0x50];
	v18 =	vadd.f32 v18, v19  }
0x2aa: {  	v19 =	vld [tilespmem:s23+$0x0]  }
0x2ab: {  	v62 =	vld [tilespmem:s23+$0x70];
	v17 =	vadd.f32 v17, v18  }
0x2ac: {  	v18 =	vld [tilespmem:s23+$0x20]  }
0x2ad: {  	v63 =	vld [tilespmem:s23+$0x410];
	v16 =	vadd.f32 v16, v17  }
0x2ae: {  	v17 =	vld [tilespmem:s23+$0x40]  }
0x2af: {  	v23 =	vld [tilespmem:s23+$0xC50];
	v19 =	vshll.u32 v19, $0x4;
	v15 =	vadd.f32 v15, v16  }
0x2b0: {  	v16 =	vadd.s32 v59, v19;
	v19 =	vld [tilespmem:s23+$0x60]  }
0x2b1: {  	v22 =	vld [tilespmem:s23+$0x810];
	v18 =	vshll.u32 v18, $0x4;
	v14 =	vadd.f32 v14, v15  }
0x2b2: {  	v15 =	vadd.s32 v60, v18;
	v18 =	vld [tilespmem:s23+$0x400]  }
0x2b3: {  	v20 =	vld [tilespmem:s23+$0x450];
	v17 =	vshll.u32 v17, $0x4;
	v13 =	vadd.f32 v13, v14  }
0x2b4: {  	v14 =	vadd.s32 v61, v17;
	v17 =	vld [tilespmem:s23+$0x420]  }
0x2b5: {  	v16 =	vld.idx.msk [tilespmem:v16+s19+$0x0], $0xffff;
	v19 =	vshll.u32 v19, $0x4;
	v12 =	vadd.f32 v12, v13  }
0x2b6: {  	v13 =	vadd.s32 v62, v19;
	v19 =	vld [tilespmem:s23+$0x440]  }
0x2b7: {  	v15 =	vld.idx.msk [tilespmem:v15+s19+$0x0], $0xffff;
	v18 =	vshll.u32 v18, $0x4;
	v11 =	vadd.f32 v11, v12  }
0x2b8: {  	v12 =	vadd.s32 v63, v18;
	v18 =	vld [tilespmem:s23+$0x460]  }
0x2b9: {  	v14 =	vld.idx.msk [tilespmem:v14+s19+$0x0], $0xffff;
	v17 =	vshll.u32 v17, $0x4;
	v10 =	vadd.f32 v10, v11  }
0x2ba: {  	v11 =	vadd.s32 v58, v17;
	v17 =	vld [tilespmem:s23+$0x800]  }
0x2bb: {  	v13 =	vld.idx.msk [tilespmem:v13+s19+$0x0], $0xffff;
	v19 =	vshll.u32 v19, $0x4;
	v10 =	vadd.f32 v16, v10  }
0x2bc: {  	v16 =	vadd.s32 v20, v19;
	v19 =	vld [tilespmem:s23+$0x820]  }
0x2bd: {  	v12 =	vld.idx.msk [tilespmem:v12+s19+$0x0], $0xffff;
	v18 =	vshll.u32 v18, $0x4;
	v10 =	vadd.f32 v15, v10  }
0x2be: {  	v15 =	vadd.s32 v57, v18;
	v18 =	vld [tilespmem:s23+$0x840]  }
0x2bf: {  	v11 =	vld.idx.msk [tilespmem:v11+s19+$0x0], $0xffff;
	v17 =	vshll.u32 v17, $0x4;
	v10 =	vadd.f32 v14, v10  }
0x2c0: {  	v14 =	vadd.s32 v22, v17;
	v17 =	vld [tilespmem:s23+$0x860]  }
0x2c1: {  	v16 =	vld.idx.msk [tilespmem:v16+s19+$0x0], $0xffff;
	v19 =	vshll.u32 v19, $0x4;
	v10 =	vadd.f32 v13, v10  }
0x2c2: {  	v13 =	vadd.s32 v56, v19;
	v19 =	vld [tilespmem:s23+$0xC00]  }
0x2c3: {  	v15 =	vld.idx.msk [tilespmem:v15+s19+$0x0], $0xffff;
	v18 =	vshll.u32 v18, $0x4;
	v10 =	vadd.f32 v12, v10  }
0x2c4: {  	v12 =	vadd.s32 v55, v18;
	v18 =	vld [tilespmem:s23+$0xC20]  }
0x2c5: {  	v14 =	vld.idx.msk [tilespmem:v14+s19+$0x0], $0xffff;
	v17 =	vshll.u32 v17, $0x4;
	v10 =	vadd.f32 v11, v10  }
0x2c6: {  	v11 =	vadd.s32 v54, v17;
	v17 =	vld [tilespmem:s23+$0xC40]  }
0x2c7: {  	s25 =	simm.s32 $0x200;
	s24 =	simm.s32 $0x80;
	v13 =	vld.idx.msk [tilespmem:v13+s19+$0x0], $0xffff;
	v19 =	vshll.u32 v19, $0x4;
	v10 =	vadd.f32 v16, v10  }
0x2c8: {  	s25 =	sand.u32 $0x3000, s25;
	s26 =	sand.u32 $0x380, s24;
	v16 =	vadd.s32 v53, v19;
	v19 =	vld [tilespmem:s23+$0xC60]  }
0x2c9: {  	s23 =	sor.u32 s26, s25;
	v20 =	vld.idx.msk [tilespmem:v12+s19+$0x0], $0xffff;
	v12 =	vshll.u32 v18, $0x4;
	v15 =	vadd.f32 v15, v10  }
0x2ca: {  	v10 =	vld [tilespmem:s23+$0xC70];
	v18 =	vadd.s32 v52, v12  }
0x2cb: {  	v22 =	vld.idx.msk [tilespmem:v11+s19+$0x0], $0xffff;
	v12 =	vshll.u32 v17, $0x4;
	v14 =	vadd.f32 v14, v15  }
0x2cc: {  	v11 =	vld [tilespmem:s23+$0xC50];
	v15 =	vadd.s32 v23, v12  }
0x2cd: {  	v12 =	vld [tilespmem:s23+$0xC30];
	v17 =	vshll.u32 v19, $0x4;
	v13 =	vadd.f32 v13, v14  }
0x2ce: {  	v16 =	vld.idx.msk [tilespmem:v16+s19+$0x0], $0xffff;
	v17 =	vadd.s32 v21, v17  }
0x2cf: {  	v18 =	vld.idx.msk [tilespmem:v18+s19+$0x0], $0xffff;
	v14 =	vadd.f32 v20, v13  }
0x2d0: {  	v13 =	vld [tilespmem:s23+$0xC10]  }
0x2d1: {  	v19 =	vld.idx.msk [tilespmem:v15+s19+$0x0], $0xffff;
	v15 =	vadd.f32 v22, v14  }
0x2d2: {  	v14 =	vld [tilespmem:s23+$0x870]  }
0x2d3: {  	v20 =	vld.idx.msk [tilespmem:v17+s19+$0x0], $0xffff;
	v17 =	vadd.f32 v16, v15  }
0x2d4: {  	v15 =	vld [tilespmem:s23+$0x850]  }
0x2d5: {  	v16 =	vld [tilespmem:s23+$0x830];
	v21 =	vadd.f32 v18, v17  }
0x2d6: {  	v17 =	vld [tilespmem:s23+$0x810]  }
0x2d7: {  	v18 =	vld [tilespmem:s23+$0x470];
	v21 =	vadd.f32 v19, v21  }
0x2d8: {  	s25 =	simm.s32 $0x400;
	v19 =	vld [tilespmem:s23+$0x450]  }
.LBB2_10:
0x2d9: {  	p0 =	sne.s32 s25, $0x2E00;
	v22 =	vld [tilespmem:s23+$0x430];
	v20 =	vadd.f32 v20, v21  }
0x2da: {  	v21 =	vld [tilespmem:s23+$0x0]  }
0x2db: {  	v23 =	vld [tilespmem:s23+$0x10]  }
0x2dc: {  	v24 =	vld [tilespmem:s23+$0x20]  }
0x2dd: {  	v25 =	vld [tilespmem:s23+$0x30]  }
0x2de: {  	v26 =	vld [tilespmem:s23+$0x40]  }
0x2df: {  	v21 =	vshll.u32 v21, $0x4;
	v27 =	vld [tilespmem:s23+$0x50]  }
0x2e0: {  	v21 =	vadd.s32 v23, v21;
	v23 =	vld [tilespmem:s23+$0x60]  }
0x2e1: {  	v24 =	vshll.u32 v24, $0x4;
	v28 =	vld [tilespmem:s23+$0x70]  }
0x2e2: {  	v24 =	vadd.s32 v25, v24;
	v25 =	vld [tilespmem:s23+$0x400]  }
0x2e3: {  	v26 =	vshll.u32 v26, $0x4;
	v29 =	vld [tilespmem:s23+$0x410]  }
0x2e4: {  	v26 =	vadd.s32 v27, v26;
	v27 =	vld [tilespmem:s23+$0x420]  }
0x2e5: {  	v21 =	vld.idx.msk [tilespmem:v21+s19+$0x0], $0xffff;
	v23 =	vshll.u32 v23, $0x4  }
0x2e6: {  	v23 =	vadd.s32 v28, v23;
	v28 =	vld [tilespmem:s23+$0x440]  }
0x2e7: {  	v24 =	vld.idx.msk [tilespmem:v24+s19+$0x0], $0xffff;
	v25 =	vshll.u32 v25, $0x4  }
0x2e8: {  	v25 =	vadd.s32 v29, v25;
	v29 =	vld [tilespmem:s23+$0x460]  }
0x2e9: {  	v26 =	vld.idx.msk [tilespmem:v26+s19+$0x0], $0xffff;
	v27 =	vshll.u32 v27, $0x4  }
0x2ea: {  	v22 =	vadd.s32 v22, v27;
	v27 =	vld [tilespmem:s23+$0x800]  }
0x2eb: {  	v20 =	vadd.f32 v21, v20;
	v21 =	vld.idx.msk [tilespmem:v23+s19+$0x0], $0xffff;
	v23 =	vshll.u32 v28, $0x4  }
0x2ec: {  	v19 =	vadd.s32 v19, v23;
	v23 =	vld [tilespmem:s23+$0x820]  }
0x2ed: {  	v20 =	vadd.f32 v24, v20;
	v24 =	vld.idx.msk [tilespmem:v25+s19+$0x0], $0xffff;
	v25 =	vshll.u32 v29, $0x4  }
0x2ee: {  	v18 =	vadd.s32 v18, v25;
	v25 =	vld [tilespmem:s23+$0x840]  }
0x2ef: {  	v20 =	vadd.f32 v26, v20;
	v22 =	vld.idx.msk [tilespmem:v22+s19+$0x0], $0xffff;
	v26 =	vshll.u32 v27, $0x4  }
0x2f0: {  	v17 =	vadd.s32 v17, v26;
	v26 =	vld [tilespmem:s23+$0x860]  }
0x2f1: {  	v20 =	vadd.f32 v21, v20;
	v19 =	vld.idx.msk [tilespmem:v19+s19+$0x0], $0xffff;
	v21 =	vshll.u32 v23, $0x4  }
0x2f2: {  	v16 =	vadd.s32 v16, v21;
	v21 =	vld [tilespmem:s23+$0xC00]  }
0x2f3: {  	v20 =	vadd.f32 v24, v20;
	v18 =	vld.idx.msk [tilespmem:v18+s19+$0x0], $0xffff;
	v23 =	vshll.u32 v25, $0x4  }
0x2f4: {  	v15 =	vadd.s32 v15, v23;
	v23 =	vld [tilespmem:s23+$0xC20]  }
0x2f5: {  	v20 =	vadd.f32 v22, v20;
	v17 =	vld.idx.msk [tilespmem:v17+s19+$0x0], $0xffff;
	v22 =	vshll.u32 v26, $0x4  }
0x2f6: {  	v14 =	vadd.s32 v14, v22;
	v22 =	vld [tilespmem:s23+$0xC40]  }
0x2f7: {  	s24 =	sadd.s32 $0x80, s24;
	v19 =	vadd.f32 v19, v20;
	v16 =	vld.idx.msk [tilespmem:v16+s19+$0x0], $0xffff;
	v20 =	vshll.u32 v21, $0x4  }
0x2f8: {  	s26 =	sand.u32 $0x3000, s25;
	s28 =	sand.u32 $0x380, s24;
	v13 =	vadd.s32 v13, v20;
	v20 =	vld [tilespmem:s23+$0xC60]  }
0x2f9: {  	s23 =	sor.u32 s28, s26;
	v18 =	vadd.f32 v18, v19;
	v15 =	vld.idx.msk [tilespmem:v15+s19+$0x0], $0xffff;
	v19 =	vshll.u32 v23, $0x4  }
0x2fa: {  	v21 =	vld [tilespmem:s23+$0xC70];
	v19 =	vadd.s32 v12, v19  }
0x2fb: {  	v12 =	vadd.f32 v17, v18;
	v14 =	vld.idx.msk [tilespmem:v14+s19+$0x0], $0xffff;
	v17 =	vshll.u32 v22, $0x4  }
0x2fc: {  	v17 =	vadd.s32 v11, v17;
	v11 =	vld [tilespmem:s23+$0xC50]  }
0x2fd: {  	v16 =	vadd.f32 v16, v12;
	v18 =	vld.idx.msk [tilespmem:v13+s19+$0x0], $0xffff;
	v13 =	vshll.u32 v20, $0x4  }
0x2fe: {  	v12 =	vld [tilespmem:s23+$0xC30];
	v20 =	vadd.s32 v10, v13  }
0x2ff: {  	v15 =	vadd.f32 v15, v16;
	v19 =	vld.idx.msk [tilespmem:v19+s19+$0x0], $0xffff;
	v10 =	vmov v21  }
0x300: {  	v13 =	vld [tilespmem:s23+$0xC10]  }
0x301: {  	v15 =	vadd.f32 v14, v15;
	v21 =	vld.idx.msk [tilespmem:v17+s19+$0x0], $0xffff  }
0x302: {  	v14 =	vld [tilespmem:s23+$0x870]  }
0x303: {  	v17 =	vadd.f32 v18, v15;
	v20 =	vld.idx.msk [tilespmem:v20+s19+$0x0], $0xffff  }
.Ltmp4:
0x304: {  	v15 =	vld [tilespmem:s23+$0x850];
	(pc) =	sbr.rel @p0 .LBB2_10-.Ltmp4, $4  }
0x305: {  	v19 =	vadd.f32 v19, v17;
	v16 =	vld [tilespmem:s23+$0x830]  }
0x306: {  	v17 =	vld [tilespmem:s23+$0x810]  }
0x307: {  	v21 =	vadd.f32 v21, v19;
	v18 =	vld [tilespmem:s23+$0x470]  }
0x308: {  	s25 =	sadd.s32 $0x200, s25;
	v19 =	vld [tilespmem:s23+$0x450]  }
0x309: {  	v22 =	vld [tilespmem:s23+$0x430]  }
0x30a: {  	v23 =	vld [tilespmem:s23+$0x0]  }
0x30b: {  	v24 =	vld [tilespmem:s23+$0x10]  }
0x30c: {  	v25 =	vld [tilespmem:s23+$0x20]  }
0x30d: {  	v26 =	vld [tilespmem:s23+$0x30]  }
0x30e: {  	v27 =	vld [tilespmem:s23+$0x40]  }
0x30f: {  	v28 =	vld [tilespmem:s23+$0x50];
	v23 =	vshll.u32 v23, $0x4  }
0x310: {  	v39 =	vld [tilespmem:s23+$0x60];
	v23 =	vadd.s32 v24, v23  }
0x311: {  	v29 =	vld [tilespmem:s23+$0x70];
	v25 =	vshll.u32 v25, $0x4  }
0x312: {  	v40 =	vld [tilespmem:s23+$0x400];
	v25 =	vadd.s32 v26, v25  }
0x313: {  	v30 =	vld [tilespmem:s23+$0x410];
	v27 =	vshll.u32 v27, $0x4  }
0x314: {  	v41 =	vld [tilespmem:s23+$0x420];
	v27 =	vadd.s32 v28, v27  }
0x315: {  	v24 =	vshll.u32 v39, $0x4;
	v23 =	vld.idx.msk [tilespmem:v23+s19+$0x0], $0xffff  }
0x316: {  	v42 =	vld [tilespmem:s23+$0x440];
	v24 =	vadd.s32 v29, v24  }
0x317: {  	v26 =	vshll.u32 v40, $0x4;
	v25 =	vld.idx.msk [tilespmem:v25+s19+$0x0], $0xffff  }
0x318: {  	v20 =	vadd.f32 v20, v21;
	v44 =	vld [tilespmem:s23+$0x460];
	v43 =	vadd.s32 v30, v26  }
0x319: {  	v28 =	vshll.u32 v41, $0x4;
	v27 =	vld.idx.msk [tilespmem:v27+s19+$0x0], $0xffff  }
0x31a: {  	v45 =	vld [tilespmem:s23+$0x800];
	v22 =	vadd.s32 v22, v28;
	v20 =	vadd.f32 v23, v20  }
0x31b: {  	v47 =	vshll.u32 v42, $0x4;
	v46 =	vld.idx.msk [tilespmem:v24+s19+$0x0], $0xffff  }
0x31c: {  	v48 =	vld [tilespmem:s23+$0x820];
	v19 =	vadd.s32 v19, v47;
	v20 =	vadd.f32 v25, v20  }
0x31d: {  	v49 =	vshll.u32 v44, $0x4;
	v21 =	vld.idx.msk [tilespmem:v43+s19+$0x0], $0xffff  }
0x31e: {  	v50 =	vld [tilespmem:s23+$0x840];
	v18 =	vadd.s32 v18, v49;
	v20 =	vadd.f32 v27, v20  }
0x31f: {  	v51 =	vshll.u32 v45, $0x4;
	v22 =	vld.idx.msk [tilespmem:v22+s19+$0x0], $0xffff  }
0x320: {  	v52 =	vld [tilespmem:s23+$0x860];
	v17 =	vadd.s32 v17, v51;
	v20 =	vadd.f32 v46, v20  }
0x321: {  	v53 =	vshll.u32 v48, $0x4;
	v19 =	vld.idx.msk [tilespmem:v19+s19+$0x0], $0xffff  }
0x322: {  	v54 =	vld [tilespmem:s23+$0xC00];
	v16 =	vadd.s32 v16, v53;
	v20 =	vadd.f32 v21, v20  }
0x323: {  	v55 =	vshll.u32 v50, $0x4;
	v18 =	vld.idx.msk [tilespmem:v18+s19+$0x0], $0xffff  }
0x324: {  	v56 =	vld [tilespmem:s23+$0xC20];
	v15 =	vadd.s32 v15, v55;
	v20 =	vadd.f32 v22, v20  }
0x325: {  	v57 =	vshll.u32 v52, $0x4;
	v17 =	vld.idx.msk [tilespmem:v17+s19+$0x0], $0xffff  }
0x326: {  	v58 =	vld [tilespmem:s23+$0xC40];
	v14 =	vadd.s32 v14, v57;
	v19 =	vadd.f32 v19, v20  }
0x327: {  	v59 =	vshll.u32 v54, $0x4;
	v16 =	vld.idx.msk [tilespmem:v16+s19+$0x0], $0xffff  }
0x328: {  	v60 =	vld [tilespmem:s23+$0xC60];
	v13 =	vadd.s32 v13, v59;
	v18 =	vadd.f32 v18, v19  }
0x329: {  	v61 =	vshll.u32 v56, $0x4;
	v15 =	vld.idx.msk [tilespmem:v15+s19+$0x0], $0xffff  }
0x32a: {  	v12 =	vadd.s32 v12, v61;
	v17 =	vadd.f32 v17, v18  }
0x32b: {  	v62 =	vshll.u32 v58, $0x4;
	v14 =	vld.idx.msk [tilespmem:v14+s19+$0x0], $0xffff  }
0x32c: {  	v11 =	vadd.s32 v11, v62;
	v16 =	vadd.f32 v16, v17  }
0x32d: {  	v63 =	vshll.u32 v60, $0x4;
	v13 =	vld.idx.msk [tilespmem:v13+s19+$0x0], $0xffff  }
0x32e: {  	v10 =	vadd.s32 v10, v63;
	v15 =	vadd.f32 v15, v16  }
0x32f: {  	v12 =	vld.idx.msk [tilespmem:v12+s19+$0x0], $0xffff  }
0x330: {  	v14 =	vadd.f32 v14, v15  }
0x331: {  	v11 =	vld.idx.msk [tilespmem:v11+s19+$0x0], $0xffff  }
0x332: {  	v13 =	vadd.f32 v13, v14  }
0x333: {  	v10 =	vld.idx.msk [tilespmem:v10+s19+$0x0], $0xffff  }
0x334: {  	v12 =	vadd.f32 v12, v13;
	_ =	sdelay $0x1  }
0x335: {  	v11 =	vadd.f32 v11, v12;
	_ =	sdelay $0x1  }
0x336: {  	s22 =	sadd.s32 $0x1, s22;
	v10 =	vadd.f32 v10, v11  }
0x337: {  	p0 =	sne.s32 s22, s11  }
.Ltmp5:
0x338: {  	[tilespmem:$0x7100] =	vst v10;
	(pc) =	sbr.rel @p0 .LBB2_1-.Ltmp5, $4  }
0x339: {  	[hbm4b:s10+s4] =	stream.linear.scatter [tilespmem:s21], [sflag:$0x3], $0x80, $0x38;
	[tilespmem:$0x7180] =	vst v63  }
0x33a: {  	_ =	swait.ge [sflag:s13], $0x80  }
0x33b: {  	[sflag:s13] =	ssyncset.done $0x0  }
0x33c: {  	[sflag:s13] =	ssyncadd.s32 $0xFFFFFF80  }
0x33d: {  	_ =	sfence.sel $0x180000  }
0x33e: {  	[bflag:$0x0] =	sbarrier.arrive $0xFFFF  }
0x33f: {  	p0 =	sne.s32 s3, $0x0;
	_ =	strace $0x90000047  }
0x340: {  	s0 =	sadd.s32 @!p0 $0x100000, s0;
	[bflag:$0x2] =	sbarrier.arrive $0xFFFF  }
0x341: {  	[sflag:s0] =	ssyncadd.tile.s32 @!p0 $0x1;
	_ =	shalt  }
.Lfunc_end2:
_tile_overlayer_lowered:
.L_overlay_start_2:
0x342: {  	(tag) =	ssettag $0x2  }
0x343: {  	s0 =	rddreg [dreg:$0x0];
	s2 =	stileid.u32  }
0x344: {  	s1 =	rddreg [dreg:$0x1];
	p0 =	sne.s32 s2, $0x0  }
0x345: {  	s3 =	rddreg [dreg:$0x2];
	[bflag:$0x3] =	sbarrier.arrive $0xFFFF;
	s2 =	simm.s32 @!p0 $0x1C03  }
0x346: {  	[timem:s3], [sflag:s2] =	dma.local @!p0 [hbm:s0], s1  }
0x347: {  	s0 =	simm.s32 @!p0 $0x3  }
0x348: {  	_ =	swait.ge @!p0 [sflag:s0], s1  }
0x349: {  	s1 =	ssub.s32 @!p0 $0x0, s1;
	[sflag:s0] =	ssyncset.done @!p0 $0x0  }
0x34a: {  	[sflag:s0] =	ssyncadd.s32 @!p0 s1  }
0x34b: {  	[bflag:$0x3] =	sbarrier.arrive $0xFFFF  }
0x34c: {  	_ =	shalt  }

</sc_bundles>
